<compile_context>
chip_gen: v7x
topology: tpu7x:2x2x1
jax: 0.10.2.dev20260603
libtpu: 0.0.44.dev20260713+nightly
codegen_flags: <defaults>
</compile_context>

<pallas_src>
import functools

import jax
import jax.numpy as jnp
from jax import lax
from jax.experimental import pallas as pl
from jax.experimental.pallas import tpu as pltpu
from jax.experimental.pallas import tpu_sc as plsc

N = 100000
E = 3200000
NPAD = 100096
ROWS = 782
SLICE = NPAD // 16
CHUNK = 2000
CHUNK_A = 25000
NC = 2
NS = 16
NW = NC * NS
EPW = E // NW
NT_AB = EPW // CHUNK
NT_A = EPW // CHUNK_A

_mesh = plsc.VectorSubcoreMesh(
    core_axis_name="c", subcore_axis_name="s", num_cores=NC, num_subcores=NS)
_sc_params = pltpu.CompilerParams(needs_layout_passes=False)

_f32 = jnp.float32
_i32 = jnp.int32
_out2 = jax.ShapeDtypeStruct((NC * NPAD,), _f32)
_out4 = jax.ShapeDtypeStruct((2 * NC * NPAD,), _f32)


def _fill_zero(bounce_v):
    z16 = jnp.zeros((16,), _f32)

    def zb(i, _):
        bounce_v[pl.ds(i * 16, 16)] = z16
        return _

    lax.fori_loop(0, SLICE // 16, zb, None)


def _zero_acc(bounce_v, acc_sh, sid):
    _fill_zero(bounce_v)
    pltpu.sync_copy(bounce_v, acc_sh.at[pl.ds(sid * SLICE, SLICE)])


def _write_out(acc_sh, bounce_v, out_hbm, obase, sid):
    pltpu.sync_copy(acc_sh.at[pl.ds(sid * SLICE, SLICE)], bounce_v)
    pltpu.sync_copy(bounce_v, out_hbm.at[pl.ds(obase + sid * SLICE, SLICE)])


@functools.partial(
    pl.kernel,
    out_type=_out2,
    mesh=_mesh,
    compiler_params=_sc_params,
    scratch_types=[
        pltpu.VMEM_SHARED((NPAD,), _f32),
        pltpu.VMEM((SLICE,), _f32),
        pltpu.VMEM((CHUNK_A,), _i32),
        pltpu.VMEM((CHUNK_A,), _i32),
        pltpu.VMEM((CHUNK_A,), _f32),
        pltpu.VMEM((CHUNK_A,), _f32),
        pltpu.SemaphoreType.DMA,
        pltpu.SemaphoreType.DMA,
        pltpu.SemaphoreType.DMA,
        pltpu.SemaphoreType.DMA,
    ],
)
def _sc_degree(col_hbm, w_hbm, out_hbm, acc_sh, bounce_v, col_v0, col_v1,
               w_v0, w_v1, sem0, sem1, ssem0, ssem1):
    cid = lax.axis_index("c")
    sid = lax.axis_index("s")
    wid = sid * NC + cid
    base = wid * EPW
    sems = (sem0, sem1)
    ssems = (ssem0, ssem1)
    col_b = (col_v0, col_v1)
    w_b = (w_v0, w_v1)

    def start(t, b):
        sl = pl.ds(base + t * CHUNK_A, CHUNK_A)
        pltpu.async_copy(col_hbm.at[sl], col_b[b], sems[b])
        pltpu.async_copy(w_hbm.at[sl], w_b[b], sems[b])

    def wait(t, b):
        sl = pl.ds(base + t * CHUNK_A, CHUNK_A)
        pltpu.make_async_copy(col_hbm.at[sl], col_b[b], sems[b]).wait()
        pltpu.make_async_copy(w_hbm.at[sl], w_b[b], sems[b]).wait()

    def scat_wait(b):
        pltpu.make_async_copy(
            w_b[b], acc_sh.at[col_b[b]], ssems[b]).wait()

    _zero_acc(bounce_v, acc_sh, sid)
    plsc.subcore_barrier()

    start(0, 0)

    def body(i, _):
        for b in (0, 1):
            t = 2 * i + b

            def free_and_prefetch():
                start(t + 1, 1 - b)

            if b == 0:
                pl.when(i > 0)(lambda: scat_wait(1))
                free_and_prefetch()
            else:
                scat_wait(0)
                pl.when(i < NT_A // 2 - 1)(free_and_prefetch)
            wait(t, b)
            pltpu.async_copy(w_b[b], acc_sh.at[col_b[b]], ssems[b], add=True)
        return _

    lax.fori_loop(0, NT_A // 2, body, None)
    scat_wait(1)
    plsc.subcore_barrier()
    _write_out(acc_sh, bounce_v, out_hbm, cid * NPAD, sid)


@functools.partial(
    pl.kernel,
    out_type=_out2,
    mesh=_mesh,
    compiler_params=_sc_params,
    scratch_types=[
        pltpu.VMEM_SHARED((NPAD,), _f32),
        pltpu.VMEM((SLICE,), _f32),
        pltpu.VMEM((NPAD,), _f32),
        pltpu.VMEM((CHUNK,), _i32),
        pltpu.VMEM((CHUNK,), _i32),
        pltpu.VMEM((CHUNK,), _i32),
        pltpu.VMEM((CHUNK,), _i32),
        pltpu.VMEM((CHUNK,), _f32),
        pltpu.VMEM((CHUNK,), _f32),
        pltpu.VMEM((CHUNK,), _f32),
        pltpu.VMEM((CHUNK,), _f32),
        pltpu.SemaphoreType.DMA,
        pltpu.SemaphoreType.DMA,
        pltpu.SemaphoreType.DMA,
        pltpu.SemaphoreType.DMA,
    ],
)
def _sc_spmv1(row_hbm, col_hbm, w_hbm, du_hbm, out_hbm,
              acc_sh, bounce_v, tab_v, row_v0, row_v1, col_v0, col_v1,
              w_v0, w_v1, m_v0, m_v1, sem0, sem1, ssem0, ssem1):
    cid = lax.axis_index("c")
    sid = lax.axis_index("s")
    wid = sid * NC + cid
    base = wid * EPW
    sems = (sem0, sem1)
    ssems = (ssem0, ssem1)
    row_b = (row_v0, row_v1)
    col_b = (col_v0, col_v1)
    w_b = (w_v0, w_v1)
    m_b = (m_v0, m_v1)

    def start(t, b):
        sl = pl.ds(base + t * CHUNK, CHUNK)
        pltpu.async_copy(row_hbm.at[sl], row_b[b], sems[b])
        pltpu.async_copy(col_hbm.at[sl], col_b[b], sems[b])
        pltpu.async_copy(w_hbm.at[sl], w_b[b], sems[b])

    def wait(t, b):
        sl = pl.ds(base + t * CHUNK, CHUNK)
        pltpu.make_async_copy(row_hbm.at[sl], row_b[b], sems[b]).wait()
        pltpu.make_async_copy(col_hbm.at[sl], col_b[b], sems[b]).wait()
        pltpu.make_async_copy(w_hbm.at[sl], w_b[b], sems[b]).wait()

    def scat_wait(b):
        pltpu.make_async_copy(
            m_b[b], acc_sh.at[col_b[b]], ssems[b]).wait()

    def gather_mul(b):
        rv, wv, mv = row_b[b], w_b[b], m_b[b]

        @plsc.parallel_loop(0, CHUNK, 16, unroll=8)
        def gbody(i):
            sl = pl.ds(i, 16)
            t16 = plsc.load_gather(tab_v, [rv[sl]])
            mv[sl] = wv[sl] * t16

    start(0, 0)
    _zero_acc(bounce_v, acc_sh, sid)
    pltpu.sync_copy(du_hbm.at[pl.ds(NPAD, NPAD)], tab_v)
    plsc.subcore_barrier()

    def body(i, _):
        for b in (0, 1):
            t = 2 * i + b

            def free_and_prefetch():
                start(t + 1, 1 - b)

            if b == 0:
                pl.when(i > 0)(lambda: scat_wait(1))
                free_and_prefetch()
            else:
                scat_wait(0)
                pl.when(i < NT_AB // 2 - 1)(free_and_prefetch)
            wait(t, b)
            gather_mul(b)
            pltpu.async_copy(m_b[b], acc_sh.at[col_b[b]], ssems[b], add=True)
        return _

    lax.fori_loop(0, NT_AB // 2, body, None)
    scat_wait(1)
    plsc.subcore_barrier()
    _write_out(acc_sh, bounce_v, out_hbm, cid * NPAD, sid)


@functools.partial(
    pl.kernel,
    out_type=_out4,
    mesh=_mesh,
    compiler_params=_sc_params,
    scratch_types=[
        pltpu.VMEM_SHARED((NPAD,), _f32),
        pltpu.VMEM_SHARED((NPAD,), _f32),
        pltpu.VMEM((NPAD,), _i32),
        pltpu.VMEM((CHUNK,), _i32),
        pltpu.VMEM((CHUNK,), _i32),
        pltpu.VMEM((CHUNK,), _i32),
        pltpu.VMEM((CHUNK,), _i32),
        pltpu.VMEM((CHUNK,), _f32),
        pltpu.VMEM((CHUNK,), _f32),
        pltpu.VMEM((CHUNK,), _f32),
        pltpu.VMEM((CHUNK,), _f32),
        pltpu.SemaphoreType.DMA,
        pltpu.SemaphoreType.DMA,
        pltpu.SemaphoreType.DMA,
    ],
)
def _sc_spmv2(row_hbm, col_hbm, w_hbm, vpk_hbm, out_hbm,
              acc0_sh, acc1_sh, tab_v, row_v0, row_v1,
              col_v0, col_v1, w_v0, w_v1, m0_v, m1_v,
              sem0, sem1, ssem):
    cid = lax.axis_index("c")
    sid = lax.axis_index("s")
    wid = sid * NC + cid
    base = wid * EPW
    sems = (sem0, sem1)
    row_b = (row_v0, row_v1)
    col_b = (col_v0, col_v1)
    w_b = (w_v0, w_v1)

    def start(t, b):
        sl = pl.ds(base + t * CHUNK, CHUNK)
        pltpu.async_copy(row_hbm.at[sl], row_b[b], sems[b])
        pltpu.async_copy(col_hbm.at[sl], col_b[b], sems[b])
        pltpu.async_copy(w_hbm.at[sl], w_b[b], sems[b])

    def wait(t, b):
        sl = pl.ds(base + t * CHUNK, CHUNK)
        pltpu.make_async_copy(row_hbm.at[sl], row_b[b], sems[b]).wait()
        pltpu.make_async_copy(col_hbm.at[sl], col_b[b], sems[b]).wait()
        pltpu.make_async_copy(w_hbm.at[sl], w_b[b], sems[b]).wait()

    hi_mask = jnp.full((16,), -65536, _i32)

    def gather_mul(b):
        rv, wv, m0v, m1v = row_b[b], w_b[b], m0_v, m1_v

        @plsc.parallel_loop(0, CHUNK, 16, unroll=8)
        def gbody(i):
            sl = pl.ds(i, 16)
            pk = plsc.load_gather(tab_v, [rv[sl]])
            v0 = plsc.bitcast(pk & hi_mask, _f32)
            v1 = plsc.bitcast(pk << 16, _f32)
            w16 = wv[sl]
            m0v[sl] = w16 * v0
            m1v[sl] = w16 * v1

    start(0, 0)
    z16 = jnp.zeros((16,), _f32)

    def zb(i, _):
        m0_v[pl.ds(i * 16, 16)] = z16
        return _

    lax.fori_loop(0, CHUNK // 16, zb, None)
    zbase = sid * SLICE
    for acc in (acc0_sh, acc1_sh):
        for k in range(3):
            pltpu.sync_copy(m0_v, acc.at[pl.ds(zbase + k * 2000, 2000)])
        pltpu.sync_copy(m0_v.at[pl.ds(0, 256)],
                        acc.at[pl.ds(zbase + 6000, 256)])
    pltpu.sync_copy(vpk_hbm, tab_v)
    plsc.subcore_barrier()

    def scat0_wait(b):
        pltpu.make_async_copy(m0_v, acc0_sh.at[col_b[b]], ssem).wait()

    def body(i, _):
        for b in (0, 1):
            t = 2 * i + b

            def prefetch():
                start(t + 1, 1 - b)

            if b == 0:
                pl.when(i > 0)(lambda: scat0_wait(1))
                prefetch()
            else:
                scat0_wait(0)
                pl.when(i < NT_AB // 2 - 1)(prefetch)
            wait(t, b)
            gather_mul(b)
            pltpu.async_copy(m0_v, acc0_sh.at[col_b[b]], ssem, add=True)
            pltpu.sync_copy(m1_v, acc1_sh.at[col_b[b]], add=True)
        return _

    lax.fori_loop(0, NT_AB // 2, body, None)
    scat0_wait(1)
    plsc.subcore_barrier()
    for f, acc in ((0, acc0_sh), (1, acc1_sh)):
        obase = cid * 2 * NPAD + f * NPAD + sid * SLICE
        for k in range(3):
            pltpu.sync_copy(acc.at[pl.ds(zbase + k * 2000, 2000)], m0_v)
            pltpu.sync_copy(m0_v, out_hbm.at[pl.ds(obase + k * 2000, 2000)])
        pltpu.sync_copy(acc.at[pl.ds(zbase + 6000, 256)],
                        m0_v.at[pl.ds(0, 256)])
        pltpu.sync_copy(m0_v.at[pl.ds(0, 256)],
                        out_hbm.at[pl.ds(obase + 6000, 256)])


def _tc1_body(deg, xr, du):
    d0 = deg[0:ROWS, :]
    d1 = deg[ROWS:2 * ROWS, :]
    dd = lax.rsqrt(d0 + d1 + 1.0)
    du[0:ROWS, :] = dd
    du[ROWS:2 * ROWS, :] = dd * xr[...]


def _tc2_body(accb, du, w1, b1, w2, v_out, vpk_out):
    a0 = accb[0:ROWS, :]
    a1 = accb[ROWS:2 * ROWS, :]
    d = du[0:ROWS, :]
    u = du[ROWS:2 * ROWS, :]
    y = d * (a0 + a1 + u)
    z0 = jnp.zeros_like(y)
    z1 = jnp.zeros_like(y)
    for j in range(16):
        h = jnp.maximum(y * w1[0, j] + b1[j], 0.0)
        z0 = z0 + h * w2[j, 0]
        z1 = z1 + h * w2[j, 1]
    v0 = d * z0
    v1 = d * z1
    v_out[0:ROWS, :] = v0
    v_out[ROWS:2 * ROWS, :] = v1
    hi = lax.bitcast_convert_type(
        v0.astype(jnp.bfloat16), jnp.uint16).astype(jnp.uint32) << 16
    lo = lax.bitcast_convert_type(
        v1.astype(jnp.bfloat16), jnp.uint16).astype(jnp.uint32)
    vpk_out[...] = lax.bitcast_convert_type(hi | lo, _i32)


def _tc3_body(accc, v, du, b2, o0, o1):
    a00 = accc[0:ROWS, :]
    a10 = accc[ROWS:2 * ROWS, :]
    a01 = accc[2 * ROWS:3 * ROWS, :]
    a11 = accc[3 * ROWS:4 * ROWS, :]
    v0 = v[0:ROWS, :]
    v1 = v[ROWS:2 * ROWS, :]
    d = du[0:ROWS, :]
    q0 = d * (a00 + a01 + v0) + b2[0]
    q1 = d * (a10 + a11 + v1) + b2[1]
    m = jnp.maximum(q0, q1)
    lz = m + jnp.log(jnp.exp(q0 - m) + jnp.exp(q1 - m))
    o0[...] = q0 - lz
    o1[...] = q1 - lz


_vspec = pl.BlockSpec(memory_space=pltpu.VMEM)
_smem_spec = pl.BlockSpec(memory_space=pltpu.SMEM)


def _sds(rows, dtype=_f32):
    return jax.ShapeDtypeStruct((rows, 128), dtype)


def kernel(x, edge_index, edge_weight, W1, b1, W2, b2):
    rowe = edge_index[0]
    cole = edge_index[1]
    we = edge_weight
    xp = jnp.pad(x[:, 0], (0, NPAD - N)).reshape(ROWS, 128)

    deg = _sc_degree(cole, we)

    du = pl.pallas_call(
        _tc1_body,
        in_specs=[_vspec, _vspec],
        out_specs=_vspec,
        out_shape=_sds(2 * ROWS),
    )(deg.reshape(2 * ROWS, 128), xp)

    accB = _sc_spmv1(rowe, cole, we, du.reshape(NC * NPAD))

    v, vpk = pl.pallas_call(
        _tc2_body,
        in_specs=[_vspec, _vspec, _smem_spec, _smem_spec, _smem_spec],
        out_specs=[_vspec, _vspec],
        out_shape=[_sds(2 * ROWS), _sds(ROWS, _i32)],
    )(accB.reshape(2 * ROWS, 128), du, W1, b1, W2)

    accC = _sc_spmv2(rowe, cole, we, vpk.reshape(NPAD))

    o0, o1 = pl.pallas_call(
        _tc3_body,
        in_specs=[_vspec, _vspec, _vspec, _smem_spec],
        out_specs=[_vspec, _vspec],
        out_shape=[_sds(ROWS), _sds(ROWS)],
    )(accC.reshape(4 * ROWS, 128), v, du, b2)

    return jnp.stack([o0.reshape(NPAD)[:N], o1.reshape(NPAD)[:N]], axis=1)

# --- scband reference (transcript-rebuilt; emitter-appended) ---
"""Pipeline reference for scband-net-53747220742790 (READ-ONLY COPY).

The authoritative reference and input builder live on the scoring server;
editing this copy changes nothing except your own understanding.
"""

import jax, jax.numpy as jnp
import numpy as np

N = 100000
E = 3200000


def gcn_conv(x, edge_index, edge_weight, W, b):
    # linear transform
    h = x @ W
    # add self loops with weight 1 (GCNConv default)
    loop = jnp.arange(N, dtype=edge_index.dtype)
    row = jnp.concatenate([edge_index[0], loop])
    col = jnp.concatenate([edge_index[1], loop])
    w = jnp.concatenate([edge_weight, jnp.ones((N,), dtype=x.dtype)])
    # symmetric normalization: deg computed on destination (col) as in PyG
    deg = jax.ops.segment_sum(w, col, num_segments=N)
    deg_inv_sqrt = jnp.where(deg > 0, jax.lax.rsqrt(jnp.maximum(deg, 1e-12)), 0.0)
    norm = deg_inv_sqrt[row] * w * deg_inv_sqrt[col]
    # message passing: gather from source (row), scatter-add to destination (col)
    msg = h[row] * norm[:, None]
    out = jax.ops.segment_sum(msg, col, num_segments=N)
    return out + b


def setup_inputs(seed: int = 0) -> dict:
    key = jax.random.key(seed)
    ks = jax.random.split(key, 7)
    x = jax.random.normal(ks[0], (N, 1), dtype=jnp.float32)
    edge_index = jax.random.randint(ks[1], (2, E), 0, N, dtype=jnp.int32)
    edge_weight = jax.random.uniform(ks[2], (E,), dtype=jnp.float32)
    # GCNConv(1, 16) params (glorot init)
    W1 = jax.random.normal(ks[3], (1, 16), dtype=jnp.float32) * np.sqrt(2.0 / (1 + 16))
    b1 = jnp.zeros((16,), dtype=jnp.float32)
    # GCNConv(16, 2) params
    W2 = jax.random.normal(ks[4], (16, 2), dtype=jnp.float32) * np.sqrt(2.0 / (16 + 2))
    b2 = jnp.zeros((2,), dtype=jnp.float32)
    return {"x": x, "edge_index": edge_index, "edge_weight": edge_weight,
            "W1": W1, "b1": b1, "W2": W2, "b2": b2}


def reference(x, edge_index, edge_weight, W1, b1, W2, b2):
    h = jax.nn.relu(gcn_conv(x, edge_index, edge_weight, W1, b1))
    # F.dropout with training=False is identity (module evaluated in eval mode)
    h = gcn_conv(h, edge_index, edge_weight, W2, b2)
    return jax.nn.log_softmax(h, axis=1)

if __name__ == "__main__":
    import jax
    _d = setup_inputs()
    print(jax.jit(kernel)(*tuple(_d.values())))

</pallas_src>

<mosaic_0001>
#map = affine_map<(d0, d1) -> (0)>
module attributes {stable_mosaic.version = 14 : i64} {
  func.func @_sc_degree(%arg0: i32, %arg1: i32, %arg2: memref<3200000xi32, #tpu.memory_space<hbm>>, %arg3: memref<3200000xf32, #tpu.memory_space<hbm>>, %arg4: memref<200192xf32, #tpu.memory_space<hbm>>, %arg5: memref<100096xf32, #tpu.memory_space<vmem_shared>>, %arg6: memref<6256xf32, #tpu.memory_space<vmem>>, %arg7: memref<25000xi32, #tpu.memory_space<vmem>>, %arg8: memref<25000xi32, #tpu.memory_space<vmem>>, %arg9: memref<25000xf32, #tpu.memory_space<vmem>>, %arg10: memref<25000xf32, #tpu.memory_space<vmem>>, %arg11: memref<!tpu.dma_semaphore, #tpu.memory_space<semaphore_mem>>, %arg12: memref<!tpu.dma_semaphore, #tpu.memory_space<semaphore_mem>>, %arg13: memref<!tpu.dma_semaphore, #tpu.memory_space<semaphore_mem>>, %arg14: memref<!tpu.dma_semaphore, #tpu.memory_space<semaphore_mem>>) attributes {dimension_semantics = [#tpu.dimension_semantics<core_parallel>, #tpu.dimension_semantics<subcore_parallel>], iteration_bounds = array<i64: 2, 16>, scalar_prefetch = 0 : i64, scratch_operands = 10 : i64, tpu.core_type = #tpu.core_type<sc_vector_subcore>, window_params = [{transform_indices = #map}, {transform_indices = #map}, {transform_indices = #map}]} {
    %mul3A = arith.constant 2 : i32
    %mul3A_0 = arith.muli %arg1, %mul3A : i32
    %add3A = arith.addi %mul3A_0, %arg0 : i32
    %mul3A_1 = arith.constant 100000 : i32
    %mul3A_2 = arith.muli %add3A, %mul3A_1 : i32
    %broadcast_in_dim3A = arith.constant 0.000000e+00 : f32
    %broadcast_in_dim3A_3 = vector.broadcast %broadcast_in_dim3A : f32 to vector<16xf32>
    %scan3A = arith.constant 0 : i32
    %scan3A_4 = arith.constant 391 : i32
    %scan3A_5 = arith.addi %scan3A, %scan3A_4 : i32
    %scan3A_6 = arith.constant 1 : i32
    scf.for %scan3A_29 = %scan3A to %scan3A_5 step %scan3A_6  : i32 {
      %mul3A_30 = arith.constant 16 : i32
      %mul3A_31 = arith.muli %scan3A_29, %mul3A_30 : i32
      %swap3A = arith.index_cast %mul3A_31 : i32 to index
      %swap3A_32 = tpu.vector_load %arg6[%swap3A] {strides = array<i32>} : memref<6256xf32, #tpu.memory_space<vmem>>, vector<16xf32>,
      tpu.vector_store %arg6[%swap3A], %broadcast_in_dim3A_3 {strides = array<i32>} : memref<6256xf32, #tpu.memory_space<vmem>>, vector<16xf32>,
    }
    %scan3A_7 = arith.constant 391 : i32
    %mul3A_8 = arith.constant 6256 : i32
    %mul3A_9 = arith.muli %arg1, %mul3A_8 : i32
    "tpu.region"() ({
      %run_scoped3A = tpu.sem_alloc : memref<!tpu.dma_semaphore, #tpu.memory_space<semaphore_mem>>
      %dma_start3A_29 = tpu.memref_slice %arg5[%mul3A_9] : memref<100096xf32, #tpu.memory_space<vmem_shared>> -> memref<6256xf32, #tpu.memory_space<vmem_shared>>
      %dma_start3A_30 = tpu.memref_slice %arg5[%mul3A_9] : memref<100096xf32, #tpu.memory_space<vmem_shared>> -> memref<6256xf32, #tpu.memory_space<vmem_shared>>
      tpu.enqueue_dma source(%arg6 : memref<6256xf32, #tpu.memory_space<vmem>>) target(%dma_start3A_30 : memref<6256xf32, #tpu.memory_space<vmem_shared>>) target_semaphore(%run_scoped3A : memref<!tpu.dma_semaphore, #tpu.memory_space<semaphore_mem>>)
      %dma_wait3A_31 = tpu.memref_slice %arg5[%mul3A_9] : memref<100096xf32, #tpu.memory_space<vmem_shared>> -> memref<6256xf32, #tpu.memory_space<vmem_shared>>
      %dma_wait3A_32 = tpu.memref_slice %arg5[%mul3A_9] : memref<100096xf32, #tpu.memory_space<vmem_shared>> -> memref<6256xf32, #tpu.memory_space<vmem_shared>>
      tpu.wait_dma2 semaphore(%run_scoped3A : memref<!tpu.dma_semaphore, #tpu.memory_space<semaphore_mem>>) src(%arg6 : memref<6256xf32, #tpu.memory_space<vmem>>) dst(%dma_wait3A_32 : memref<6256xf32, #tpu.memory_space<vmem_shared>>)
      tpu.yield
    }) : () -> ()
    %barrier3A = arith.constant 0 : index
    tpu.barrier barrier_id(%barrier3A)
    %add3A_10 = arith.constant 0 : i32
    %add3A_11 = arith.addi %mul3A_2, %add3A_10 : i32
    %dma_start3A = tpu.memref_slice %arg2[%add3A_11] : memref<3200000xi32, #tpu.memory_space<hbm>> -> memref<25000xi32, #tpu.memory_space<hbm>>
    %dma_start3A_12 = tpu.memref_slice %arg2[%add3A_11] : memref<3200000xi32, #tpu.memory_space<hbm>> -> memref<25000xi32, #tpu.memory_space<hbm>>
    tpu.enqueue_dma source(%dma_start3A_12 : memref<25000xi32, #tpu.memory_space<hbm>>) target(%arg7 : memref<25000xi32, #tpu.memory_space<vmem>>) target_semaphore(%arg11 : memref<!tpu.dma_semaphore, #tpu.memory_space<semaphore_mem>>)
    %dma_start3A_13 = tpu.memref_slice %arg3[%add3A_11] : memref<3200000xf32, #tpu.memory_space<hbm>> -> memref<25000xf32, #tpu.memory_space<hbm>>
    %dma_start3A_14 = tpu.memref_slice %arg3[%add3A_11] : memref<3200000xf32, #tpu.memory_space<hbm>> -> memref<25000xf32, #tpu.memory_space<hbm>>
    tpu.enqueue_dma source(%dma_start3A_14 : memref<25000xf32, #tpu.memory_space<hbm>>) target(%arg9 : memref<25000xf32, #tpu.memory_space<vmem>>) target_semaphore(%arg11 : memref<!tpu.dma_semaphore, #tpu.memory_space<semaphore_mem>>)
    %scan3A_15 = arith.constant 0 : i32
    %scan3A_16 = arith.constant 2 : i32
    %scan3A_17 = arith.addi %scan3A_15, %scan3A_16 : i32
    %scan3A_18 = arith.constant 1 : i32
    scf.for %scan3A_29 = %scan3A_15 to %scan3A_17 step %scan3A_18  : i32 {
      %mul3A_30 = arith.constant 2 : i32
      %mul3A_31 = arith.muli %mul3A_30, %scan3A_29 : i32
      %add3A_32 = arith.constant 0 : i32
      %add3A_33 = arith.addi %mul3A_31, %add3A_32 : i32
      %gt3A = arith.constant 0 : i32
      %gt3A_34 = arith.cmpi sgt, %scan3A_29, %gt3A : i32
      %convert_element_type3A = arith.extui %gt3A_34 : i1 to i32
      %cond3A = arith.constant 0 : i32
      %cond3A_35 = arith.cmpi ne, %convert_element_type3A, %cond3A : i32
      scf.if %cond3A_35 {
        %dma_wait3A_73 = arith.constant 0 : i32
        %dma_wait3A_74 = tpu.memref_slice %arg5[%dma_wait3A_73] : memref<100096xf32, #tpu.memory_space<vmem_shared>> -> memref<100096xf32, #tpu.memory_space<vmem_shared>>
        tpu.wait_indirect_dma semaphore(%arg14 : memref<!tpu.dma_semaphore, #tpu.memory_space<semaphore_mem>>) src(%arg10 : memref<25000xf32, #tpu.memory_space<vmem>>) dst(%dma_wait3A_74 : memref<100096xf32, #tpu.memory_space<vmem_shared>>)
      } else {
      }
      %add3A_36 = arith.constant 1 : i32
      %add3A_37 = arith.addi %add3A_33, %add3A_36 : i32
      %mul3A_38 = arith.constant 25000 : i32
      %mul3A_39 = arith.muli %add3A_37, %mul3A_38 : i32
      %add3A_40 = arith.addi %mul3A_2, %mul3A_39 : i32
      %dma_start3A_41 = tpu.memref_slice %arg2[%add3A_40] : memref<3200000xi32, #tpu.memory_space<hbm>> -> memref<25000xi32, #tpu.memory_space<hbm>>
      %dma_start3A_42 = tpu.memref_slice %arg2[%add3A_40] : memref<3200000xi32, #tpu.memory_space<hbm>> -> memref<25000xi32, #tpu.memory_space<hbm>>
      tpu.enqueue_dma source(%dma_start3A_42 : memref<25000xi32, #tpu.memory_space<hbm>>) target(%arg8 : memref<25000xi32, #tpu.memory_space<vmem>>) target_semaphore(%arg12 : memref<!tpu.dma_semaphore, #tpu.memory_space<semaphore_mem>>)
      %dma_start3A_43 = tpu.memref_slice %arg3[%add3A_40] : memref<3200000xf32, #tpu.memory_space<hbm>> -> memref<25000xf32, #tpu.memory_space<hbm>>
      %dma_start3A_44 = tpu.memref_slice %arg3[%add3A_40] : memref<3200000xf32, #tpu.memory_space<hbm>> -> memref<25000xf32, #tpu.memory_space<hbm>>
      tpu.enqueue_dma source(%dma_start3A_44 : memref<25000xf32, #tpu.memory_space<hbm>>) target(%arg10 : memref<25000xf32, #tpu.memory_space<vmem>>) target_semaphore(%arg12 : memref<!tpu.dma_semaphore, #tpu.memory_space<semaphore_mem>>)
      %mul3A_45 = arith.constant 25000 : i32
      %mul3A_46 = arith.muli %add3A_33, %mul3A_45 : i32
      %add3A_47 = arith.addi %mul3A_2, %mul3A_46 : i32
      %dma_wait3A_48 = tpu.memref_slice %arg2[%add3A_47] : memref<3200000xi32, #tpu.memory_space<hbm>> -> memref<25000xi32, #tpu.memory_space<hbm>>
      %dma_wait3A_49 = tpu.memref_slice %arg2[%add3A_47] : memref<3200000xi32, #tpu.memory_space<hbm>> -> memref<25000xi32, #tpu.memory_space<hbm>>
      tpu.wait_dma2 semaphore(%arg11 : memref<!tpu.dma_semaphore, #tpu.memory_space<semaphore_mem>>) src(%dma_wait3A_49 : memref<25000xi32, #tpu.memory_space<hbm>>) dst(%arg7 : memref<25000xi32, #tpu.memory_space<vmem>>)
      %dma_wait3A_50 = tpu.memref_slice %arg3[%add3A_47] : memref<3200000xf32, #tpu.memory_space<hbm>> -> memref<25000xf32, #tpu.memory_space<hbm>>
      %dma_wait3A_51 = tpu.memref_slice %arg3[%add3A_47] : memref<3200000xf32, #tpu.memory_space<hbm>> -> memref<25000xf32, #tpu.memory_space<hbm>>
      tpu.wait_dma2 semaphore(%arg11 : memref<!tpu.dma_semaphore, #tpu.memory_space<semaphore_mem>>) src(%dma_wait3A_51 : memref<25000xf32, #tpu.memory_space<hbm>>) dst(%arg9 : memref<25000xf32, #tpu.memory_space<vmem>>)
      %dma_start3A_52 = arith.constant 0 : i32
      %dma_start3A_53 = tpu.memref_slice %arg5[%dma_start3A_52] : memref<100096xf32, #tpu.memory_space<vmem_shared>> -> memref<100096xf32, #tpu.memory_space<vmem_shared>>
      tpu.enqueue_indirect_dma source(%arg9 : memref<25000xf32, #tpu.memory_space<vmem>>) target(%dma_start3A_53 : memref<100096xf32, #tpu.memory_space<vmem_shared>>) offsets(%arg7 : memref<25000xi32, #tpu.memory_space<vmem>>) semaphore(%arg13 : memref<!tpu.dma_semaphore, #tpu.memory_space<semaphore_mem>>) {add = true}
      %mul3A_54 = arith.constant 2 : i32
      %mul3A_55 = arith.muli %mul3A_54, %scan3A_29 : i32
      %add3A_56 = arith.constant 1 : i32
      %add3A_57 = arith.addi %mul3A_55, %add3A_56 : i32
      %dma_wait3A_58 = arith.constant 0 : i32
      %dma_wait3A_59 = tpu.memref_slice %arg5[%dma_wait3A_58] : memref<100096xf32, #tpu.memory_space<vmem_shared>> -> memref<100096xf32, #tpu.memory_space<vmem_shared>>
      tpu.wait_indirect_dma semaphore(%arg13 : memref<!tpu.dma_semaphore, #tpu.memory_space<semaphore_mem>>) src(%arg9 : memref<25000xf32, #tpu.memory_space<vmem>>) dst(%dma_wait3A_59 : memref<100096xf32, #tpu.memory_space<vmem_shared>>)
      %lt3A = arith.constant 1 : i32
      %lt3A_60 = arith.cmpi slt, %scan3A_29, %lt3A : i32
      %convert_element_type3A_61 = arith.extui %lt3A_60 : i1 to i32
      %cond3A_62 = arith.constant 0 : i32
      %cond3A_63 = arith.cmpi ne, %convert_element_type3A_61, %cond3A_62 : i32
      scf.if %cond3A_63 {
        %add3A_73 = arith.constant 1 : i32
        %add3A_74 = arith.addi %add3A_57, %add3A_73 : i32
        %mul3A_75 = arith.constant 25000 : i32
        %mul3A_76 = arith.muli %add3A_74, %mul3A_75 : i32
        %add3A_77 = arith.addi %mul3A_2, %mul3A_76 : i32
        %dma_start3A_78 = tpu.memref_slice %arg2[%add3A_77] : memref<3200000xi32, #tpu.memory_space<hbm>> -> memref<25000xi32, #tpu.memory_space<hbm>>
        %dma_start3A_79 = tpu.memref_slice %arg2[%add3A_77] : memref<3200000xi32, #tpu.memory_space<hbm>> -> memref<25000xi32, #tpu.memory_space<hbm>>
        tpu.enqueue_dma source(%dma_start3A_79 : memref<25000xi32, #tpu.memory_space<hbm>>) target(%arg7 : memref<25000xi32, #tpu.memory_space<vmem>>) target_semaphore(%arg11 : memref<!tpu.dma_semaphore, #tpu.memory_space<semaphore_mem>>)
        %dma_start3A_80 = tpu.memref_slice %arg3[%add3A_77] : memref<3200000xf32, #tpu.memory_space<hbm>> -> memref<25000xf32, #tpu.memory_space<hbm>>
        %dma_start3A_81 = tpu.memref_slice %arg3[%add3A_77] : memref<3200000xf32, #tpu.memory_space<hbm>> -> memref<25000xf32, #tpu.memory_space<hbm>>
        tpu.enqueue_dma source(%dma_start3A_81 : memref<25000xf32, #tpu.memory_space<hbm>>) target(%arg9 : memref<25000xf32, #tpu.memory_space<vmem>>) target_semaphore(%arg11 : memref<!tpu.dma_semaphore, #tpu.memory_space<semaphore_mem>>)
      } else {
      }
      %mul3A_64 = arith.constant 25000 : i32
      %mul3A_65 = arith.muli %add3A_57, %mul3A_64 : i32
      %add3A_66 = arith.addi %mul3A_2, %mul3A_65 : i32
      %dma_wait3A_67 = tpu.memref_slice %arg2[%add3A_66] : memref<3200000xi32, #tpu.memory_space<hbm>> -> memref<25000xi32, #tpu.memory_space<hbm>>
      %dma_wait3A_68 = tpu.memref_slice %arg2[%add3A_66] : memref<3200000xi32, #tpu.memory_space<hbm>> -> memref<25000xi32, #tpu.memory_space<hbm>>
      tpu.wait_dma2 semaphore(%arg12 : memref<!tpu.dma_semaphore, #tpu.memory_space<semaphore_mem>>) src(%dma_wait3A_68 : memref<25000xi32, #tpu.memory_space<hbm>>) dst(%arg8 : memref<25000xi32, #tpu.memory_space<vmem>>)
      %dma_wait3A_69 = tpu.memref_slice %arg3[%add3A_66] : memref<3200000xf32, #tpu.memory_space<hbm>> -> memref<25000xf32, #tpu.memory_space<hbm>>
      %dma_wait3A_70 = tpu.memref_slice %arg3[%add3A_66] : memref<3200000xf32, #tpu.memory_space<hbm>> -> memref<25000xf32, #tpu.memory_space<hbm>>
      tpu.wait_dma2 semaphore(%arg12 : memref<!tpu.dma_semaphore, #tpu.memory_space<semaphore_mem>>) src(%dma_wait3A_70 : memref<25000xf32, #tpu.memory_space<hbm>>) dst(%arg10 : memref<25000xf32, #tpu.memory_space<vmem>>)
      %dma_start3A_71 = arith.constant 0 : i32
      %dma_start3A_72 = tpu.memref_slice %arg5[%dma_start3A_71] : memref<100096xf32, #tpu.memory_space<vmem_shared>> -> memref<100096xf32, #tpu.memory_space<vmem_shared>>
      tpu.enqueue_indirect_dma source(%arg10 : memref<25000xf32, #tpu.memory_space<vmem>>) target(%dma_start3A_72 : memref<100096xf32, #tpu.memory_space<vmem_shared>>) offsets(%arg8 : memref<25000xi32, #tpu.memory_space<vmem>>) semaphore(%arg14 : memref<!tpu.dma_semaphore, #tpu.memory_space<semaphore_mem>>) {add = true}
    }
    %scan3A_19 = arith.constant 2 : i32
    %dma_wait3A = arith.constant 0 : i32
    %dma_wait3A_20 = tpu.memref_slice %arg5[%dma_wait3A] : memref<100096xf32, #tpu.memory_space<vmem_shared>> -> memref<100096xf32, #tpu.memory_space<vmem_shared>>
    tpu.wait_indirect_dma semaphore(%arg14 : memref<!tpu.dma_semaphore, #tpu.memory_space<semaphore_mem>>) src(%arg10 : memref<25000xf32, #tpu.memory_space<vmem>>) dst(%dma_wait3A_20 : memref<100096xf32, #tpu.memory_space<vmem_shared>>)
    %barrier3A_21 = arith.constant 0 : index
    tpu.barrier barrier_id(%barrier3A_21)
    %mul3A_22 = arith.constant 100096 : i32
    %mul3A_23 = arith.muli %arg0, %mul3A_22 : i32
    %mul3A_24 = arith.constant 6256 : i32
    %mul3A_25 = arith.muli %arg1, %mul3A_24 : i32
    "tpu.region"() ({
      %run_scoped3A = tpu.sem_alloc : memref<!tpu.dma_semaphore, #tpu.memory_space<semaphore_mem>>
      %dma_start3A_29 = tpu.memref_slice %arg5[%mul3A_25] : memref<100096xf32, #tpu.memory_space<vmem_shared>> -> memref<6256xf32, #tpu.memory_space<vmem_shared>>
      %dma_start3A_30 = tpu.memref_slice %arg5[%mul3A_25] : memref<100096xf32, #tpu.memory_space<vmem_shared>> -> memref<6256xf32, #tpu.memory_space<vmem_shared>>
      tpu.enqueue_dma source(%dma_start3A_30 : memref<6256xf32, #tpu.memory_space<vmem_shared>>) target(%arg6 : memref<6256xf32, #tpu.memory_space<vmem>>) target_semaphore(%run_scoped3A : memref<!tpu.dma_semaphore, #tpu.memory_space<semaphore_mem>>)
      %dma_wait3A_31 = tpu.memref_slice %arg5[%mul3A_25] : memref<100096xf32, #tpu.memory_space<vmem_shared>> -> memref<6256xf32, #tpu.memory_space<vmem_shared>>
      %dma_wait3A_32 = tpu.memref_slice %arg5[%mul3A_25] : memref<100096xf32, #tpu.memory_space<vmem_shared>> -> memref<6256xf32, #tpu.memory_space<vmem_shared>>
      tpu.wait_dma2 semaphore(%run_scoped3A : memref<!tpu.dma_semaphore, #tpu.memory_space<semaphore_mem>>) src(%dma_wait3A_32 : memref<6256xf32, #tpu.memory_space<vmem_shared>>) dst(%arg6 : memref<6256xf32, #tpu.memory_space<vmem>>)
      tpu.yield
    }) : () -> ()
    %mul3A_26 = arith.constant 6256 : i32
    %mul3A_27 = arith.muli %arg1, %mul3A_26 : i32
    %add3A_28 = arith.addi %mul3A_23, %mul3A_27 : i32
    "tpu.region"() ({
      %run_scoped3A = tpu.sem_alloc : memref<!tpu.dma_semaphore, #tpu.memory_space<semaphore_mem>>
      %dma_start3A_29 = tpu.memref_slice %arg4[%add3A_28] : memref<200192xf32, #tpu.memory_space<hbm>> -> memref<6256xf32, #tpu.memory_space<hbm>>
      %dma_start3A_30 = tpu.memref_slice %arg4[%add3A_28] : memref<200192xf32, #tpu.memory_space<hbm>> -> memref<6256xf32, #tpu.memory_space<hbm>>
      tpu.enqueue_dma source(%arg6 : memref<6256xf32, #tpu.memory_space<vmem>>) target(%dma_start3A_30 : memref<6256xf32, #tpu.memory_space<hbm>>) target_semaphore(%run_scoped3A : memref<!tpu.dma_semaphore, #tpu.memory_space<semaphore_mem>>)
      %dma_wait3A_31 = tpu.memref_slice %arg4[%add3A_28] : memref<200192xf32, #tpu.memory_space<hbm>> -> memref<6256xf32, #tpu.memory_space<hbm>>
      %dma_wait3A_32 = tpu.memref_slice %arg4[%add3A_28] : memref<200192xf32, #tpu.memory_space<hbm>> -> memref<6256xf32, #tpu.memory_space<hbm>>
      tpu.wait_dma2 semaphore(%run_scoped3A : memref<!tpu.dma_semaphore, #tpu.memory_space<semaphore_mem>>) src(%arg6 : memref<6256xf32, #tpu.memory_space<vmem>>) dst(%dma_wait3A_32 : memref<6256xf32, #tpu.memory_space<hbm>>)
      tpu.yield
    }) : () -> ()
    return
  }
}

#map = affine_map<(d0, d1) -> (0)>
module attributes {stable_mosaic.version = 14 : i64} {
  func.func @_sc_spmv2(%arg0: i32, %arg1: i32, %arg2: memref<3200000xi32, #tpu.memory_space<hbm>>, %arg3: memref<3200000xi32, #tpu.memory_space<hbm>>, %arg4: memref<3200000xf32, #tpu.memory_space<hbm>>, %arg5: memref<100096xi32, #tpu.memory_space<hbm>>, %arg6: memref<400384xf32, #tpu.memory_space<hbm>>, %arg7: memref<100096xf32, #tpu.memory_space<vmem_shared>>, %arg8: memref<100096xf32, #tpu.memory_space<vmem_shared>>, %arg9: memref<100096xi32, #tpu.memory_space<vmem>>, %arg10: memref<2000xi32, #tpu.memory_space<vmem>>, %arg11: memref<2000xi32, #tpu.memory_space<vmem>>, %arg12: memref<2000xi32, #tpu.memory_space<vmem>>, %arg13: memref<2000xi32, #tpu.memory_space<vmem>>, %arg14: memref<2000xf32, #tpu.memory_space<vmem>>, %arg15: memref<2000xf32, #tpu.memory_space<vmem>>, %arg16: memref<2000xf32, #tpu.memory_space<vmem>>, %arg17: memref<2000xf32, #tpu.memory_space<vmem>>, %arg18: memref<!tpu.dma_semaphore, #tpu.memory_space<semaphore_mem>>, %arg19: memref<!tpu.dma_semaphore, #tpu.memory_space<semaphore_mem>>, %arg20: memref<!tpu.dma_semaphore, #tpu.memory_space<semaphore_mem>>) attributes {dimension_semantics = [#tpu.dimension_semantics<core_parallel>, #tpu.dimension_semantics<subcore_parallel>], iteration_bounds = array<i64: 2, 16>, scalar_prefetch = 0 : i64, scratch_operands = 14 : i64, tpu.core_type = #tpu.core_type<sc_vector_subcore>, window_params = [{transform_indices = #map}, {transform_indices = #map}, {transform_indices = #map}, {transform_indices = #map}, {transform_indices = #map}]} {
    %mul3A = arith.constant 2 : i32
    %mul3A_0 = arith.muli %arg1, %mul3A : i32
    %add3A = arith.addi %mul3A_0, %arg0 : i32
    %mul3A_1 = arith.constant 100000 : i32
    %mul3A_2 = arith.muli %add3A, %mul3A_1 : i32
    %broadcast_in_dim3A = arith.constant -65536 : i32
    %broadcast_in_dim3A_3 = vector.broadcast %broadcast_in_dim3A : i32 to vector<16xi32>
    %add3A_4 = arith.constant 0 : i32
    %add3A_5 = arith.addi %mul3A_2, %add3A_4 : i32
    %dma_start3A = tpu.memref_slice %arg2[%add3A_5] : memref<3200000xi32, #tpu.memory_space<hbm>> -> memref<2000xi32, #tpu.memory_space<hbm>>
    %dma_start3A_6 = tpu.memref_slice %arg2[%add3A_5] : memref<3200000xi32, #tpu.memory_space<hbm>> -> memref<2000xi32, #tpu.memory_space<hbm>>
    tpu.enqueue_dma source(%dma_start3A_6 : memref<2000xi32, #tpu.memory_space<hbm>>) target(%arg10 : memref<2000xi32, #tpu.memory_space<vmem>>) target_semaphore(%arg18 : memref<!tpu.dma_semaphore, #tpu.memory_space<semaphore_mem>>)
    %dma_start3A_7 = tpu.memref_slice %arg3[%add3A_5] : memref<3200000xi32, #tpu.memory_space<hbm>> -> memref<2000xi32, #tpu.memory_space<hbm>>
    %dma_start3A_8 = tpu.memref_slice %arg3[%add3A_5] : memref<3200000xi32, #tpu.memory_space<hbm>> -> memref<2000xi32, #tpu.memory_space<hbm>>
    tpu.enqueue_dma source(%dma_start3A_8 : memref<2000xi32, #tpu.memory_space<hbm>>) target(%arg12 : memref<2000xi32, #tpu.memory_space<vmem>>) target_semaphore(%arg18 : memref<!tpu.dma_semaphore, #tpu.memory_space<semaphore_mem>>)
    %dma_start3A_9 = tpu.memref_slice %arg4[%add3A_5] : memref<3200000xf32, #tpu.memory_space<hbm>> -> memref<2000xf32, #tpu.memory_space<hbm>>
    %dma_start3A_10 = tpu.memref_slice %arg4[%add3A_5] : memref<3200000xf32, #tpu.memory_space<hbm>> -> memref<2000xf32, #tpu.memory_space<hbm>>
    tpu.enqueue_dma source(%dma_start3A_10 : memref<2000xf32, #tpu.memory_space<hbm>>) target(%arg14 : memref<2000xf32, #tpu.memory_space<vmem>>) target_semaphore(%arg18 : memref<!tpu.dma_semaphore, #tpu.memory_space<semaphore_mem>>)
    %broadcast_in_dim3A_11 = arith.constant 0.000000e+00 : f32
    %broadcast_in_dim3A_12 = vector.broadcast %broadcast_in_dim3A_11 : f32 to vector<16xf32>
    %scan3A = arith.constant 0 : i32
    %scan3A_13 = arith.constant 125 : i32
    %scan3A_14 = arith.addi %scan3A, %scan3A_13 : i32
    %scan3A_15 = arith.constant 1 : i32
    scf.for %scan3A_92 = %scan3A to %scan3A_14 step %scan3A_15  : i32 {
      %mul3A_93 = arith.constant 16 : i32
      %mul3A_94 = arith.muli %scan3A_92, %mul3A_93 : i32
      %swap3A = arith.index_cast %mul3A_94 : i32 to index
      %swap3A_95 = tpu.vector_load %arg16[%swap3A] {strides = array<i32>} : memref<2000xf32, #tpu.memory_space<vmem>>, vector<16xf32>,
      tpu.vector_store %arg16[%swap3A], %broadcast_in_dim3A_12 {strides = array<i32>} : memref<2000xf32, #tpu.memory_space<vmem>>, vector<16xf32>,
    }
    %scan3A_16 = arith.constant 125 : i32
    %mul3A_17 = arith.constant 6256 : i32
    %mul3A_18 = arith.muli %arg1, %mul3A_17 : i32
    %add3A_19 = arith.constant 0 : i32
    %add3A_20 = arith.addi %mul3A_18, %add3A_19 : i32
    "tpu.region"() ({
      %run_scoped3A = tpu.sem_alloc : memref<!tpu.dma_semaphore, #tpu.memory_space<semaphore_mem>>
      %dma_start3A_92 = tpu.memref_slice %arg7[%add3A_20] : memref<100096xf32, #tpu.memory_space<vmem_shared>> -> memref<2000xf32, #tpu.memory_space<vmem_shared>>
      %dma_start3A_93 = tpu.memref_slice %arg7[%add3A_20] : memref<100096xf32, #tpu.memory_space<vmem_shared>> -> memref<2000xf32, #tpu.memory_space<vmem_shared>>
      tpu.enqueue_dma source(%arg16 : memref<2000xf32, #tpu.memory_space<vmem>>) target(%dma_start3A_93 : memref<2000xf32, #tpu.memory_space<vmem_shared>>) target_semaphore(%run_scoped3A : memref<!tpu.dma_semaphore, #tpu.memory_space<semaphore_mem>>)
      %dma_wait3A_94 = tpu.memref_slice %arg7[%add3A_20] : memref<100096xf32, #tpu.memory_space<vmem_shared>> -> memref<2000xf32, #tpu.memory_space<vmem_shared>>
      %dma_wait3A_95 = tpu.memref_slice %arg7[%add3A_20] : memref<100096xf32, #tpu.memory_space<vmem_shared>> -> memref<2000xf32, #tpu.memory_space<vmem_shared>>
      tpu.wait_dma2 semaphore(%run_scoped3A : memref<!tpu.dma_semaphore, #tpu.memory_space<semaphore_mem>>) src(%arg16 : memref<2000xf32, #tpu.memory_space<vmem>>) dst(%dma_wait3A_95 : memref<2000xf32, #tpu.memory_space<vmem_shared>>)
      tpu.yield
    }) : () -> ()
    %add3A_21 = arith.constant 2000 : i32
    %add3A_22 = arith.addi %mul3A_18, %add3A_21 : i32
    "tpu.region"() ({
      %run_scoped3A = tpu.sem_alloc : memref<!tpu.dma_semaphore, #tpu.memory_space<semaphore_mem>>
      %dma_start3A_92 = tpu.memref_slice %arg7[%add3A_22] : memref<100096xf32, #tpu.memory_space<vmem_shared>> -> memref<2000xf32, #tpu.memory_space<vmem_shared>>
      %dma_start3A_93 = tpu.memref_slice %arg7[%add3A_22] : memref<100096xf32, #tpu.memory_space<vmem_shared>> -> memref<2000xf32, #tpu.memory_space<vmem_shared>>
      tpu.enqueue_dma source(%arg16 : memref<2000xf32, #tpu.memory_space<vmem>>) target(%dma_start3A_93 : memref<2000xf32, #tpu.memory_space<vmem_shared>>) target_semaphore(%run_scoped3A : memref<!tpu.dma_semaphore, #tpu.memory_space<semaphore_mem>>)
      %dma_wait3A_94 = tpu.memref_slice %arg7[%add3A_22] : memref<100096xf32, #tpu.memory_space<vmem_shared>> -> memref<2000xf32, #tpu.memory_space<vmem_shared>>
      %dma_wait3A_95 = tpu.memref_slice %arg7[%add3A_22] : memref<100096xf32, #tpu.memory_space<vmem_shared>> -> memref<2000xf32, #tpu.memory_space<vmem_shared>>
      tpu.wait_dma2 semaphore(%run_scoped3A : memref<!tpu.dma_semaphore, #tpu.memory_space<semaphore_mem>>) src(%arg16 : memref<2000xf32, #tpu.memory_space<vmem>>) dst(%dma_wait3A_95 : memref<2000xf32, #tpu.memory_space<vmem_shared>>)
      tpu.yield
    }) : () -> ()
    %add3A_23 = arith.constant 4000 : i32
    %add3A_24 = arith.addi %mul3A_18, %add3A_23 : i32
    "tpu.region"() ({
      %run_scoped3A = tpu.sem_alloc : memref<!tpu.dma_semaphore, #tpu.memory_space<semaphore_mem>>
      %dma_start3A_92 = tpu.memref_slice %arg7[%add3A_24] : memref<100096xf32, #tpu.memory_space<vmem_shared>> -> memref<2000xf32, #tpu.memory_space<vmem_shared>>
      %dma_start3A_93 = tpu.memref_slice %arg7[%add3A_24] : memref<100096xf32, #tpu.memory_space<vmem_shared>> -> memref<2000xf32, #tpu.memory_space<vmem_shared>>
      tpu.enqueue_dma source(%arg16 : memref<2000xf32, #tpu.memory_space<vmem>>) target(%dma_start3A_93 : memref<2000xf32, #tpu.memory_space<vmem_shared>>) target_semaphore(%run_scoped3A : memref<!tpu.dma_semaphore, #tpu.memory_space<semaphore_mem>>)
      %dma_wait3A_94 = tpu.memref_slice %arg7[%add3A_24] : memref<100096xf32, #tpu.memory_space<vmem_shared>> -> memref<2000xf32, #tpu.memory_space<vmem_shared>>
      %dma_wait3A_95 = tpu.memref_slice %arg7[%add3A_24] : memref<100096xf32, #tpu.memory_space<vmem_shared>> -> memref<2000xf32, #tpu.memory_space<vmem_shared>>
      tpu.wait_dma2 semaphore(%run_scoped3A : memref<!tpu.dma_semaphore, #tpu.memory_space<semaphore_mem>>) src(%arg16 : memref<2000xf32, #tpu.memory_space<vmem>>) dst(%dma_wait3A_95 : memref<2000xf32, #tpu.memory_space<vmem_shared>>)
      tpu.yield
    }) : () -> ()
    %add3A_25 = arith.constant 6000 : i32
    %add3A_26 = arith.addi %mul3A_18, %add3A_25 : i32
    "tpu.region"() ({
      %run_scoped3A = tpu.sem_alloc : memref<!tpu.dma_semaphore, #tpu.memory_space<semaphore_mem>>
      %dma_start3A_92 = arith.constant 0 : i32
      %dma_start3A_93 = tpu.memref_slice %arg16[%dma_start3A_92] : memref<2000xf32, #tpu.memory_space<vmem>> -> memref<256xf32, #tpu.memory_space<vmem>>
      %dma_start3A_94 = tpu.memref_slice %arg7[%add3A_26] : memref<100096xf32, #tpu.memory_space<vmem_shared>> -> memref<256xf32, #tpu.memory_space<vmem_shared>>
      %dma_start3A_95 = tpu.memref_slice %arg7[%add3A_26] : memref<100096xf32, #tpu.memory_space<vmem_shared>> -> memref<256xf32, #tpu.memory_space<vmem_shared>>
      %dma_start3A_96 = arith.constant 0 : i32
      %dma_start3A_97 = tpu.memref_slice %arg16[%dma_start3A_96] : memref<2000xf32, #tpu.memory_space<vmem>> -> memref<256xf32, #tpu.memory_space<vmem>>
      tpu.enqueue_dma source(%dma_start3A_97 : memref<256xf32, #tpu.memory_space<vmem>>) target(%dma_start3A_95 : memref<256xf32, #tpu.memory_space<vmem_shared>>) target_semaphore(%run_scoped3A : memref<!tpu.dma_semaphore, #tpu.memory_space<semaphore_mem>>)
      %dma_wait3A_98 = arith.constant 0 : i32
      %dma_wait3A_99 = tpu.memref_slice %arg16[%dma_wait3A_98] : memref<2000xf32, #tpu.memory_space<vmem>> -> memref<256xf32, #tpu.memory_space<vmem>>
      %dma_wait3A_100 = tpu.memref_slice %arg7[%add3A_26] : memref<100096xf32, #tpu.memory_space<vmem_shared>> -> memref<256xf32, #tpu.memory_space<vmem_shared>>
      %dma_wait3A_101 = tpu.memref_slice %arg7[%add3A_26] : memref<100096xf32, #tpu.memory_space<vmem_shared>> -> memref<256xf32, #tpu.memory_space<vmem_shared>>
      %dma_wait3A_102 = arith.constant 0 : i32
      %dma_wait3A_103 = tpu.memref_slice %arg16[%dma_wait3A_102] : memref<2000xf32, #tpu.memory_space<vmem>> -> memref<256xf32, #tpu.memory_space<vmem>>
      tpu.wait_dma2 semaphore(%run_scoped3A : memref<!tpu.dma_semaphore, #tpu.memory_space<semaphore_mem>>) src(%dma_wait3A_103 : memref<256xf32, #tpu.memory_space<vmem>>) dst(%dma_wait3A_101 : memref<256xf32, #tpu.memory_space<vmem_shared>>)
      tpu.yield
    }) : () -> ()
    %add3A_27 = arith.constant 0 : i32
    %add3A_28 = arith.addi %mul3A_18, %add3A_27 : i32
    "tpu.region"() ({
      %run_scoped3A = tpu.sem_alloc : memref<!tpu.dma_semaphore, #tpu.memory_space<semaphore_mem>>
      %dma_start3A_92 = tpu.memref_slice %arg8[%add3A_28] : memref<100096xf32, #tpu.memory_space<vmem_shared>> -> memref<2000xf32, #tpu.memory_space<vmem_shared>>
      %dma_start3A_93 = tpu.memref_slice %arg8[%add3A_28] : memref<100096xf32, #tpu.memory_space<vmem_shared>> -> memref<2000xf32, #tpu.memory_space<vmem_shared>>
      tpu.enqueue_dma source(%arg16 : memref<2000xf32, #tpu.memory_space<vmem>>) target(%dma_start3A_93 : memref<2000xf32, #tpu.memory_space<vmem_shared>>) target_semaphore(%run_scoped3A : memref<!tpu.dma_semaphore, #tpu.memory_space<semaphore_mem>>)
      %dma_wait3A_94 = tpu.memref_slice %arg8[%add3A_28] : memref<100096xf32, #tpu.memory_space<vmem_shared>> -> memref<2000xf32, #tpu.memory_space<vmem_shared>>
      %dma_wait3A_95 = tpu.memref_slice %arg8[%add3A_28] : memref<100096xf32, #tpu.memory_space<vmem_shared>> -> memref<2000xf32, #tpu.memory_space<vmem_shared>>
      tpu.wait_dma2 semaphore(%run_scoped3A : memref<!tpu.dma_semaphore, #tpu.memory_space<semaphore_mem>>) src(%arg16 : memref<2000xf32, #tpu.memory_space<vmem>>) dst(%dma_wait3A_95 : memref<2000xf32, #tpu.memory_space<vmem_shared>>)
      tpu.yield
    }) : () -> ()
    %add3A_29 = arith.constant 2000 : i32
    %add3A_30 = arith.addi %mul3A_18, %add3A_29 : i32
    "tpu.region"() ({
      %run_scoped3A = tpu.sem_alloc : memref<!tpu.dma_semaphore, #tpu.memory_space<semaphore_mem>>
      %dma_start3A_92 = tpu.memref_slice %arg8[%add3A_30] : memref<100096xf32, #tpu.memory_space<vmem_shared>> -> memref<2000xf32, #tpu.memory_space<vmem_shared>>
      %dma_start3A_93 = tpu.memref_slice %arg8[%add3A_30] : memref<100096xf32, #tpu.memory_space<vmem_shared>> -> memref<2000xf32, #tpu.memory_space<vmem_shared>>
      tpu.enqueue_dma source(%arg16 : memref<2000xf32, #tpu.memory_space<vmem>>) target(%dma_start3A_93 : memref<2000xf32, #tpu.memory_space<vmem_shared>>) target_semaphore(%run_scoped3A : memref<!tpu.dma_semaphore, #tpu.memory_space<semaphore_mem>>)
      %dma_wait3A_94 = tpu.memref_slice %arg8[%add3A_30] : memref<100096xf32, #tpu.memory_space<vmem_shared>> -> memref<2000xf32, #tpu.memory_space<vmem_shared>>
      %dma_wait3A_95 = tpu.memref_slice %arg8[%add3A_30] : memref<100096xf32, #tpu.memory_space<vmem_shared>> -> memref<2000xf32, #tpu.memory_space<vmem_shared>>
      tpu.wait_dma2 semaphore(%run_scoped3A : memref<!tpu.dma_semaphore, #tpu.memory_space<semaphore_mem>>) src(%arg16 : memref<2000xf32, #tpu.memory_space<vmem>>) dst(%dma_wait3A_95 : memref<2000xf32, #tpu.memory_space<vmem_shared>>)
      tpu.yield
    }) : () -> ()
    %add3A_31 = arith.constant 4000 : i32
    %add3A_32 = arith.addi %mul3A_18, %add3A_31 : i32
    "tpu.region"() ({
      %run_scoped3A = tpu.sem_alloc : memref<!tpu.dma_semaphore, #tpu.memory_space<semaphore_mem>>
      %dma_start3A_92 = tpu.memref_slice %arg8[%add3A_32] : memref<100096xf32, #tpu.memory_space<vmem_shared>> -> memref<2000xf32, #tpu.memory_space<vmem_shared>>
      %dma_start3A_93 = tpu.memref_slice %arg8[%add3A_32] : memref<100096xf32, #tpu.memory_space<vmem_shared>> -> memref<2000xf32, #tpu.memory_space<vmem_shared>>
      tpu.enqueue_dma source(%arg16 : memref<2000xf32, #tpu.memory_space<vmem>>) target(%dma_start3A_93 : memref<2000xf32, #tpu.memory_space<vmem_shared>>) target_semaphore(%run_scoped3A : memref<!tpu.dma_semaphore, #tpu.memory_space<semaphore_mem>>)
      %dma_wait3A_94 = tpu.memref_slice %arg8[%add3A_32] : memref<100096xf32, #tpu.memory_space<vmem_shared>> -> memref<2000xf32, #tpu.memory_space<vmem_shared>>
      %dma_wait3A_95 = tpu.memref_slice %arg8[%add3A_32] : memref<100096xf32, #tpu.memory_space<vmem_shared>> -> memref<2000xf32, #tpu.memory_space<vmem_shared>>
      tpu.wait_dma2 semaphore(%run_scoped3A : memref<!tpu.dma_semaphore, #tpu.memory_space<semaphore_mem>>) src(%arg16 : memref<2000xf32, #tpu.memory_space<vmem>>) dst(%dma_wait3A_95 : memref<2000xf32, #tpu.memory_space<vmem_shared>>)
      tpu.yield
    }) : () -> ()
    %add3A_33 = arith.constant 6000 : i32
    %add3A_34 = arith.addi %mul3A_18, %add3A_33 : i32
    "tpu.region"() ({
      %run_scoped3A = tpu.sem_alloc : memref<!tpu.dma_semaphore, #tpu.memory_space<semaphore_mem>>
      %dma_start3A_92 = arith.constant 0 : i32
      %dma_start3A_93 = tpu.memref_slice %arg16[%dma_start3A_92] : memref<2000xf32, #tpu.memory_space<vmem>> -> memref<256xf32, #tpu.memory_space<vmem>>
      %dma_start3A_94 = tpu.memref_slice %arg8[%add3A_34] : memref<100096xf32, #tpu.memory_space<vmem_shared>> -> memref<256xf32, #tpu.memory_space<vmem_shared>>
      %dma_start3A_95 = tpu.memref_slice %arg8[%add3A_34] : memref<100096xf32, #tpu.memory_space<vmem_shared>> -> memref<256xf32, #tpu.memory_space<vmem_shared>>
      %dma_start3A_96 = arith.constant 0 : i32
      %dma_start3A_97 = tpu.memref_slice %arg16[%dma_start3A_96] : memref<2000xf32, #tpu.memory_space<vmem>> -> memref<256xf32, #tpu.memory_space<vmem>>
      tpu.enqueue_dma source(%dma_start3A_97 : memref<256xf32, #tpu.memory_space<vmem>>) target(%dma_start3A_95 : memref<256xf32, #tpu.memory_space<vmem_shared>>) target_semaphore(%run_scoped3A : memref<!tpu.dma_semaphore, #tpu.memory_space<semaphore_mem>>)
      %dma_wait3A_98 = arith.constant 0 : i32
      %dma_wait3A_99 = tpu.memref_slice %arg16[%dma_wait3A_98] : memref<2000xf32, #tpu.memory_space<vmem>> -> memref<256xf32, #tpu.memory_space<vmem>>
      %dma_wait3A_100 = tpu.memref_slice %arg8[%add3A_34] : memref<100096xf32, #tpu.memory_space<vmem_shared>> -> memref<256xf32, #tpu.memory_space<vmem_shared>>
      %dma_wait3A_101 = tpu.memref_slice %arg8[%add3A_34] : memref<100096xf32, #tpu.memory_space<vmem_shared>> -> memref<256xf32, #tpu.memory_space<vmem_shared>>
      %dma_wait3A_102 = arith.constant 0 : i32
      %dma_wait3A_103 = tpu.memref_slice %arg16[%dma_wait3A_102] : memref<2000xf32, #tpu.memory_space<vmem>> -> memref<256xf32, #tpu.memory_space<vmem>>
      tpu.wait_dma2 semaphore(%run_scoped3A : memref<!tpu.dma_semaphore, #tpu.memory_space<semaphore_mem>>) src(%dma_wait3A_103 : memref<256xf32, #tpu.memory_space<vmem>>) dst(%dma_wait3A_101 : memref<256xf32, #tpu.memory_space<vmem_shared>>)
      tpu.yield
    }) : () -> ()
    "tpu.region"() ({
      %run_scoped3A = tpu.sem_alloc : memref<!tpu.dma_semaphore, #tpu.memory_space<semaphore_mem>>
      tpu.enqueue_dma source(%arg5 : memref<100096xi32, #tpu.memory_space<hbm>>) target(%arg9 : memref<100096xi32, #tpu.memory_space<vmem>>) target_semaphore(%run_scoped3A : memref<!tpu.dma_semaphore, #tpu.memory_space<semaphore_mem>>)
      tpu.wait_dma2 semaphore(%run_scoped3A : memref<!tpu.dma_semaphore, #tpu.memory_space<semaphore_mem>>) src(%arg5 : memref<100096xi32, #tpu.memory_space<hbm>>) dst(%arg9 : memref<100096xi32, #tpu.memory_space<vmem>>)
      tpu.yield
    }) : () -> ()
    %barrier3A = arith.constant 0 : index
    tpu.barrier barrier_id(%barrier3A)
    %scan3A_35 = arith.constant 0 : i32
    %scan3A_36 = arith.constant 25 : i32
    %scan3A_37 = arith.addi %scan3A_35, %scan3A_36 : i32
    %scan3A_38 = arith.constant 1 : i32
    scf.for %scan3A_92 = %scan3A_35 to %scan3A_37 step %scan3A_38  : i32 {
      %mul3A_93 = arith.constant 2 : i32
      %mul3A_94 = arith.muli %mul3A_93, %scan3A_92 : i32
      %add3A_95 = arith.constant 0 : i32
      %add3A_96 = arith.addi %mul3A_94, %add3A_95 : i32
      %gt3A = arith.constant 0 : i32
      %gt3A_97 = arith.cmpi sgt, %scan3A_92, %gt3A : i32
      %convert_element_type3A = arith.extui %gt3A_97 : i1 to i32
      %cond3A = arith.constant 0 : i32
      %cond3A_98 = arith.cmpi ne, %convert_element_type3A, %cond3A : i32
      scf.if %cond3A_98 {
        %dma_wait3A_147 = arith.constant 0 : i32
        %dma_wait3A_148 = tpu.memref_slice %arg7[%dma_wait3A_147] : memref<100096xf32, #tpu.memory_space<vmem_shared>> -> memref<100096xf32, #tpu.memory_space<vmem_shared>>
        tpu.wait_indirect_dma semaphore(%arg20 : memref<!tpu.dma_semaphore, #tpu.memory_space<semaphore_mem>>) src(%arg16 : memref<2000xf32, #tpu.memory_space<vmem>>) dst(%dma_wait3A_148 : memref<100096xf32, #tpu.memory_space<vmem_shared>>)
      } else {
      }
      %add3A_99 = arith.constant 1 : i32
      %add3A_100 = arith.addi %add3A_96, %add3A_99 : i32
      %mul3A_101 = arith.constant 2000 : i32
      %mul3A_102 = arith.muli %add3A_100, %mul3A_101 : i32
      %add3A_103 = arith.addi %mul3A_2, %mul3A_102 : i32
      %dma_start3A_104 = tpu.memref_slice %arg2[%add3A_103] : memref<3200000xi32, #tpu.memory_space<hbm>> -> memref<2000xi32, #tpu.memory_space<hbm>>
      %dma_start3A_105 = tpu.memref_slice %arg2[%add3A_103] : memref<3200000xi32, #tpu.memory_space<hbm>> -> memref<2000xi32, #tpu.memory_space<hbm>>
      tpu.enqueue_dma source(%dma_start3A_105 : memref<2000xi32, #tpu.memory_space<hbm>>) target(%arg11 : memref<2000xi32, #tpu.memory_space<vmem>>) target_semaphore(%arg19 : memref<!tpu.dma_semaphore, #tpu.memory_space<semaphore_mem>>)
      %dma_start3A_106 = tpu.memref_slice %arg3[%add3A_103] : memref<3200000xi32, #tpu.memory_space<hbm>> -> memref<2000xi32, #tpu.memory_space<hbm>>
      %dma_start3A_107 = tpu.memref_slice %arg3[%add3A_103] : memref<3200000xi32, #tpu.memory_space<hbm>> -> memref<2000xi32, #tpu.memory_space<hbm>>
      tpu.enqueue_dma source(%dma_start3A_107 : memref<2000xi32, #tpu.memory_space<hbm>>) target(%arg13 : memref<2000xi32, #tpu.memory_space<vmem>>) target_semaphore(%arg19 : memref<!tpu.dma_semaphore, #tpu.memory_space<semaphore_mem>>)
      %dma_start3A_108 = tpu.memref_slice %arg4[%add3A_103] : memref<3200000xf32, #tpu.memory_space<hbm>> -> memref<2000xf32, #tpu.memory_space<hbm>>
      %dma_start3A_109 = tpu.memref_slice %arg4[%add3A_103] : memref<3200000xf32, #tpu.memory_space<hbm>> -> memref<2000xf32, #tpu.memory_space<hbm>>
      tpu.enqueue_dma source(%dma_start3A_109 : memref<2000xf32, #tpu.memory_space<hbm>>) target(%arg15 : memref<2000xf32, #tpu.memory_space<vmem>>) target_semaphore(%arg19 : memref<!tpu.dma_semaphore, #tpu.memory_space<semaphore_mem>>)
      %mul3A_110 = arith.constant 2000 : i32
      %mul3A_111 = arith.muli %add3A_96, %mul3A_110 : i32
      %add3A_112 = arith.addi %mul3A_2, %mul3A_111 : i32
      %dma_wait3A_113 = tpu.memref_slice %arg2[%add3A_112] : memref<3200000xi32, #tpu.memory_space<hbm>> -> memref<2000xi32, #tpu.memory_space<hbm>>
      %dma_wait3A_114 = tpu.memref_slice %arg2[%add3A_112] : memref<3200000xi32, #tpu.memory_space<hbm>> -> memref<2000xi32, #tpu.memory_space<hbm>>
      tpu.wait_dma2 semaphore(%arg18 : memref<!tpu.dma_semaphore, #tpu.memory_space<semaphore_mem>>) src(%dma_wait3A_114 : memref<2000xi32, #tpu.memory_space<hbm>>) dst(%arg10 : memref<2000xi32, #tpu.memory_space<vmem>>)
      %dma_wait3A_115 = tpu.memref_slice %arg3[%add3A_112] : memref<3200000xi32, #tpu.memory_space<hbm>> -> memref<2000xi32, #tpu.memory_space<hbm>>
      %dma_wait3A_116 = tpu.memref_slice %arg3[%add3A_112] : memref<3200000xi32, #tpu.memory_space<hbm>> -> memref<2000xi32, #tpu.memory_space<hbm>>
      tpu.wait_dma2 semaphore(%arg18 : memref<!tpu.dma_semaphore, #tpu.memory_space<semaphore_mem>>) src(%dma_wait3A_116 : memref<2000xi32, #tpu.memory_space<hbm>>) dst(%arg12 : memref<2000xi32, #tpu.memory_space<vmem>>)
      %dma_wait3A_117 = tpu.memref_slice %arg4[%add3A_112] : memref<3200000xf32, #tpu.memory_space<hbm>> -> memref<2000xf32, #tpu.memory_space<hbm>>
      %dma_wait3A_118 = tpu.memref_slice %arg4[%add3A_112] : memref<3200000xf32, #tpu.memory_space<hbm>> -> memref<2000xf32, #tpu.memory_space<hbm>>
      tpu.wait_dma2 semaphore(%arg18 : memref<!tpu.dma_semaphore, #tpu.memory_space<semaphore_mem>>) src(%dma_wait3A_118 : memref<2000xf32, #tpu.memory_space<hbm>>) dst(%arg14 : memref<2000xf32, #tpu.memory_space<vmem>>)
      %parallel_loop3A = arith.constant 0 : i32
      %parallel_loop3A_119 = arith.constant 2000 : i32
      %parallel_loop3A_120 = arith.constant 16 : i32
      scf.for %parallel_loop3A_147 = %parallel_loop3A to %parallel_loop3A_119 step %parallel_loop3A_120  : i32 {
        %parallel_loop3A_148 = arith.index_cast %parallel_loop3A_147 : i32 to index
        %parallel_loop3A_149 = tpu.vector_load %arg10[%parallel_loop3A_148] {strides = array<i32>} : memref<2000xi32, #tpu.memory_space<vmem>>, vector<16xi32>,
        %parallel_loop3A_150 = tpu.vector_load_idx %arg9[%parallel_loop3A_149] : memref<100096xi32, #tpu.memory_space<vmem>>[vector<16xi32>], vector<16xi32>,
        %parallel_loop3A_151 = arith.andi %parallel_loop3A_150, %broadcast_in_dim3A_3 : vector<16xi32>
        %parallel_loop3A_152 = vector.bitcast %parallel_loop3A_151 : vector<16xi32> to vector<16xf32>
        %parallel_loop3A_153 = arith.constant 16 : i32
        %parallel_loop3A_154 = vector.broadcast %parallel_loop3A_153 : i32 to vector<16xi32>
        %parallel_loop3A_155 = arith.shli %parallel_loop3A_150, %parallel_loop3A_154 : vector<16xi32>
        %parallel_loop3A_156 = vector.bitcast %parallel_loop3A_155 : vector<16xi32> to vector<16xf32>
        %parallel_loop3A_157 = arith.index_cast %parallel_loop3A_147 : i32 to index
        %parallel_loop3A_158 = tpu.vector_load %arg14[%parallel_loop3A_157] {strides = array<i32>} : memref<2000xf32, #tpu.memory_space<vmem>>, vector<16xf32>,
        %parallel_loop3A_159 = arith.mulf %parallel_loop3A_158, %parallel_loop3A_152 : vector<16xf32>
        %parallel_loop3A_160 = arith.index_cast %parallel_loop3A_147 : i32 to index
        %parallel_loop3A_161 = tpu.vector_load %arg16[%parallel_loop3A_160] {strides = array<i32>} : memref<2000xf32, #tpu.memory_space<vmem>>, vector<16xf32>,
        tpu.vector_store %arg16[%parallel_loop3A_160], %parallel_loop3A_159 {strides = array<i32>} : memref<2000xf32, #tpu.memory_space<vmem>>, vector<16xf32>,
        %parallel_loop3A_162 = arith.mulf %parallel_loop3A_158, %parallel_loop3A_156 : vector<16xf32>
        %parallel_loop3A_163 = arith.index_cast %parallel_loop3A_147 : i32 to index
        %parallel_loop3A_164 = tpu.vector_load %arg17[%parallel_loop3A_163] {strides = array<i32>} : memref<2000xf32, #tpu.memory_space<vmem>>, vector<16xf32>,
        tpu.vector_store %arg17[%parallel_loop3A_163], %parallel_loop3A_162 {strides = array<i32>} : memref<2000xf32, #tpu.memory_space<vmem>>, vector<16xf32>,
      } {sc.loop_unroll_factor = 8 : i64, sc.parallel_access}
      %dma_start3A_121 = arith.constant 0 : i32
      %dma_start3A_122 = tpu.memref_slice %arg7[%dma_start3A_121] : memref<100096xf32, #tpu.memory_space<vmem_shared>> -> memref<100096xf32, #tpu.memory_space<vmem_shared>>
      tpu.enqueue_indirect_dma source(%arg16 : memref<2000xf32, #tpu.memory_space<vmem>>) target(%dma_start3A_122 : memref<100096xf32, #tpu.memory_space<vmem_shared>>) offsets(%arg12 : memref<2000xi32, #tpu.memory_space<vmem>>) semaphore(%arg20 : memref<!tpu.dma_semaphore, #tpu.memory_space<semaphore_mem>>) {add = true}
      "tpu.region"() ({
        %run_scoped3A = tpu.sem_alloc : memref<!tpu.dma_semaphore, #tpu.memory_space<semaphore_mem>>
        %dma_start3A_147 = arith.constant 0 : i32
        %dma_start3A_148 = tpu.memref_slice %arg8[%dma_start3A_147] : memref<100096xf32, #tpu.memory_space<vmem_shared>> -> memref<100096xf32, #tpu.memory_space<vmem_shared>>
        tpu.enqueue_indirect_dma source(%arg17 : memref<2000xf32, #tpu.memory_space<vmem>>) target(%dma_start3A_148 : memref<100096xf32, #tpu.memory_space<vmem_shared>>) offsets(%arg12 : memref<2000xi32, #tpu.memory_space<vmem>>) semaphore(%run_scoped3A : memref<!tpu.dma_semaphore, #tpu.memory_space<semaphore_mem>>) {add = true}
        %dma_wait3A_149 = arith.constant 0 : i32
        %dma_wait3A_150 = tpu.memref_slice %arg8[%dma_wait3A_149] : memref<100096xf32, #tpu.memory_space<vmem_shared>> -> memref<100096xf32, #tpu.memory_space<vmem_shared>>
        tpu.wait_indirect_dma semaphore(%run_scoped3A : memref<!tpu.dma_semaphore, #tpu.memory_space<semaphore_mem>>) src(%arg17 : memref<2000xf32, #tpu.memory_space<vmem>>) dst(%dma_wait3A_150 : memref<100096xf32, #tpu.memory_space<vmem_shared>>)
        tpu.yield
      }) : () -> ()
      %mul3A_123 = arith.constant 2 : i32
      %mul3A_124 = arith.muli %mul3A_123, %scan3A_92 : i32
      %add3A_125 = arith.constant 1 : i32
      %add3A_126 = arith.addi %mul3A_124, %add3A_125 : i32
      %dma_wait3A_127 = arith.constant 0 : i32
      %dma_wait3A_128 = tpu.memref_slice %arg7[%dma_wait3A_127] : memref<100096xf32, #tpu.memory_space<vmem_shared>> -> memref<100096xf32, #tpu.memory_space<vmem_shared>>
      tpu.wait_indirect_dma semaphore(%arg20 : memref<!tpu.dma_semaphore, #tpu.memory_space<semaphore_mem>>) src(%arg16 : memref<2000xf32, #tpu.memory_space<vmem>>) dst(%dma_wait3A_128 : memref<100096xf32, #tpu.memory_space<vmem_shared>>)
      %lt3A = arith.constant 24 : i32
      %lt3A_129 = arith.cmpi slt, %scan3A_92, %lt3A : i32
      %convert_element_type3A_130 = arith.extui %lt3A_129 : i1 to i32
      %cond3A_131 = arith.constant 0 : i32
      %cond3A_132 = arith.cmpi ne, %convert_element_type3A_130, %cond3A_131 : i32
      scf.if %cond3A_132 {
        %add3A_147 = arith.constant 1 : i32
        %add3A_148 = arith.addi %add3A_126, %add3A_147 : i32
        %mul3A_149 = arith.constant 2000 : i32
        %mul3A_150 = arith.muli %add3A_148, %mul3A_149 : i32
        %add3A_151 = arith.addi %mul3A_2, %mul3A_150 : i32
        %dma_start3A_152 = tpu.memref_slice %arg2[%add3A_151] : memref<3200000xi32, #tpu.memory_space<hbm>> -> memref<2000xi32, #tpu.memory_space<hbm>>
        %dma_start3A_153 = tpu.memref_slice %arg2[%add3A_151] : memref<3200000xi32, #tpu.memory_space<hbm>> -> memref<2000xi32, #tpu.memory_space<hbm>>
        tpu.enqueue_dma source(%dma_start3A_153 : memref<2000xi32, #tpu.memory_space<hbm>>) target(%arg10 : memref<2000xi32, #tpu.memory_space<vmem>>) target_semaphore(%arg18 : memref<!tpu.dma_semaphore, #tpu.memory_space<semaphore_mem>>)
        %dma_start3A_154 = tpu.memref_slice %arg3[%add3A_151] : memref<3200000xi32, #tpu.memory_space<hbm>> -> memref<2000xi32, #tpu.memory_space<hbm>>
        %dma_start3A_155 = tpu.memref_slice %arg3[%add3A_151] : memref<3200000xi32, #tpu.memory_space<hbm>> -> memref<2000xi32, #tpu.memory_space<hbm>>
        tpu.enqueue_dma source(%dma_start3A_155 : memref<2000xi32, #tpu.memory_space<hbm>>) target(%arg12 : memref<2000xi32, #tpu.memory_space<vmem>>) target_semaphore(%arg18 : memref<!tpu.dma_semaphore, #tpu.memory_space<semaphore_mem>>)
        %dma_start3A_156 = tpu.memref_slice %arg4[%add3A_151] : memref<3200000xf32, #tpu.memory_space<hbm>> -> memref<2000xf32, #tpu.memory_space<hbm>>
        %dma_start3A_157 = tpu.memref_slice %arg4[%add3A_151] : memref<3200000xf32, #tpu.memory_space<hbm>> -> memref<2000xf32, #tpu.memory_space<hbm>>
        tpu.enqueue_dma source(%dma_start3A_157 : memref<2000xf32, #tpu.memory_space<hbm>>) target(%arg14 : memref<2000xf32, #tpu.memory_space<vmem>>) target_semaphore(%arg18 : memref<!tpu.dma_semaphore, #tpu.memory_space<semaphore_mem>>)
      } else {
      }
      %mul3A_133 = arith.constant 2000 : i32
      %mul3A_134 = arith.muli %add3A_126, %mul3A_133 : i32
      %add3A_135 = arith.addi %mul3A_2, %mul3A_134 : i32
      %dma_wait3A_136 = tpu.memref_slice %arg2[%add3A_135] : memref<3200000xi32, #tpu.memory_space<hbm>> -> memref<2000xi32, #tpu.memory_space<hbm>>
      %dma_wait3A_137 = tpu.memref_slice %arg2[%add3A_135] : memref<3200000xi32, #tpu.memory_space<hbm>> -> memref<2000xi32, #tpu.memory_space<hbm>>
      tpu.wait_dma2 semaphore(%arg19 : memref<!tpu.dma_semaphore, #tpu.memory_space<semaphore_mem>>) src(%dma_wait3A_137 : memref<2000xi32, #tpu.memory_space<hbm>>) dst(%arg11 : memref<2000xi32, #tpu.memory_space<vmem>>)
      %dma_wait3A_138 = tpu.memref_slice %arg3[%add3A_135] : memref<3200000xi32, #tpu.memory_space<hbm>> -> memref<2000xi32, #tpu.memory_space<hbm>>
      %dma_wait3A_139 = tpu.memref_slice %arg3[%add3A_135] : memref<3200000xi32, #tpu.memory_space<hbm>> -> memref<2000xi32, #tpu.memory_space<hbm>>
      tpu.wait_dma2 semaphore(%arg19 : memref<!tpu.dma_semaphore, #tpu.memory_space<semaphore_mem>>) src(%dma_wait3A_139 : memref<2000xi32, #tpu.memory_space<hbm>>) dst(%arg13 : memref<2000xi32, #tpu.memory_space<vmem>>)
      %dma_wait3A_140 = tpu.memref_slice %arg4[%add3A_135] : memref<3200000xf32, #tpu.memory_space<hbm>> -> memref<2000xf32, #tpu.memory_space<hbm>>
      %dma_wait3A_141 = tpu.memref_slice %arg4[%add3A_135] : memref<3200000xf32, #tpu.memory_space<hbm>> -> memref<2000xf32, #tpu.memory_space<hbm>>
      tpu.wait_dma2 semaphore(%arg19 : memref<!tpu.dma_semaphore, #tpu.memory_space<semaphore_mem>>) src(%dma_wait3A_141 : memref<2000xf32, #tpu.memory_space<hbm>>) dst(%arg15 : memref<2000xf32, #tpu.memory_space<vmem>>)
      %parallel_loop3A_142 = arith.constant 0 : i32
      %parallel_loop3A_143 = arith.constant 2000 : i32
      %parallel_loop3A_144 = arith.constant 16 : i32
      scf.for %parallel_loop3A_147 = %parallel_loop3A_142 to %parallel_loop3A_143 step %parallel_loop3A_144  : i32 {
        %parallel_loop3A_148 = arith.index_cast %parallel_loop3A_147 : i32 to index
        %parallel_loop3A_149 = tpu.vector_load %arg11[%parallel_loop3A_148] {strides = array<i32>} : memref<2000xi32, #tpu.memory_space<vmem>>, vector<16xi32>,
        %parallel_loop3A_150 = tpu.vector_load_idx %arg9[%parallel_loop3A_149] : memref<100096xi32, #tpu.memory_space<vmem>>[vector<16xi32>], vector<16xi32>,
        %parallel_loop3A_151 = arith.andi %parallel_loop3A_150, %broadcast_in_dim3A_3 : vector<16xi32>
        %parallel_loop3A_152 = vector.bitcast %parallel_loop3A_151 : vector<16xi32> to vector<16xf32>
        %parallel_loop3A_153 = arith.constant 16 : i32
        %parallel_loop3A_154 = vector.broadcast %parallel_loop3A_153 : i32 to vector<16xi32>
        %parallel_loop3A_155 = arith.shli %parallel_loop3A_150, %parallel_loop3A_154 : vector<16xi32>
        %parallel_loop3A_156 = vector.bitcast %parallel_loop3A_155 : vector<16xi32> to vector<16xf32>
        %parallel_loop3A_157 = arith.index_cast %parallel_loop3A_147 : i32 to index
        %parallel_loop3A_158 = tpu.vector_load %arg15[%parallel_loop3A_157] {strides = array<i32>} : memref<2000xf32, #tpu.memory_space<vmem>>, vector<16xf32>,
        %parallel_loop3A_159 = arith.mulf %parallel_loop3A_158, %parallel_loop3A_152 : vector<16xf32>
        %parallel_loop3A_160 = arith.index_cast %parallel_loop3A_147 : i32 to index
        %parallel_loop3A_161 = tpu.vector_load %arg16[%parallel_loop3A_160] {strides = array<i32>} : memref<2000xf32, #tpu.memory_space<vmem>>, vector<16xf32>,
        tpu.vector_store %arg16[%parallel_loop3A_160], %parallel_loop3A_159 {strides = array<i32>} : memref<2000xf32, #tpu.memory_space<vmem>>, vector<16xf32>,
        %parallel_loop3A_162 = arith.mulf %parallel_loop3A_158, %parallel_loop3A_156 : vector<16xf32>
        %parallel_loop3A_163 = arith.index_cast %parallel_loop3A_147 : i32 to index
        %parallel_loop3A_164 = tpu.vector_load %arg17[%parallel_loop3A_163] {strides = array<i32>} : memref<2000xf32, #tpu.memory_space<vmem>>, vector<16xf32>,
        tpu.vector_store %arg17[%parallel_loop3A_163], %parallel_loop3A_162 {strides = array<i32>} : memref<2000xf32, #tpu.memory_space<vmem>>, vector<16xf32>,
      } {sc.loop_unroll_factor = 8 : i64, sc.parallel_access}
      %dma_start3A_145 = arith.constant 0 : i32
      %dma_start3A_146 = tpu.memref_slice %arg7[%dma_start3A_145] : memref<100096xf32, #tpu.memory_space<vmem_shared>> -> memref<100096xf32, #tpu.memory_space<vmem_shared>>
      tpu.enqueue_indirect_dma source(%arg16 : memref<2000xf32, #tpu.memory_space<vmem>>) target(%dma_start3A_146 : memref<100096xf32, #tpu.memory_space<vmem_shared>>) offsets(%arg13 : memref<2000xi32, #tpu.memory_space<vmem>>) semaphore(%arg20 : memref<!tpu.dma_semaphore, #tpu.memory_space<semaphore_mem>>) {add = true}
      "tpu.region"() ({
        %run_scoped3A = tpu.sem_alloc : memref<!tpu.dma_semaphore, #tpu.memory_space<semaphore_mem>>
        %dma_start3A_147 = arith.constant 0 : i32
        %dma_start3A_148 = tpu.memref_slice %arg8[%dma_start3A_147] : memref<100096xf32, #tpu.memory_space<vmem_shared>> -> memref<100096xf32, #tpu.memory_space<vmem_shared>>
        tpu.enqueue_indirect_dma source(%arg17 : memref<2000xf32, #tpu.memory_space<vmem>>) target(%dma_start3A_148 : memref<100096xf32, #tpu.memory_space<vmem_shared>>) offsets(%arg13 : memref<2000xi32, #tpu.memory_space<vmem>>) semaphore(%run_scoped3A : memref<!tpu.dma_semaphore, #tpu.memory_space<semaphore_mem>>) {add = true}
        %dma_wait3A_149 = arith.constant 0 : i32
        %dma_wait3A_150 = tpu.memref_slice %arg8[%dma_wait3A_149] : memref<100096xf32, #tpu.memory_space<vmem_shared>> -> memref<100096xf32, #tpu.memory_space<vmem_shared>>
        tpu.wait_indirect_dma semaphore(%run_scoped3A : memref<!tpu.dma_semaphore, #tpu.memory_space<semaphore_mem>>) src(%arg17 : memref<2000xf32, #tpu.memory_space<vmem>>) dst(%dma_wait3A_150 : memref<100096xf32, #tpu.memory_space<vmem_shared>>)
        tpu.yield
      }) : () -> ()
    }
    %scan3A_39 = arith.constant 25 : i32
    %dma_wait3A = arith.constant 0 : i32
    %dma_wait3A_40 = tpu.memref_slice %arg7[%dma_wait3A] : memref<100096xf32, #tpu.memory_space<vmem_shared>> -> memref<100096xf32, #tpu.memory_space<vmem_shared>>
    tpu.wait_indirect_dma semaphore(%arg20 : memref<!tpu.dma_semaphore, #tpu.memory_space<semaphore_mem>>) src(%arg16 : memref<2000xf32, #tpu.memory_space<vmem>>) dst(%dma_wait3A_40 : memref<100096xf32, #tpu.memory_space<vmem_shared>>)
    %barrier3A_41 = arith.constant 0 : index
    tpu.barrier barrier_id(%barrier3A_41)
    %mul3A_42 = arith.constant 2 : i32
    %mul3A_43 = arith.muli %arg0, %mul3A_42 : i32
    %mul3A_44 = arith.constant 100096 : i32
    %mul3A_45 = arith.muli %mul3A_43, %mul3A_44 : i32
    %add3A_46 = arith.constant 0 : i32
    %add3A_47 = arith.addi %mul3A_45, %add3A_46 : i32
    %mul3A_48 = arith.constant 6256 : i32
    %mul3A_49 = arith.muli %arg1, %mul3A_48 : i32
    %add3A_50 = arith.addi %add3A_47, %mul3A_49 : i32
    %add3A_51 = arith.constant 0 : i32
    %add3A_52 = arith.addi %mul3A_18, %add3A_51 : i32
    "tpu.region"() ({
      %run_scoped3A = tpu.sem_alloc : memref<!tpu.dma_semaphore, #tpu.memory_space<semaphore_mem>>
      %dma_start3A_92 = tpu.memref_slice %arg7[%add3A_52] : memref<100096xf32, #tpu.memory_space<vmem_shared>> -> memref<2000xf32, #tpu.memory_space<vmem_shared>>
      %dma_start3A_93 = tpu.memref_slice %arg7[%add3A_52] : memref<100096xf32, #tpu.memory_space<vmem_shared>> -> memref<2000xf32, #tpu.memory_space<vmem_shared>>
      tpu.enqueue_dma source(%dma_start3A_93 : memref<2000xf32, #tpu.memory_space<vmem_shared>>) target(%arg16 : memref<2000xf32, #tpu.memory_space<vmem>>) target_semaphore(%run_scoped3A : memref<!tpu.dma_semaphore, #tpu.memory_space<semaphore_mem>>)
      %dma_wait3A_94 = tpu.memref_slice %arg7[%add3A_52] : memref<100096xf32, #tpu.memory_space<vmem_shared>> -> memref<2000xf32, #tpu.memory_space<vmem_shared>>
      %dma_wait3A_95 = tpu.memref_slice %arg7[%add3A_52] : memref<100096xf32, #tpu.memory_space<vmem_shared>> -> memref<2000xf32, #tpu.memory_space<vmem_shared>>
      tpu.wait_dma2 semaphore(%run_scoped3A : memref<!tpu.dma_semaphore, #tpu.memory_space<semaphore_mem>>) src(%dma_wait3A_95 : memref<2000xf32, #tpu.memory_space<vmem_shared>>) dst(%arg16 : memref<2000xf32, #tpu.memory_space<vmem>>)
      tpu.yield
    }) : () -> ()
    %add3A_53 = arith.constant 0 : i32
    %add3A_54 = arith.addi %add3A_50, %add3A_53 : i32
    "tpu.region"() ({
      %run_scoped3A = tpu.sem_alloc : memref<!tpu.dma_semaphore, #tpu.memory_space<semaphore_mem>>
      %dma_start3A_92 = tpu.memref_slice %arg6[%add3A_54] : memref<400384xf32, #tpu.memory_space<hbm>> -> memref<2000xf32, #tpu.memory_space<hbm>>
      %dma_start3A_93 = tpu.memref_slice %arg6[%add3A_54] : memref<400384xf32, #tpu.memory_space<hbm>> -> memref<2000xf32, #tpu.memory_space<hbm>>
      tpu.enqueue_dma source(%arg16 : memref<2000xf32, #tpu.memory_space<vmem>>) target(%dma_start3A_93 : memref<2000xf32, #tpu.memory_space<hbm>>) target_semaphore(%run_scoped3A : memref<!tpu.dma_semaphore, #tpu.memory_space<semaphore_mem>>)
      %dma_wait3A_94 = tpu.memref_slice %arg6[%add3A_54] : memref<400384xf32, #tpu.memory_space<hbm>> -> memref<2000xf32, #tpu.memory_space<hbm>>
      %dma_wait3A_95 = tpu.memref_slice %arg6[%add3A_54] : memref<400384xf32, #tpu.memory_space<hbm>> -> memref<2000xf32, #tpu.memory_space<hbm>>
      tpu.wait_dma2 semaphore(%run_scoped3A : memref<!tpu.dma_semaphore, #tpu.memory_space<semaphore_mem>>) src(%arg16 : memref<2000xf32, #tpu.memory_space<vmem>>) dst(%dma_wait3A_95 : memref<2000xf32, #tpu.memory_space<hbm>>)
      tpu.yield
    }) : () -> ()
    %add3A_55 = arith.constant 2000 : i32
    %add3A_56 = arith.addi %mul3A_18, %add3A_55 : i32
    "tpu.region"() ({
      %run_scoped3A = tpu.sem_alloc : memref<!tpu.dma_semaphore, #tpu.memory_space<semaphore_mem>>
      %dma_start3A_92 = tpu.memref_slice %arg7[%add3A_56] : memref<100096xf32, #tpu.memory_space<vmem_shared>> -> memref<2000xf32, #tpu.memory_space<vmem_shared>>
      %dma_start3A_93 = tpu.memref_slice %arg7[%add3A_56] : memref<100096xf32, #tpu.memory_space<vmem_shared>> -> memref<2000xf32, #tpu.memory_space<vmem_shared>>
      tpu.enqueue_dma source(%dma_start3A_93 : memref<2000xf32, #tpu.memory_space<vmem_shared>>) target(%arg16 : memref<2000xf32, #tpu.memory_space<vmem>>) target_semaphore(%run_scoped3A : memref<!tpu.dma_semaphore, #tpu.memory_space<semaphore_mem>>)
      %dma_wait3A_94 = tpu.memref_slice %arg7[%add3A_56] : memref<100096xf32, #tpu.memory_space<vmem_shared>> -> memref<2000xf32, #tpu.memory_space<vmem_shared>>
      %dma_wait3A_95 = tpu.memref_slice %arg7[%add3A_56] : memref<100096xf32, #tpu.memory_space<vmem_shared>> -> memref<2000xf32, #tpu.memory_space<vmem_shared>>
      tpu.wait_dma2 semaphore(%run_scoped3A : memref<!tpu.dma_semaphore, #tpu.memory_space<semaphore_mem>>) src(%dma_wait3A_95 : memref<2000xf32, #tpu.memory_space<vmem_shared>>) dst(%arg16 : memref<2000xf32, #tpu.memory_space<vmem>>)
      tpu.yield
    }) : () -> ()
    %add3A_57 = arith.constant 2000 : i32
    %add3A_58 = arith.addi %add3A_50, %add3A_57 : i32
    "tpu.region"() ({
      %run_scoped3A = tpu.sem_alloc : memref<!tpu.dma_semaphore, #tpu.memory_space<semaphore_mem>>
      %dma_start3A_92 = tpu.memref_slice %arg6[%add3A_58] : memref<400384xf32, #tpu.memory_space<hbm>> -> memref<2000xf32, #tpu.memory_space<hbm>>
      %dma_start3A_93 = tpu.memref_slice %arg6[%add3A_58] : memref<400384xf32, #tpu.memory_space<hbm>> -> memref<2000xf32, #tpu.memory_space<hbm>>
      tpu.enqueue_dma source(%arg16 : memref<2000xf32, #tpu.memory_space<vmem>>) target(%dma_start3A_93 : memref<2000xf32, #tpu.memory_space<hbm>>) target_semaphore(%run_scoped3A : memref<!tpu.dma_semaphore, #tpu.memory_space<semaphore_mem>>)
      %dma_wait3A_94 = tpu.memref_slice %arg6[%add3A_58] : memref<400384xf32, #tpu.memory_space<hbm>> -> memref<2000xf32, #tpu.memory_space<hbm>>
      %dma_wait3A_95 = tpu.memref_slice %arg6[%add3A_58] : memref<400384xf32, #tpu.memory_space<hbm>> -> memref<2000xf32, #tpu.memory_space<hbm>>
      tpu.wait_dma2 semaphore(%run_scoped3A : memref<!tpu.dma_semaphore, #tpu.memory_space<semaphore_mem>>) src(%arg16 : memref<2000xf32, #tpu.memory_space<vmem>>) dst(%dma_wait3A_95 : memref<2000xf32, #tpu.memory_space<hbm>>)
      tpu.yield
    }) : () -> ()
    %add3A_59 = arith.constant 4000 : i32
    %add3A_60 = arith.addi %mul3A_18, %add3A_59 : i32
    "tpu.region"() ({
      %run_scoped3A = tpu.sem_alloc : memref<!tpu.dma_semaphore, #tpu.memory_space<semaphore_mem>>
      %dma_start3A_92 = tpu.memref_slice %arg7[%add3A_60] : memref<100096xf32, #tpu.memory_space<vmem_shared>> -> memref<2000xf32, #tpu.memory_space<vmem_shared>>
      %dma_start3A_93 = tpu.memref_slice %arg7[%add3A_60] : memref<100096xf32, #tpu.memory_space<vmem_shared>> -> memref<2000xf32, #tpu.memory_space<vmem_shared>>
      tpu.enqueue_dma source(%dma_start3A_93 : memref<2000xf32, #tpu.memory_space<vmem_shared>>) target(%arg16 : memref<2000xf32, #tpu.memory_space<vmem>>) target_semaphore(%run_scoped3A : memref<!tpu.dma_semaphore, #tpu.memory_space<semaphore_mem>>)
      %dma_wait3A_94 = tpu.memref_slice %arg7[%add3A_60] : memref<100096xf32, #tpu.memory_space<vmem_shared>> -> memref<2000xf32, #tpu.memory_space<vmem_shared>>
      %dma_wait3A_95 = tpu.memref_slice %arg7[%add3A_60] : memref<100096xf32, #tpu.memory_space<vmem_shared>> -> memref<2000xf32, #tpu.memory_space<vmem_shared>>
      tpu.wait_dma2 semaphore(%run_scoped3A : memref<!tpu.dma_semaphore, #tpu.memory_space<semaphore_mem>>) src(%dma_wait3A_95 : memref<2000xf32, #tpu.memory_space<vmem_shared>>) dst(%arg16 : memref<2000xf32, #tpu.memory_space<vmem>>)
      tpu.yield
    }) : () -> ()
    %add3A_61 = arith.constant 4000 : i32
    %add3A_62 = arith.addi %add3A_50, %add3A_61 : i32
    "tpu.region"() ({
      %run_scoped3A = tpu.sem_alloc : memref<!tpu.dma_semaphore, #tpu.memory_space<semaphore_mem>>
      %dma_start3A_92 = tpu.memref_slice %arg6[%add3A_62] : memref<400384xf32, #tpu.memory_space<hbm>> -> memref<2000xf32, #tpu.memory_space<hbm>>
      %dma_start3A_93 = tpu.memref_slice %arg6[%add3A_62] : memref<400384xf32, #tpu.memory_space<hbm>> -> memref<2000xf32, #tpu.memory_space<hbm>>
      tpu.enqueue_dma source(%arg16 : memref<2000xf32, #tpu.memory_space<vmem>>) target(%dma_start3A_93 : memref<2000xf32, #tpu.memory_space<hbm>>) target_semaphore(%run_scoped3A : memref<!tpu.dma_semaphore, #tpu.memory_space<semaphore_mem>>)
      %dma_wait3A_94 = tpu.memref_slice %arg6[%add3A_62] : memref<400384xf32, #tpu.memory_space<hbm>> -> memref<2000xf32, #tpu.memory_space<hbm>>
      %dma_wait3A_95 = tpu.memref_slice %arg6[%add3A_62] : memref<400384xf32, #tpu.memory_space<hbm>> -> memref<2000xf32, #tpu.memory_space<hbm>>
      tpu.wait_dma2 semaphore(%run_scoped3A : memref<!tpu.dma_semaphore, #tpu.memory_space<semaphore_mem>>) src(%arg16 : memref<2000xf32, #tpu.memory_space<vmem>>) dst(%dma_wait3A_95 : memref<2000xf32, #tpu.memory_space<hbm>>)
      tpu.yield
    }) : () -> ()
    %add3A_63 = arith.constant 6000 : i32
    %add3A_64 = arith.addi %mul3A_18, %add3A_63 : i32
    "tpu.region"() ({
      %run_scoped3A = tpu.sem_alloc : memref<!tpu.dma_semaphore, #tpu.memory_space<semaphore_mem>>
      %dma_start3A_92 = arith.constant 0 : i32
      %dma_start3A_93 = tpu.memref_slice %arg16[%dma_start3A_92] : memref<2000xf32, #tpu.memory_space<vmem>> -> memref<256xf32, #tpu.memory_space<vmem>>
      %dma_start3A_94 = tpu.memref_slice %arg7[%add3A_64] : memref<100096xf32, #tpu.memory_space<vmem_shared>> -> memref<256xf32, #tpu.memory_space<vmem_shared>>
      %dma_start3A_95 = arith.constant 0 : i32
      %dma_start3A_96 = tpu.memref_slice %arg16[%dma_start3A_95] : memref<2000xf32, #tpu.memory_space<vmem>> -> memref<256xf32, #tpu.memory_space<vmem>>
      %dma_start3A_97 = tpu.memref_slice %arg7[%add3A_64] : memref<100096xf32, #tpu.memory_space<vmem_shared>> -> memref<256xf32, #tpu.memory_space<vmem_shared>>
      tpu.enqueue_dma source(%dma_start3A_97 : memref<256xf32, #tpu.memory_space<vmem_shared>>) target(%dma_start3A_96 : memref<256xf32, #tpu.memory_space<vmem>>) target_semaphore(%run_scoped3A : memref<!tpu.dma_semaphore, #tpu.memory_space<semaphore_mem>>)
      %dma_wait3A_98 = arith.constant 0 : i32
      %dma_wait3A_99 = tpu.memref_slice %arg16[%dma_wait3A_98] : memref<2000xf32, #tpu.memory_space<vmem>> -> memref<256xf32, #tpu.memory_space<vmem>>
      %dma_wait3A_100 = tpu.memref_slice %arg7[%add3A_64] : memref<100096xf32, #tpu.memory_space<vmem_shared>> -> memref<256xf32, #tpu.memory_space<vmem_shared>>
      %dma_wait3A_101 = arith.constant 0 : i32
      %dma_wait3A_102 = tpu.memref_slice %arg16[%dma_wait3A_101] : memref<2000xf32, #tpu.memory_space<vmem>> -> memref<256xf32, #tpu.memory_space<vmem>>
      %dma_wait3A_103 = tpu.memref_slice %arg7[%add3A_64] : memref<100096xf32, #tpu.memory_space<vmem_shared>> -> memref<256xf32, #tpu.memory_space<vmem_shared>>
      tpu.wait_dma2 semaphore(%run_scoped3A : memref<!tpu.dma_semaphore, #tpu.memory_space<semaphore_mem>>) src(%dma_wait3A_103 : memref<256xf32, #tpu.memory_space<vmem_shared>>) dst(%dma_wait3A_102 : memref<256xf32, #tpu.memory_space<vmem>>)
      tpu.yield
    }) : () -> ()
    %add3A_65 = arith.constant 6000 : i32
    %add3A_66 = arith.addi %add3A_50, %add3A_65 : i32
    "tpu.region"() ({
      %run_scoped3A = tpu.sem_alloc : memref<!tpu.dma_semaphore, #tpu.memory_space<semaphore_mem>>
      %dma_start3A_92 = arith.constant 0 : i32
      %dma_start3A_93 = tpu.memref_slice %arg16[%dma_start3A_92] : memref<2000xf32, #tpu.memory_space<vmem>> -> memref<256xf32, #tpu.memory_space<vmem>>
      %dma_start3A_94 = tpu.memref_slice %arg6[%add3A_66] : memref<400384xf32, #tpu.memory_space<hbm>> -> memref<256xf32, #tpu.memory_space<hbm>>
      %dma_start3A_95 = tpu.memref_slice %arg6[%add3A_66] : memref<400384xf32, #tpu.memory_space<hbm>> -> memref<256xf32, #tpu.memory_space<hbm>>
      %dma_start3A_96 = arith.constant 0 : i32
      %dma_start3A_97 = tpu.memref_slice %arg16[%dma_start3A_96] : memref<2000xf32, #tpu.memory_space<vmem>> -> memref<256xf32, #tpu.memory_space<vmem>>
      tpu.enqueue_dma source(%dma_start3A_97 : memref<256xf32, #tpu.memory_space<vmem>>) target(%dma_start3A_95 : memref<256xf32, #tpu.memory_space<hbm>>) target_semaphore(%run_scoped3A : memref<!tpu.dma_semaphore, #tpu.memory_space<semaphore_mem>>)
      %dma_wait3A_98 = arith.constant 0 : i32
      %dma_wait3A_99 = tpu.memref_slice %arg16[%dma_wait3A_98] : memref<2000xf32, #tpu.memory_space<vmem>> -> memref<256xf32, #tpu.memory_space<vmem>>
      %dma_wait3A_100 = tpu.memref_slice %arg6[%add3A_66] : memref<400384xf32, #tpu.memory_space<hbm>> -> memref<256xf32, #tpu.memory_space<hbm>>
      %dma_wait3A_101 = tpu.memref_slice %arg6[%add3A_66] : memref<400384xf32, #tpu.memory_space<hbm>> -> memref<256xf32, #tpu.memory_space<hbm>>
      %dma_wait3A_102 = arith.constant 0 : i32
      %dma_wait3A_103 = tpu.memref_slice %arg16[%dma_wait3A_102] : memref<2000xf32, #tpu.memory_space<vmem>> -> memref<256xf32, #tpu.memory_space<vmem>>
      tpu.wait_dma2 semaphore(%run_scoped3A : memref<!tpu.dma_semaphore, #tpu.memory_space<semaphore_mem>>) src(%dma_wait3A_103 : memref<256xf32, #tpu.memory_space<vmem>>) dst(%dma_wait3A_101 : memref<256xf32, #tpu.memory_space<hbm>>)
      tpu.yield
    }) : () -> ()
    %mul3A_67 = arith.constant 2 : i32
    %mul3A_68 = arith.muli %arg0, %mul3A_67 : i32
    %mul3A_69 = arith.constant 100096 : i32
    %mul3A_70 = arith.muli %mul3A_68, %mul3A_69 : i32
    %add3A_71 = arith.constant 100096 : i32
    %add3A_72 = arith.addi %mul3A_70, %add3A_71 : i32
    %mul3A_73 = arith.constant 6256 : i32
    %mul3A_74 = arith.muli %arg1, %mul3A_73 : i32
    %add3A_75 = arith.addi %add3A_72, %mul3A_74 : i32
    %add3A_76 = arith.constant 0 : i32
    %add3A_77 = arith.addi %mul3A_18, %add3A_76 : i32
    "tpu.region"() ({
      %run_scoped3A = tpu.sem_alloc : memref<!tpu.dma_semaphore, #tpu.memory_space<semaphore_mem>>
      %dma_start3A_92 = tpu.memref_slice %arg8[%add3A_77] : memref<100096xf32, #tpu.memory_space<vmem_shared>> -> memref<2000xf32, #tpu.memory_space<vmem_shared>>
      %dma_start3A_93 = tpu.memref_slice %arg8[%add3A_77] : memref<100096xf32, #tpu.memory_space<vmem_shared>> -> memref<2000xf32, #tpu.memory_space<vmem_shared>>
      tpu.enqueue_dma source(%dma_start3A_93 : memref<2000xf32, #tpu.memory_space<vmem_shared>>) target(%arg16 : memref<2000xf32, #tpu.memory_space<vmem>>) target_semaphore(%run_scoped3A : memref<!tpu.dma_semaphore, #tpu.memory_space<semaphore_mem>>)
      %dma_wait3A_94 = tpu.memref_slice %arg8[%add3A_77] : memref<100096xf32, #tpu.memory_space<vmem_shared>> -> memref<2000xf32, #tpu.memory_space<vmem_shared>>
      %dma_wait3A_95 = tpu.memref_slice %arg8[%add3A_77] : memref<100096xf32, #tpu.memory_space<vmem_shared>> -> memref<2000xf32, #tpu.memory_space<vmem_shared>>
      tpu.wait_dma2 semaphore(%run_scoped3A : memref<!tpu.dma_semaphore, #tpu.memory_space<semaphore_mem>>) src(%dma_wait3A_95 : memref<2000xf32, #tpu.memory_space<vmem_shared>>) dst(%arg16 : memref<2000xf32, #tpu.memory_space<vmem>>)
      tpu.yield
    }) : () -> ()
    %add3A_78 = arith.constant 0 : i32
    %add3A_79 = arith.addi %add3A_75, %add3A_78 : i32
    "tpu.region"() ({
      %run_scoped3A = tpu.sem_alloc : memref<!tpu.dma_semaphore, #tpu.memory_space<semaphore_mem>>
      %dma_start3A_92 = tpu.memref_slice %arg6[%add3A_79] : memref<400384xf32, #tpu.memory_space<hbm>> -> memref<2000xf32, #tpu.memory_space<hbm>>
      %dma_start3A_93 = tpu.memref_slice %arg6[%add3A_79] : memref<400384xf32, #tpu.memory_space<hbm>> -> memref<2000xf32, #tpu.memory_space<hbm>>
      tpu.enqueue_dma source(%arg16 : memref<2000xf32, #tpu.memory_space<vmem>>) target(%dma_start3A_93 : memref<2000xf32, #tpu.memory_space<hbm>>) target_semaphore(%run_scoped3A : memref<!tpu.dma_semaphore, #tpu.memory_space<semaphore_mem>>)
      %dma_wait3A_94 = tpu.memref_slice %arg6[%add3A_79] : memref<400384xf32, #tpu.memory_space<hbm>> -> memref<2000xf32, #tpu.memory_space<hbm>>
      %dma_wait3A_95 = tpu.memref_slice %arg6[%add3A_79] : memref<400384xf32, #tpu.memory_space<hbm>> -> memref<2000xf32, #tpu.memory_space<hbm>>
      tpu.wait_dma2 semaphore(%run_scoped3A : memref<!tpu.dma_semaphore, #tpu.memory_space<semaphore_mem>>) src(%arg16 : memref<2000xf32, #tpu.memory_space<vmem>>) dst(%dma_wait3A_95 : memref<2000xf32, #tpu.memory_space<hbm>>)
      tpu.yield
    }) : () -> ()
    %add3A_80 = arith.constant 2000 : i32
    %add3A_81 = arith.addi %mul3A_18, %add3A_80 : i32
    "tpu.region"() ({
      %run_scoped3A = tpu.sem_alloc : memref<!tpu.dma_semaphore, #tpu.memory_space<semaphore_mem>>
      %dma_start3A_92 = tpu.memref_slice %arg8[%add3A_81] : memref<100096xf32, #tpu.memory_space<vmem_shared>> -> memref<2000xf32, #tpu.memory_space<vmem_shared>>
      %dma_start3A_93 = tpu.memref_slice %arg8[%add3A_81] : memref<100096xf32, #tpu.memory_space<vmem_shared>> -> memref<2000xf32, #tpu.memory_space<vmem_shared>>
      tpu.enqueue_dma source(%dma_start3A_93 : memref<2000xf32, #tpu.memory_space<vmem_shared>>) target(%arg16 : memref<2000xf32, #tpu.memory_space<vmem>>) target_semaphore(%run_scoped3A : memref<!tpu.dma_semaphore, #tpu.memory_space<semaphore_mem>>)
      %dma_wait3A_94 = tpu.memref_slice %arg8[%add3A_81] : memref<100096xf32, #tpu.memory_space<vmem_shared>> -> memref<2000xf32, #tpu.memory_space<vmem_shared>>
      %dma_wait3A_95 = tpu.memref_slice %arg8[%add3A_81] : memref<100096xf32, #tpu.memory_space<vmem_shared>> -> memref<2000xf32, #tpu.memory_space<vmem_shared>>
      tpu.wait_dma2 semaphore(%run_scoped3A : memref<!tpu.dma_semaphore, #tpu.memory_space<semaphore_mem>>) src(%dma_wait3A_95 : memref<2000xf32, #tpu.memory_space<vmem_shared>>) dst(%arg16 : memref<2000xf32, #tpu.memory_space<vmem>>)
      tpu.yield
    }) : () -> ()
    %add3A_82 = arith.constant 2000 : i32
    %add3A_83 = arith.addi %add3A_75, %add3A_82 : i32
    "tpu.region"() ({
      %run_scoped3A = tpu.sem_alloc : memref<!tpu.dma_semaphore, #tpu.memory_space<semaphore_mem>>
      %dma_start3A_92 = tpu.memref_slice %arg6[%add3A_83] : memref<400384xf32, #tpu.memory_space<hbm>> -> memref<2000xf32, #tpu.memory_space<hbm>>
      %dma_start3A_93 = tpu.memref_slice %arg6[%add3A_83] : memref<400384xf32, #tpu.memory_space<hbm>> -> memref<2000xf32, #tpu.memory_space<hbm>>
      tpu.enqueue_dma source(%arg16 : memref<2000xf32, #tpu.memory_space<vmem>>) target(%dma_start3A_93 : memref<2000xf32, #tpu.memory_space<hbm>>) target_semaphore(%run_scoped3A : memref<!tpu.dma_semaphore, #tpu.memory_space<semaphore_mem>>)
      %dma_wait3A_94 = tpu.memref_slice %arg6[%add3A_83] : memref<400384xf32, #tpu.memory_space<hbm>> -> memref<2000xf32, #tpu.memory_space<hbm>>
      %dma_wait3A_95 = tpu.memref_slice %arg6[%add3A_83] : memref<400384xf32, #tpu.memory_space<hbm>> -> memref<2000xf32, #tpu.memory_space<hbm>>
      tpu.wait_dma2 semaphore(%run_scoped3A : memref<!tpu.dma_semaphore, #tpu.memory_space<semaphore_mem>>) src(%arg16 : memref<2000xf32, #tpu.memory_space<vmem>>) dst(%dma_wait3A_95 : memref<2000xf32, #tpu.memory_space<hbm>>)
      tpu.yield
    }) : () -> ()
    %add3A_84 = arith.constant 4000 : i32
    %add3A_85 = arith.addi %mul3A_18, %add3A_84 : i32
    "tpu.region"() ({
      %run_scoped3A = tpu.sem_alloc : memref<!tpu.dma_semaphore, #tpu.memory_space<semaphore_mem>>
      %dma_start3A_92 = tpu.memref_slice %arg8[%add3A_85] : memref<100096xf32, #tpu.memory_space<vmem_shared>> -> memref<2000xf32, #tpu.memory_space<vmem_shared>>
      %dma_start3A_93 = tpu.memref_slice %arg8[%add3A_85] : memref<100096xf32, #tpu.memory_space<vmem_shared>> -> memref<2000xf32, #tpu.memory_space<vmem_shared>>
      tpu.enqueue_dma source(%dma_start3A_93 : memref<2000xf32, #tpu.memory_space<vmem_shared>>) target(%arg16 : memref<2000xf32, #tpu.memory_space<vmem>>) target_semaphore(%run_scoped3A : memref<!tpu.dma_semaphore, #tpu.memory_space<semaphore_mem>>)
      %dma_wait3A_94 = tpu.memref_slice %arg8[%add3A_85] : memref<100096xf32, #tpu.memory_space<vmem_shared>> -> memref<2000xf32, #tpu.memory_space<vmem_shared>>
      %dma_wait3A_95 = tpu.memref_slice %arg8[%add3A_85] : memref<100096xf32, #tpu.memory_space<vmem_shared>> -> memref<2000xf32, #tpu.memory_space<vmem_shared>>
      tpu.wait_dma2 semaphore(%run_scoped3A : memref<!tpu.dma_semaphore, #tpu.memory_space<semaphore_mem>>) src(%dma_wait3A_95 : memref<2000xf32, #tpu.memory_space<vmem_shared>>) dst(%arg16 : memref<2000xf32, #tpu.memory_space<vmem>>)
      tpu.yield
    }) : () -> ()
    %add3A_86 = arith.constant 4000 : i32
    %add3A_87 = arith.addi %add3A_75, %add3A_86 : i32
    "tpu.region"() ({
      %run_scoped3A = tpu.sem_alloc : memref<!tpu.dma_semaphore, #tpu.memory_space<semaphore_mem>>
      %dma_start3A_92 = tpu.memref_slice %arg6[%add3A_87] : memref<400384xf32, #tpu.memory_space<hbm>> -> memref<2000xf32, #tpu.memory_space<hbm>>
      %dma_start3A_93 = tpu.memref_slice %arg6[%add3A_87] : memref<400384xf32, #tpu.memory_space<hbm>> -> memref<2000xf32, #tpu.memory_space<hbm>>
      tpu.enqueue_dma source(%arg16 : memref<2000xf32, #tpu.memory_space<vmem>>) target(%dma_start3A_93 : memref<2000xf32, #tpu.memory_space<hbm>>) target_semaphore(%run_scoped3A : memref<!tpu.dma_semaphore, #tpu.memory_space<semaphore_mem>>)
      %dma_wait3A_94 = tpu.memref_slice %arg6[%add3A_87] : memref<400384xf32, #tpu.memory_space<hbm>> -> memref<2000xf32, #tpu.memory_space<hbm>>
      %dma_wait3A_95 = tpu.memref_slice %arg6[%add3A_87] : memref<400384xf32, #tpu.memory_space<hbm>> -> memref<2000xf32, #tpu.memory_space<hbm>>
      tpu.wait_dma2 semaphore(%run_scoped3A : memref<!tpu.dma_semaphore, #tpu.memory_space<semaphore_mem>>) src(%arg16 : memref<2000xf32, #tpu.memory_space<vmem>>) dst(%dma_wait3A_95 : memref<2000xf32, #tpu.memory_space<hbm>>)
      tpu.yield
    }) : () -> ()
    %add3A_88 = arith.constant 6000 : i32
    %add3A_89 = arith.addi %mul3A_18, %add3A_88 : i32
    "tpu.region"() ({
      %run_scoped3A = tpu.sem_alloc : memref<!tpu.dma_semaphore, #tpu.memory_space<semaphore_mem>>
      %dma_start3A_92 = arith.constant 0 : i32
      %dma_start3A_93 = tpu.memref_slice %arg16[%dma_start3A_92] : memref<2000xf32, #tpu.memory_space<vmem>> -> memref<256xf32, #tpu.memory_space<vmem>>
      %dma_start3A_94 = tpu.memref_slice %arg8[%add3A_89] : memref<100096xf32, #tpu.memory_space<vmem_shared>> -> memref<256xf32, #tpu.memory_space<vmem_shared>>
      %dma_start3A_95 = arith.constant 0 : i32
      %dma_start3A_96 = tpu.memref_slice %arg16[%dma_start3A_95] : memref<2000xf32, #tpu.memory_space<vmem>> -> memref<256xf32, #tpu.memory_space<vmem>>
      %dma_start3A_97 = tpu.memref_slice %arg8[%add3A_89] : memref<100096xf32, #tpu.memory_space<vmem_shared>> -> memref<256xf32, #tpu.memory_space<vmem_shared>>
      tpu.enqueue_dma source(%dma_start3A_97 : memref<256xf32, #tpu.memory_space<vmem_shared>>) target(%dma_start3A_96 : memref<256xf32, #tpu.memory_space<vmem>>) target_semaphore(%run_scoped3A : memref<!tpu.dma_semaphore, #tpu.memory_space<semaphore_mem>>)
      %dma_wait3A_98 = arith.constant 0 : i32
      %dma_wait3A_99 = tpu.memref_slice %arg16[%dma_wait3A_98] : memref<2000xf32, #tpu.memory_space<vmem>> -> memref<256xf32, #tpu.memory_space<vmem>>
      %dma_wait3A_100 = tpu.memref_slice %arg8[%add3A_89] : memref<100096xf32, #tpu.memory_space<vmem_shared>> -> memref<256xf32, #tpu.memory_space<vmem_shared>>
      %dma_wait3A_101 = arith.constant 0 : i32
      %dma_wait3A_102 = tpu.memref_slice %arg16[%dma_wait3A_101] : memref<2000xf32, #tpu.memory_space<vmem>> -> memref<256xf32, #tpu.memory_space<vmem>>
      %dma_wait3A_103 = tpu.memref_slice %arg8[%add3A_89] : memref<100096xf32, #tpu.memory_space<vmem_shared>> -> memref<256xf32, #tpu.memory_space<vmem_shared>>
      tpu.wait_dma2 semaphore(%run_scoped3A : memref<!tpu.dma_semaphore, #tpu.memory_space<semaphore_mem>>) src(%dma_wait3A_103 : memref<256xf32, #tpu.memory_space<vmem_shared>>) dst(%dma_wait3A_102 : memref<256xf32, #tpu.memory_space<vmem>>)
      tpu.yield
    }) : () -> ()
    %add3A_90 = arith.constant 6000 : i32
    %add3A_91 = arith.addi %add3A_75, %add3A_90 : i32
    "tpu.region"() ({
      %run_scoped3A = tpu.sem_alloc : memref<!tpu.dma_semaphore, #tpu.memory_space<semaphore_mem>>
      %dma_start3A_92 = arith.constant 0 : i32
      %dma_start3A_93 = tpu.memref_slice %arg16[%dma_start3A_92] : memref<2000xf32, #tpu.memory_space<vmem>> -> memref<256xf32, #tpu.memory_space<vmem>>
      %dma_start3A_94 = tpu.memref_slice %arg6[%add3A_91] : memref<400384xf32, #tpu.memory_space<hbm>> -> memref<256xf32, #tpu.memory_space<hbm>>
      %dma_start3A_95 = tpu.memref_slice %arg6[%add3A_91] : memref<400384xf32, #tpu.memory_space<hbm>> -> memref<256xf32, #tpu.memory_space<hbm>>
      %dma_start3A_96 = arith.constant 0 : i32
      %dma_start3A_97 = tpu.memref_slice %arg16[%dma_start3A_96] : memref<2000xf32, #tpu.memory_space<vmem>> -> memref<256xf32, #tpu.memory_space<vmem>>
      tpu.enqueue_dma source(%dma_start3A_97 : memref<256xf32, #tpu.memory_space<vmem>>) target(%dma_start3A_95 : memref<256xf32, #tpu.memory_space<hbm>>) target_semaphore(%run_scoped3A : memref<!tpu.dma_semaphore, #tpu.memory_space<semaphore_mem>>)
      %dma_wait3A_98 = arith.constant 0 : i32
      %dma_wait3A_99 = tpu.memref_slice %arg16[%dma_wait3A_98] : memref<2000xf32, #tpu.memory_space<vmem>> -> memref<256xf32, #tpu.memory_space<vmem>>
      %dma_wait3A_100 = tpu.memref_slice %arg6[%add3A_91] : memref<400384xf32, #tpu.memory_space<hbm>> -> memref<256xf32, #tpu.memory_space<hbm>>
      %dma_wait3A_101 = tpu.memref_slice %arg6[%add3A_91] : memref<400384xf32, #tpu.memory_space<hbm>> -> memref<256xf32, #tpu.memory_space<hbm>>
      %dma_wait3A_102 = arith.constant 0 : i32
      %dma_wait3A_103 = tpu.memref_slice %arg16[%dma_wait3A_102] : memref<2000xf32, #tpu.memory_space<vmem>> -> memref<256xf32, #tpu.memory_space<vmem>>
      tpu.wait_dma2 semaphore(%run_scoped3A : memref<!tpu.dma_semaphore, #tpu.memory_space<semaphore_mem>>) src(%dma_wait3A_103 : memref<256xf32, #tpu.memory_space<vmem>>) dst(%dma_wait3A_101 : memref<256xf32, #tpu.memory_space<hbm>>)
      tpu.yield
    }) : () -> ()
    return
  }
}

#map = affine_map<(d0, d1) -> (0)>
module attributes {stable_mosaic.version = 14 : i64} {
  func.func @_sc_spmv1(%arg0: i32, %arg1: i32, %arg2: memref<3200000xi32, #tpu.memory_space<hbm>>, %arg3: memref<3200000xi32, #tpu.memory_space<hbm>>, %arg4: memref<3200000xf32, #tpu.memory_space<hbm>>, %arg5: memref<200192xf32, #tpu.memory_space<hbm>>, %arg6: memref<200192xf32, #tpu.memory_space<hbm>>, %arg7: memref<100096xf32, #tpu.memory_space<vmem_shared>>, %arg8: memref<6256xf32, #tpu.memory_space<vmem>>, %arg9: memref<100096xf32, #tpu.memory_space<vmem>>, %arg10: memref<2000xi32, #tpu.memory_space<vmem>>, %arg11: memref<2000xi32, #tpu.memory_space<vmem>>, %arg12: memref<2000xi32, #tpu.memory_space<vmem>>, %arg13: memref<2000xi32, #tpu.memory_space<vmem>>, %arg14: memref<2000xf32, #tpu.memory_space<vmem>>, %arg15: memref<2000xf32, #tpu.memory_space<vmem>>, %arg16: memref<2000xf32, #tpu.memory_space<vmem>>, %arg17: memref<2000xf32, #tpu.memory_space<vmem>>, %arg18: memref<!tpu.dma_semaphore, #tpu.memory_space<semaphore_mem>>, %arg19: memref<!tpu.dma_semaphore, #tpu.memory_space<semaphore_mem>>, %arg20: memref<!tpu.dma_semaphore, #tpu.memory_space<semaphore_mem>>, %arg21: memref<!tpu.dma_semaphore, #tpu.memory_space<semaphore_mem>>) attributes {dimension_semantics = [#tpu.dimension_semantics<core_parallel>, #tpu.dimension_semantics<subcore_parallel>], iteration_bounds = array<i64: 2, 16>, scalar_prefetch = 0 : i64, scratch_operands = 15 : i64, tpu.core_type = #tpu.core_type<sc_vector_subcore>, window_params = [{transform_indices = #map}, {transform_indices = #map}, {transform_indices = #map}, {transform_indices = #map}, {transform_indices = #map}]} {
    %mul3A = arith.constant 2 : i32
    %mul3A_0 = arith.muli %arg1, %mul3A : i32
    %add3A = arith.addi %mul3A_0, %arg0 : i32
    %mul3A_1 = arith.constant 100000 : i32
    %mul3A_2 = arith.muli %add3A, %mul3A_1 : i32
    %add3A_3 = arith.constant 0 : i32
    %add3A_4 = arith.addi %mul3A_2, %add3A_3 : i32
    %dma_start3A = tpu.memref_slice %arg2[%add3A_4] : memref<3200000xi32, #tpu.memory_space<hbm>> -> memref<2000xi32, #tpu.memory_space<hbm>>
    %dma_start3A_5 = tpu.memref_slice %arg2[%add3A_4] : memref<3200000xi32, #tpu.memory_space<hbm>> -> memref<2000xi32, #tpu.memory_space<hbm>>
    tpu.enqueue_dma source(%dma_start3A_5 : memref<2000xi32, #tpu.memory_space<hbm>>) target(%arg10 : memref<2000xi32, #tpu.memory_space<vmem>>) target_semaphore(%arg18 : memref<!tpu.dma_semaphore, #tpu.memory_space<semaphore_mem>>)
    %dma_start3A_6 = tpu.memref_slice %arg3[%add3A_4] : memref<3200000xi32, #tpu.memory_space<hbm>> -> memref<2000xi32, #tpu.memory_space<hbm>>
    %dma_start3A_7 = tpu.memref_slice %arg3[%add3A_4] : memref<3200000xi32, #tpu.memory_space<hbm>> -> memref<2000xi32, #tpu.memory_space<hbm>>
    tpu.enqueue_dma source(%dma_start3A_7 : memref<2000xi32, #tpu.memory_space<hbm>>) target(%arg12 : memref<2000xi32, #tpu.memory_space<vmem>>) target_semaphore(%arg18 : memref<!tpu.dma_semaphore, #tpu.memory_space<semaphore_mem>>)
    %dma_start3A_8 = tpu.memref_slice %arg4[%add3A_4] : memref<3200000xf32, #tpu.memory_space<hbm>> -> memref<2000xf32, #tpu.memory_space<hbm>>
    %dma_start3A_9 = tpu.memref_slice %arg4[%add3A_4] : memref<3200000xf32, #tpu.memory_space<hbm>> -> memref<2000xf32, #tpu.memory_space<hbm>>
    tpu.enqueue_dma source(%dma_start3A_9 : memref<2000xf32, #tpu.memory_space<hbm>>) target(%arg14 : memref<2000xf32, #tpu.memory_space<vmem>>) target_semaphore(%arg18 : memref<!tpu.dma_semaphore, #tpu.memory_space<semaphore_mem>>)
    %broadcast_in_dim3A = arith.constant 0.000000e+00 : f32
    %broadcast_in_dim3A_10 = vector.broadcast %broadcast_in_dim3A : f32 to vector<16xf32>
    %scan3A = arith.constant 0 : i32
    %scan3A_11 = arith.constant 391 : i32
    %scan3A_12 = arith.addi %scan3A, %scan3A_11 : i32
    %scan3A_13 = arith.constant 1 : i32
    scf.for %scan3A_31 = %scan3A to %scan3A_12 step %scan3A_13  : i32 {
      %mul3A_32 = arith.constant 16 : i32
      %mul3A_33 = arith.muli %scan3A_31, %mul3A_32 : i32
      %swap3A = arith.index_cast %mul3A_33 : i32 to index
      %swap3A_34 = tpu.vector_load %arg8[%swap3A] {strides = array<i32>} : memref<6256xf32, #tpu.memory_space<vmem>>, vector<16xf32>,
      tpu.vector_store %arg8[%swap3A], %broadcast_in_dim3A_10 {strides = array<i32>} : memref<6256xf32, #tpu.memory_space<vmem>>, vector<16xf32>,
    }
    %scan3A_14 = arith.constant 391 : i32
    %mul3A_15 = arith.constant 6256 : i32
    %mul3A_16 = arith.muli %arg1, %mul3A_15 : i32
    "tpu.region"() ({
      %run_scoped3A = tpu.sem_alloc : memref<!tpu.dma_semaphore, #tpu.memory_space<semaphore_mem>>
      %dma_start3A_31 = tpu.memref_slice %arg7[%mul3A_16] : memref<100096xf32, #tpu.memory_space<vmem_shared>> -> memref<6256xf32, #tpu.memory_space<vmem_shared>>
      %dma_start3A_32 = tpu.memref_slice %arg7[%mul3A_16] : memref<100096xf32, #tpu.memory_space<vmem_shared>> -> memref<6256xf32, #tpu.memory_space<vmem_shared>>
      tpu.enqueue_dma source(%arg8 : memref<6256xf32, #tpu.memory_space<vmem>>) target(%dma_start3A_32 : memref<6256xf32, #tpu.memory_space<vmem_shared>>) target_semaphore(%run_scoped3A : memref<!tpu.dma_semaphore, #tpu.memory_space<semaphore_mem>>)
      %dma_wait3A_33 = tpu.memref_slice %arg7[%mul3A_16] : memref<100096xf32, #tpu.memory_space<vmem_shared>> -> memref<6256xf32, #tpu.memory_space<vmem_shared>>
      %dma_wait3A_34 = tpu.memref_slice %arg7[%mul3A_16] : memref<100096xf32, #tpu.memory_space<vmem_shared>> -> memref<6256xf32, #tpu.memory_space<vmem_shared>>
      tpu.wait_dma2 semaphore(%run_scoped3A : memref<!tpu.dma_semaphore, #tpu.memory_space<semaphore_mem>>) src(%arg8 : memref<6256xf32, #tpu.memory_space<vmem>>) dst(%dma_wait3A_34 : memref<6256xf32, #tpu.memory_space<vmem_shared>>)
      tpu.yield
    }) : () -> ()
    "tpu.region"() ({
      %run_scoped3A = tpu.sem_alloc : memref<!tpu.dma_semaphore, #tpu.memory_space<semaphore_mem>>
      %dma_start3A_31 = arith.constant 100096 : i32
      %dma_start3A_32 = tpu.memref_slice %arg5[%dma_start3A_31] : memref<200192xf32, #tpu.memory_space<hbm>> -> memref<100096xf32, #tpu.memory_space<hbm>>
      %dma_start3A_33 = arith.constant 100096 : i32
      %dma_start3A_34 = tpu.memref_slice %arg5[%dma_start3A_33] : memref<200192xf32, #tpu.memory_space<hbm>> -> memref<100096xf32, #tpu.memory_space<hbm>>
      tpu.enqueue_dma source(%dma_start3A_34 : memref<100096xf32, #tpu.memory_space<hbm>>) target(%arg9 : memref<100096xf32, #tpu.memory_space<vmem>>) target_semaphore(%run_scoped3A : memref<!tpu.dma_semaphore, #tpu.memory_space<semaphore_mem>>)
      %dma_wait3A_35 = arith.constant 100096 : i32
      %dma_wait3A_36 = tpu.memref_slice %arg5[%dma_wait3A_35] : memref<200192xf32, #tpu.memory_space<hbm>> -> memref<100096xf32, #tpu.memory_space<hbm>>
      %dma_wait3A_37 = arith.constant 100096 : i32
      %dma_wait3A_38 = tpu.memref_slice %arg5[%dma_wait3A_37] : memref<200192xf32, #tpu.memory_space<hbm>> -> memref<100096xf32, #tpu.memory_space<hbm>>
      tpu.wait_dma2 semaphore(%run_scoped3A : memref<!tpu.dma_semaphore, #tpu.memory_space<semaphore_mem>>) src(%dma_wait3A_38 : memref<100096xf32, #tpu.memory_space<hbm>>) dst(%arg9 : memref<100096xf32, #tpu.memory_space<vmem>>)
      tpu.yield
    }) : () -> ()
    %barrier3A = arith.constant 0 : index
    tpu.barrier barrier_id(%barrier3A)
    %scan3A_17 = arith.constant 0 : i32
    %scan3A_18 = arith.constant 25 : i32
    %scan3A_19 = arith.addi %scan3A_17, %scan3A_18 : i32
    %scan3A_20 = arith.constant 1 : i32
    scf.for %scan3A_31 = %scan3A_17 to %scan3A_19 step %scan3A_20  : i32 {
      %mul3A_32 = arith.constant 2 : i32
      %mul3A_33 = arith.muli %mul3A_32, %scan3A_31 : i32
      %add3A_34 = arith.constant 0 : i32
      %add3A_35 = arith.addi %mul3A_33, %add3A_34 : i32
      %gt3A = arith.constant 0 : i32
      %gt3A_36 = arith.cmpi sgt, %scan3A_31, %gt3A : i32
      %convert_element_type3A = arith.extui %gt3A_36 : i1 to i32
      %cond3A = arith.constant 0 : i32
      %cond3A_37 = arith.cmpi ne, %convert_element_type3A, %cond3A : i32
      scf.if %cond3A_37 {
        %dma_wait3A_86 = arith.constant 0 : i32
        %dma_wait3A_87 = tpu.memref_slice %arg7[%dma_wait3A_86] : memref<100096xf32, #tpu.memory_space<vmem_shared>> -> memref<100096xf32, #tpu.memory_space<vmem_shared>>
        tpu.wait_indirect_dma semaphore(%arg21 : memref<!tpu.dma_semaphore, #tpu.memory_space<semaphore_mem>>) src(%arg17 : memref<2000xf32, #tpu.memory_space<vmem>>) dst(%dma_wait3A_87 : memref<100096xf32, #tpu.memory_space<vmem_shared>>)
      } else {
      }
      %add3A_38 = arith.constant 1 : i32
      %add3A_39 = arith.addi %add3A_35, %add3A_38 : i32
      %mul3A_40 = arith.constant 2000 : i32
      %mul3A_41 = arith.muli %add3A_39, %mul3A_40 : i32
      %add3A_42 = arith.addi %mul3A_2, %mul3A_41 : i32
      %dma_start3A_43 = tpu.memref_slice %arg2[%add3A_42] : memref<3200000xi32, #tpu.memory_space<hbm>> -> memref<2000xi32, #tpu.memory_space<hbm>>
      %dma_start3A_44 = tpu.memref_slice %arg2[%add3A_42] : memref<3200000xi32, #tpu.memory_space<hbm>> -> memref<2000xi32, #tpu.memory_space<hbm>>
      tpu.enqueue_dma source(%dma_start3A_44 : memref<2000xi32, #tpu.memory_space<hbm>>) target(%arg11 : memref<2000xi32, #tpu.memory_space<vmem>>) target_semaphore(%arg19 : memref<!tpu.dma_semaphore, #tpu.memory_space<semaphore_mem>>)
      %dma_start3A_45 = tpu.memref_slice %arg3[%add3A_42] : memref<3200000xi32, #tpu.memory_space<hbm>> -> memref<2000xi32, #tpu.memory_space<hbm>>
      %dma_start3A_46 = tpu.memref_slice %arg3[%add3A_42] : memref<3200000xi32, #tpu.memory_space<hbm>> -> memref<2000xi32, #tpu.memory_space<hbm>>
      tpu.enqueue_dma source(%dma_start3A_46 : memref<2000xi32, #tpu.memory_space<hbm>>) target(%arg13 : memref<2000xi32, #tpu.memory_space<vmem>>) target_semaphore(%arg19 : memref<!tpu.dma_semaphore, #tpu.memory_space<semaphore_mem>>)
      %dma_start3A_47 = tpu.memref_slice %arg4[%add3A_42] : memref<3200000xf32, #tpu.memory_space<hbm>> -> memref<2000xf32, #tpu.memory_space<hbm>>
      %dma_start3A_48 = tpu.memref_slice %arg4[%add3A_42] : memref<3200000xf32, #tpu.memory_space<hbm>> -> memref<2000xf32, #tpu.memory_space<hbm>>
      tpu.enqueue_dma source(%dma_start3A_48 : memref<2000xf32, #tpu.memory_space<hbm>>) target(%arg15 : memref<2000xf32, #tpu.memory_space<vmem>>) target_semaphore(%arg19 : memref<!tpu.dma_semaphore, #tpu.memory_space<semaphore_mem>>)
      %mul3A_49 = arith.constant 2000 : i32
      %mul3A_50 = arith.muli %add3A_35, %mul3A_49 : i32
      %add3A_51 = arith.addi %mul3A_2, %mul3A_50 : i32
      %dma_wait3A_52 = tpu.memref_slice %arg2[%add3A_51] : memref<3200000xi32, #tpu.memory_space<hbm>> -> memref<2000xi32, #tpu.memory_space<hbm>>
      %dma_wait3A_53 = tpu.memref_slice %arg2[%add3A_51] : memref<3200000xi32, #tpu.memory_space<hbm>> -> memref<2000xi32, #tpu.memory_space<hbm>>
      tpu.wait_dma2 semaphore(%arg18 : memref<!tpu.dma_semaphore, #tpu.memory_space<semaphore_mem>>) src(%dma_wait3A_53 : memref<2000xi32, #tpu.memory_space<hbm>>) dst(%arg10 : memref<2000xi32, #tpu.memory_space<vmem>>)
      %dma_wait3A_54 = tpu.memref_slice %arg3[%add3A_51] : memref<3200000xi32, #tpu.memory_space<hbm>> -> memref<2000xi32, #tpu.memory_space<hbm>>
      %dma_wait3A_55 = tpu.memref_slice %arg3[%add3A_51] : memref<3200000xi32, #tpu.memory_space<hbm>> -> memref<2000xi32, #tpu.memory_space<hbm>>
      tpu.wait_dma2 semaphore(%arg18 : memref<!tpu.dma_semaphore, #tpu.memory_space<semaphore_mem>>) src(%dma_wait3A_55 : memref<2000xi32, #tpu.memory_space<hbm>>) dst(%arg12 : memref<2000xi32, #tpu.memory_space<vmem>>)
      %dma_wait3A_56 = tpu.memref_slice %arg4[%add3A_51] : memref<3200000xf32, #tpu.memory_space<hbm>> -> memref<2000xf32, #tpu.memory_space<hbm>>
      %dma_wait3A_57 = tpu.memref_slice %arg4[%add3A_51] : memref<3200000xf32, #tpu.memory_space<hbm>> -> memref<2000xf32, #tpu.memory_space<hbm>>
      tpu.wait_dma2 semaphore(%arg18 : memref<!tpu.dma_semaphore, #tpu.memory_space<semaphore_mem>>) src(%dma_wait3A_57 : memref<2000xf32, #tpu.memory_space<hbm>>) dst(%arg14 : memref<2000xf32, #tpu.memory_space<vmem>>)
      %parallel_loop3A = arith.constant 0 : i32
      %parallel_loop3A_58 = arith.constant 2000 : i32
      %parallel_loop3A_59 = arith.constant 16 : i32
      scf.for %parallel_loop3A_86 = %parallel_loop3A to %parallel_loop3A_58 step %parallel_loop3A_59  : i32 {
        %parallel_loop3A_87 = arith.index_cast %parallel_loop3A_86 : i32 to index
        %parallel_loop3A_88 = tpu.vector_load %arg10[%parallel_loop3A_87] {strides = array<i32>} : memref<2000xi32, #tpu.memory_space<vmem>>, vector<16xi32>,
        %parallel_loop3A_89 = tpu.vector_load_idx %arg9[%parallel_loop3A_88] : memref<100096xf32, #tpu.memory_space<vmem>>[vector<16xi32>], vector<16xf32>,
        %parallel_loop3A_90 = arith.index_cast %parallel_loop3A_86 : i32 to index
        %parallel_loop3A_91 = tpu.vector_load %arg14[%parallel_loop3A_90] {strides = array<i32>} : memref<2000xf32, #tpu.memory_space<vmem>>, vector<16xf32>,
        %parallel_loop3A_92 = arith.mulf %parallel_loop3A_91, %parallel_loop3A_89 : vector<16xf32>
        %parallel_loop3A_93 = arith.index_cast %parallel_loop3A_86 : i32 to index
        %parallel_loop3A_94 = tpu.vector_load %arg16[%parallel_loop3A_93] {strides = array<i32>} : memref<2000xf32, #tpu.memory_space<vmem>>, vector<16xf32>,
        tpu.vector_store %arg16[%parallel_loop3A_93], %parallel_loop3A_92 {strides = array<i32>} : memref<2000xf32, #tpu.memory_space<vmem>>, vector<16xf32>,
      } {sc.loop_unroll_factor = 8 : i64, sc.parallel_access}
      %dma_start3A_60 = arith.constant 0 : i32
      %dma_start3A_61 = tpu.memref_slice %arg7[%dma_start3A_60] : memref<100096xf32, #tpu.memory_space<vmem_shared>> -> memref<100096xf32, #tpu.memory_space<vmem_shared>>
      tpu.enqueue_indirect_dma source(%arg16 : memref<2000xf32, #tpu.memory_space<vmem>>) target(%dma_start3A_61 : memref<100096xf32, #tpu.memory_space<vmem_shared>>) offsets(%arg12 : memref<2000xi32, #tpu.memory_space<vmem>>) semaphore(%arg20 : memref<!tpu.dma_semaphore, #tpu.memory_space<semaphore_mem>>) {add = true}
      %mul3A_62 = arith.constant 2 : i32
      %mul3A_63 = arith.muli %mul3A_62, %scan3A_31 : i32
      %add3A_64 = arith.constant 1 : i32
      %add3A_65 = arith.addi %mul3A_63, %add3A_64 : i32
      %dma_wait3A_66 = arith.constant 0 : i32
      %dma_wait3A_67 = tpu.memref_slice %arg7[%dma_wait3A_66] : memref<100096xf32, #tpu.memory_space<vmem_shared>> -> memref<100096xf32, #tpu.memory_space<vmem_shared>>
      tpu.wait_indirect_dma semaphore(%arg20 : memref<!tpu.dma_semaphore, #tpu.memory_space<semaphore_mem>>) src(%arg16 : memref<2000xf32, #tpu.memory_space<vmem>>) dst(%dma_wait3A_67 : memref<100096xf32, #tpu.memory_space<vmem_shared>>)
      %lt3A = arith.constant 24 : i32
      %lt3A_68 = arith.cmpi slt, %scan3A_31, %lt3A : i32
      %convert_element_type3A_69 = arith.extui %lt3A_68 : i1 to i32
      %cond3A_70 = arith.constant 0 : i32
      %cond3A_71 = arith.cmpi ne, %convert_element_type3A_69, %cond3A_70 : i32
      scf.if %cond3A_71 {
        %add3A_86 = arith.constant 1 : i32
        %add3A_87 = arith.addi %add3A_65, %add3A_86 : i32
        %mul3A_88 = arith.constant 2000 : i32
        %mul3A_89 = arith.muli %add3A_87, %mul3A_88 : i32
        %add3A_90 = arith.addi %mul3A_2, %mul3A_89 : i32
        %dma_start3A_91 = tpu.memref_slice %arg2[%add3A_90] : memref<3200000xi32, #tpu.memory_space<hbm>> -> memref<2000xi32, #tpu.memory_space<hbm>>
        %dma_start3A_92 = tpu.memref_slice %arg2[%add3A_90] : memref<3200000xi32, #tpu.memory_space<hbm>> -> memref<2000xi32, #tpu.memory_space<hbm>>
        tpu.enqueue_dma source(%dma_start3A_92 : memref<2000xi32, #tpu.memory_space<hbm>>) target(%arg10 : memref<2000xi32, #tpu.memory_space<vmem>>) target_semaphore(%arg18 : memref<!tpu.dma_semaphore, #tpu.memory_space<semaphore_mem>>)
        %dma_start3A_93 = tpu.memref_slice %arg3[%add3A_90] : memref<3200000xi32, #tpu.memory_space<hbm>> -> memref<2000xi32, #tpu.memory_space<hbm>>
        %dma_start3A_94 = tpu.memref_slice %arg3[%add3A_90] : memref<3200000xi32, #tpu.memory_space<hbm>> -> memref<2000xi32, #tpu.memory_space<hbm>>
        tpu.enqueue_dma source(%dma_start3A_94 : memref<2000xi32, #tpu.memory_space<hbm>>) target(%arg12 : memref<2000xi32, #tpu.memory_space<vmem>>) target_semaphore(%arg18 : memref<!tpu.dma_semaphore, #tpu.memory_space<semaphore_mem>>)
        %dma_start3A_95 = tpu.memref_slice %arg4[%add3A_90] : memref<3200000xf32, #tpu.memory_space<hbm>> -> memref<2000xf32, #tpu.memory_space<hbm>>
        %dma_start3A_96 = tpu.memref_slice %arg4[%add3A_90] : memref<3200000xf32, #tpu.memory_space<hbm>> -> memref<2000xf32, #tpu.memory_space<hbm>>
        tpu.enqueue_dma source(%dma_start3A_96 : memref<2000xf32, #tpu.memory_space<hbm>>) target(%arg14 : memref<2000xf32, #tpu.memory_space<vmem>>) target_semaphore(%arg18 : memref<!tpu.dma_semaphore, #tpu.memory_space<semaphore_mem>>)
      } else {
      }
      %mul3A_72 = arith.constant 2000 : i32
      %mul3A_73 = arith.muli %add3A_65, %mul3A_72 : i32
      %add3A_74 = arith.addi %mul3A_2, %mul3A_73 : i32
      %dma_wait3A_75 = tpu.memref_slice %arg2[%add3A_74] : memref<3200000xi32, #tpu.memory_space<hbm>> -> memref<2000xi32, #tpu.memory_space<hbm>>
      %dma_wait3A_76 = tpu.memref_slice %arg2[%add3A_74] : memref<3200000xi32, #tpu.memory_space<hbm>> -> memref<2000xi32, #tpu.memory_space<hbm>>
      tpu.wait_dma2 semaphore(%arg19 : memref<!tpu.dma_semaphore, #tpu.memory_space<semaphore_mem>>) src(%dma_wait3A_76 : memref<2000xi32, #tpu.memory_space<hbm>>) dst(%arg11 : memref<2000xi32, #tpu.memory_space<vmem>>)
      %dma_wait3A_77 = tpu.memref_slice %arg3[%add3A_74] : memref<3200000xi32, #tpu.memory_space<hbm>> -> memref<2000xi32, #tpu.memory_space<hbm>>
      %dma_wait3A_78 = tpu.memref_slice %arg3[%add3A_74] : memref<3200000xi32, #tpu.memory_space<hbm>> -> memref<2000xi32, #tpu.memory_space<hbm>>
      tpu.wait_dma2 semaphore(%arg19 : memref<!tpu.dma_semaphore, #tpu.memory_space<semaphore_mem>>) src(%dma_wait3A_78 : memref<2000xi32, #tpu.memory_space<hbm>>) dst(%arg13 : memref<2000xi32, #tpu.memory_space<vmem>>)
      %dma_wait3A_79 = tpu.memref_slice %arg4[%add3A_74] : memref<3200000xf32, #tpu.memory_space<hbm>> -> memref<2000xf32, #tpu.memory_space<hbm>>
      %dma_wait3A_80 = tpu.memref_slice %arg4[%add3A_74] : memref<3200000xf32, #tpu.memory_space<hbm>> -> memref<2000xf32, #tpu.memory_space<hbm>>
      tpu.wait_dma2 semaphore(%arg19 : memref<!tpu.dma_semaphore, #tpu.memory_space<semaphore_mem>>) src(%dma_wait3A_80 : memref<2000xf32, #tpu.memory_space<hbm>>) dst(%arg15 : memref<2000xf32, #tpu.memory_space<vmem>>)
      %parallel_loop3A_81 = arith.constant 0 : i32
      %parallel_loop3A_82 = arith.constant 2000 : i32
      %parallel_loop3A_83 = arith.constant 16 : i32
      scf.for %parallel_loop3A_86 = %parallel_loop3A_81 to %parallel_loop3A_82 step %parallel_loop3A_83  : i32 {
        %parallel_loop3A_87 = arith.index_cast %parallel_loop3A_86 : i32 to index
        %parallel_loop3A_88 = tpu.vector_load %arg11[%parallel_loop3A_87] {strides = array<i32>} : memref<2000xi32, #tpu.memory_space<vmem>>, vector<16xi32>,
        %parallel_loop3A_89 = tpu.vector_load_idx %arg9[%parallel_loop3A_88] : memref<100096xf32, #tpu.memory_space<vmem>>[vector<16xi32>], vector<16xf32>,
        %parallel_loop3A_90 = arith.index_cast %parallel_loop3A_86 : i32 to index
        %parallel_loop3A_91 = tpu.vector_load %arg15[%parallel_loop3A_90] {strides = array<i32>} : memref<2000xf32, #tpu.memory_space<vmem>>, vector<16xf32>,
        %parallel_loop3A_92 = arith.mulf %parallel_loop3A_91, %parallel_loop3A_89 : vector<16xf32>
        %parallel_loop3A_93 = arith.index_cast %parallel_loop3A_86 : i32 to index
        %parallel_loop3A_94 = tpu.vector_load %arg17[%parallel_loop3A_93] {strides = array<i32>} : memref<2000xf32, #tpu.memory_space<vmem>>, vector<16xf32>,
        tpu.vector_store %arg17[%parallel_loop3A_93], %parallel_loop3A_92 {strides = array<i32>} : memref<2000xf32, #tpu.memory_space<vmem>>, vector<16xf32>,
      } {sc.loop_unroll_factor = 8 : i64, sc.parallel_access}
      %dma_start3A_84 = arith.constant 0 : i32
      %dma_start3A_85 = tpu.memref_slice %arg7[%dma_start3A_84] : memref<100096xf32, #tpu.memory_space<vmem_shared>> -> memref<100096xf32, #tpu.memory_space<vmem_shared>>
      tpu.enqueue_indirect_dma source(%arg17 : memref<2000xf32, #tpu.memory_space<vmem>>) target(%dma_start3A_85 : memref<100096xf32, #tpu.memory_space<vmem_shared>>) offsets(%arg13 : memref<2000xi32, #tpu.memory_space<vmem>>) semaphore(%arg21 : memref<!tpu.dma_semaphore, #tpu.memory_space<semaphore_mem>>) {add = true}
    }
    %scan3A_21 = arith.constant 25 : i32
    %dma_wait3A = arith.constant 0 : i32
    %dma_wait3A_22 = tpu.memref_slice %arg7[%dma_wait3A] : memref<100096xf32, #tpu.memory_space<vmem_shared>> -> memref<100096xf32, #tpu.memory_space<vmem_shared>>
    tpu.wait_indirect_dma semaphore(%arg21 : memref<!tpu.dma_semaphore, #tpu.memory_space<semaphore_mem>>) src(%arg17 : memref<2000xf32, #tpu.memory_space<vmem>>) dst(%dma_wait3A_22 : memref<100096xf32, #tpu.memory_space<vmem_shared>>)
    %barrier3A_23 = arith.constant 0 : index
    tpu.barrier barrier_id(%barrier3A_23)
    %mul3A_24 = arith.constant 100096 : i32
    %mul3A_25 = arith.muli %arg0, %mul3A_24 : i32
    %mul3A_26 = arith.constant 6256 : i32
    %mul3A_27 = arith.muli %arg1, %mul3A_26 : i32
    "tpu.region"() ({
      %run_scoped3A = tpu.sem_alloc : memref<!tpu.dma_semaphore, #tpu.memory_space<semaphore_mem>>
      %dma_start3A_31 = tpu.memref_slice %arg7[%mul3A_27] : memref<100096xf32, #tpu.memory_space<vmem_shared>> -> memref<6256xf32, #tpu.memory_space<vmem_shared>>
      %dma_start3A_32 = tpu.memref_slice %arg7[%mul3A_27] : memref<100096xf32, #tpu.memory_space<vmem_shared>> -> memref<6256xf32, #tpu.memory_space<vmem_shared>>
      tpu.enqueue_dma source(%dma_start3A_32 : memref<6256xf32, #tpu.memory_space<vmem_shared>>) target(%arg8 : memref<6256xf32, #tpu.memory_space<vmem>>) target_semaphore(%run_scoped3A : memref<!tpu.dma_semaphore, #tpu.memory_space<semaphore_mem>>)
      %dma_wait3A_33 = tpu.memref_slice %arg7[%mul3A_27] : memref<100096xf32, #tpu.memory_space<vmem_shared>> -> memref<6256xf32, #tpu.memory_space<vmem_shared>>
      %dma_wait3A_34 = tpu.memref_slice %arg7[%mul3A_27] : memref<100096xf32, #tpu.memory_space<vmem_shared>> -> memref<6256xf32, #tpu.memory_space<vmem_shared>>
      tpu.wait_dma2 semaphore(%run_scoped3A : memref<!tpu.dma_semaphore, #tpu.memory_space<semaphore_mem>>) src(%dma_wait3A_34 : memref<6256xf32, #tpu.memory_space<vmem_shared>>) dst(%arg8 : memref<6256xf32, #tpu.memory_space<vmem>>)
      tpu.yield
    }) : () -> ()
    %mul3A_28 = arith.constant 6256 : i32
    %mul3A_29 = arith.muli %arg1, %mul3A_28 : i32
    %add3A_30 = arith.addi %mul3A_25, %mul3A_29 : i32
    "tpu.region"() ({
      %run_scoped3A = tpu.sem_alloc : memref<!tpu.dma_semaphore, #tpu.memory_space<semaphore_mem>>
      %dma_start3A_31 = tpu.memref_slice %arg6[%add3A_30] : memref<200192xf32, #tpu.memory_space<hbm>> -> memref<6256xf32, #tpu.memory_space<hbm>>
      %dma_start3A_32 = tpu.memref_slice %arg6[%add3A_30] : memref<200192xf32, #tpu.memory_space<hbm>> -> memref<6256xf32, #tpu.memory_space<hbm>>
      tpu.enqueue_dma source(%arg8 : memref<6256xf32, #tpu.memory_space<vmem>>) target(%dma_start3A_32 : memref<6256xf32, #tpu.memory_space<hbm>>) target_semaphore(%run_scoped3A : memref<!tpu.dma_semaphore, #tpu.memory_space<semaphore_mem>>)
      %dma_wait3A_33 = tpu.memref_slice %arg6[%add3A_30] : memref<200192xf32, #tpu.memory_space<hbm>> -> memref<6256xf32, #tpu.memory_space<hbm>>
      %dma_wait3A_34 = tpu.memref_slice %arg6[%add3A_30] : memref<200192xf32, #tpu.memory_space<hbm>> -> memref<6256xf32, #tpu.memory_space<hbm>>
      tpu.wait_dma2 semaphore(%run_scoped3A : memref<!tpu.dma_semaphore, #tpu.memory_space<semaphore_mem>>) src(%arg8 : memref<6256xf32, #tpu.memory_space<vmem>>) dst(%dma_wait3A_34 : memref<6256xf32, #tpu.memory_space<hbm>>)
      tpu.yield
    }) : () -> ()
    return
  }
}

module attributes {stable_mosaic.version = 14 : i64} {
  func.func @_tc1_body(%arg0: memref<1564x128xf32, #tpu.memory_space<vmem>>, %arg1: memref<782x128xf32, #tpu.memory_space<vmem>>, %arg2: memref<1564x128xf32, #tpu.memory_space<vmem>>) attributes {dimension_semantics = [], scalar_prefetch = 0 : i64, scratch_operands = 0 : i64, tpu.core_type = #tpu.core_type<tc>} {
    %get3A = arith.constant 0 : index
    %get3A_0 = arith.constant 0 : index
    %get3A_1 = vector.load %arg0[%get3A, %get3A_0] : memref<1564x128xf32, #tpu.memory_space<vmem>>, vector<782x128xf32>
    %get3A_2 = arith.constant 782 : index
    %get3A_3 = arith.constant 0 : index
    %get3A_4 = vector.load %arg0[%get3A_2, %get3A_3] : memref<1564x128xf32, #tpu.memory_space<vmem>>, vector<782x128xf32>
    %add3A = arith.addf %get3A_1, %get3A_4 : vector<782x128xf32>
    %add3A_5 = arith.constant 1.000000e+00 : f32
    %add3A_6 = vector.broadcast %add3A_5 : f32 to vector<782x128xf32>
    %add3A_7 = arith.addf %add3A, %add3A_6 : vector<782x128xf32>
    %rsqrt3A = math.rsqrt %add3A_7 : vector<782x128xf32>
    %swap3A = arith.constant 0 : index
    %swap3A_8 = arith.constant 0 : index
    %swap3A_9 = vector.load %arg2[%swap3A, %swap3A_8] : memref<1564x128xf32, #tpu.memory_space<vmem>>, vector<782x128xf32>
    tpu.vector_store %arg2[%swap3A, %swap3A_8], %rsqrt3A {strides = array<i32>} : memref<1564x128xf32, #tpu.memory_space<vmem>>, vector<782x128xf32>,
    %get3A_10 = arith.constant 0 : index
    %get3A_11 = arith.constant 0 : index
    %get3A_12 = vector.load %arg1[%get3A_10, %get3A_11] : memref<782x128xf32, #tpu.memory_space<vmem>>, vector<782x128xf32>
    %mul3A = arith.mulf %rsqrt3A, %get3A_12 : vector<782x128xf32>
    %swap3A_13 = arith.constant 782 : index
    %swap3A_14 = arith.constant 0 : index
    %swap3A_15 = vector.load %arg2[%swap3A_13, %swap3A_14] : memref<1564x128xf32, #tpu.memory_space<vmem>>, vector<782x128xf32>
    tpu.vector_store %arg2[%swap3A_13, %swap3A_14], %mul3A {strides = array<i32>} : memref<1564x128xf32, #tpu.memory_space<vmem>>, vector<782x128xf32>,
    return
  }
}

module attributes {stable_mosaic.version = 14 : i64} {
  func.func @_tc2_body(%arg0: memref<1564x128xf32, #tpu.memory_space<vmem>>, %arg1: memref<1564x128xf32, #tpu.memory_space<vmem>>, %arg2: memref<1x16xf32, #tpu.memory_space<smem>>, %arg3: memref<16xf32, #tpu.memory_space<smem>>, %arg4: memref<16x2xf32, #tpu.memory_space<smem>>, %arg5: memref<1564x128xf32, #tpu.memory_space<vmem>>, %arg6: memref<782x128xi32, #tpu.memory_space<vmem>>) attributes {dimension_semantics = [], scalar_prefetch = 0 : i64, scratch_operands = 0 : i64, tpu.core_type = #tpu.core_type<tc>} {
    %get3A = arith.constant 0 : index
    %get3A_0 = arith.constant 0 : index
    %get3A_1 = vector.load %arg0[%get3A, %get3A_0] : memref<1564x128xf32, #tpu.memory_space<vmem>>, vector<782x128xf32>
    %get3A_2 = arith.constant 782 : index
    %get3A_3 = arith.constant 0 : index
    %get3A_4 = vector.load %arg0[%get3A_2, %get3A_3] : memref<1564x128xf32, #tpu.memory_space<vmem>>, vector<782x128xf32>
    %get3A_5 = arith.constant 0 : index
    %get3A_6 = arith.constant 0 : index
    %get3A_7 = vector.load %arg1[%get3A_5, %get3A_6] : memref<1564x128xf32, #tpu.memory_space<vmem>>, vector<782x128xf32>
    %get3A_8 = arith.constant 782 : index
    %get3A_9 = arith.constant 0 : index
    %get3A_10 = vector.load %arg1[%get3A_8, %get3A_9] : memref<1564x128xf32, #tpu.memory_space<vmem>>, vector<782x128xf32>
    %add3A = arith.addf %get3A_1, %get3A_4 : vector<782x128xf32>
    %add3A_11 = arith.addf %add3A, %get3A_10 : vector<782x128xf32>
    %mul3A = arith.mulf %get3A_7, %add3A_11 : vector<782x128xf32>
    %broadcast_in_dim3A = arith.constant 0.000000e+00 : f32
    %broadcast_in_dim3A_12 = vector.broadcast %broadcast_in_dim3A : f32 to vector<782x128xf32>
    %broadcast_in_dim3A_13 = arith.constant 0.000000e+00 : f32
    %broadcast_in_dim3A_14 = vector.broadcast %broadcast_in_dim3A_13 : f32 to vector<782x128xf32>
    %get3A_15 = arith.constant 0 : index
    %get3A_16 = arith.constant 0 : index
    %get3A_17 = memref.load %arg2[%get3A_15, %get3A_16] : memref<1x16xf32, #tpu.memory_space<smem>>
    %mul3A_18 = vector.broadcast %get3A_17 : f32 to vector<782x128xf32>
    %mul3A_19 = arith.mulf %mul3A, %mul3A_18 : vector<782x128xf32>
    %get3A_20 = arith.constant 0 : index
    %get3A_21 = memref.load %arg3[%get3A_20] : memref<16xf32, #tpu.memory_space<smem>>
    %add3A_22 = vector.broadcast %get3A_21 : f32 to vector<782x128xf32>
    %add3A_23 = arith.addf %mul3A_19, %add3A_22 : vector<782x128xf32>
    %max3A = arith.constant 0.000000e+00 : f32
    %max3A_24 = vector.broadcast %max3A : f32 to vector<782x128xf32>
    %max3A_25 = arith.maximumf %add3A_23, %max3A_24 : vector<782x128xf32>
    %get3A_26 = arith.constant 0 : index
    %get3A_27 = arith.constant 0 : index
    %get3A_28 = memref.load %arg4[%get3A_26, %get3A_27] : memref<16x2xf32, #tpu.memory_space<smem>>
    %mul3A_29 = vector.broadcast %get3A_28 : f32 to vector<782x128xf32>
    %mul3A_30 = arith.mulf %max3A_25, %mul3A_29 : vector<782x128xf32>
    %add3A_31 = arith.addf %broadcast_in_dim3A_12, %mul3A_30 : vector<782x128xf32>
    %get3A_32 = arith.constant 0 : index
    %get3A_33 = arith.constant 1 : index
    %get3A_34 = memref.load %arg4[%get3A_32, %get3A_33] : memref<16x2xf32, #tpu.memory_space<smem>>
    %mul3A_35 = vector.broadcast %get3A_34 : f32 to vector<782x128xf32>
    %mul3A_36 = arith.mulf %max3A_25, %mul3A_35 : vector<782x128xf32>
    %add3A_37 = arith.addf %broadcast_in_dim3A_14, %mul3A_36 : vector<782x128xf32>
    %get3A_38 = arith.constant 0 : index
    %get3A_39 = arith.constant 1 : index
    %get3A_40 = memref.load %arg2[%get3A_38, %get3A_39] : memref<1x16xf32, #tpu.memory_space<smem>>
    %mul3A_41 = vector.broadcast %get3A_40 : f32 to vector<782x128xf32>
    %mul3A_42 = arith.mulf %mul3A, %mul3A_41 : vector<782x128xf32>
    %get3A_43 = arith.constant 1 : index
    %get3A_44 = memref.load %arg3[%get3A_43] : memref<16xf32, #tpu.memory_space<smem>>
    %add3A_45 = vector.broadcast %get3A_44 : f32 to vector<782x128xf32>
    %add3A_46 = arith.addf %mul3A_42, %add3A_45 : vector<782x128xf32>
    %max3A_47 = arith.constant 0.000000e+00 : f32
    %max3A_48 = vector.broadcast %max3A_47 : f32 to vector<782x128xf32>
    %max3A_49 = arith.maximumf %add3A_46, %max3A_48 : vector<782x128xf32>
    %get3A_50 = arith.constant 1 : index
    %get3A_51 = arith.constant 0 : index
    %get3A_52 = memref.load %arg4[%get3A_50, %get3A_51] : memref<16x2xf32, #tpu.memory_space<smem>>
    %mul3A_53 = vector.broadcast %get3A_52 : f32 to vector<782x128xf32>
    %mul3A_54 = arith.mulf %max3A_49, %mul3A_53 : vector<782x128xf32>
    %add3A_55 = arith.addf %add3A_31, %mul3A_54 : vector<782x128xf32>
    %get3A_56 = arith.constant 1 : index
    %get3A_57 = arith.constant 1 : index
    %get3A_58 = memref.load %arg4[%get3A_56, %get3A_57] : memref<16x2xf32, #tpu.memory_space<smem>>
    %mul3A_59 = vector.broadcast %get3A_58 : f32 to vector<782x128xf32>
    %mul3A_60 = arith.mulf %max3A_49, %mul3A_59 : vector<782x128xf32>
    %add3A_61 = arith.addf %add3A_37, %mul3A_60 : vector<782x128xf32>
    %get3A_62 = arith.constant 0 : index
    %get3A_63 = arith.constant 2 : index
    %get3A_64 = memref.load %arg2[%get3A_62, %get3A_63] : memref<1x16xf32, #tpu.memory_space<smem>>
    %mul3A_65 = vector.broadcast %get3A_64 : f32 to vector<782x128xf32>
    %mul3A_66 = arith.mulf %mul3A, %mul3A_65 : vector<782x128xf32>
    %get3A_67 = arith.constant 2 : index
    %get3A_68 = memref.load %arg3[%get3A_67] : memref<16xf32, #tpu.memory_space<smem>>
    %add3A_69 = vector.broadcast %get3A_68 : f32 to vector<782x128xf32>
    %add3A_70 = arith.addf %mul3A_66, %add3A_69 : vector<782x128xf32>
    %max3A_71 = arith.constant 0.000000e+00 : f32
    %max3A_72 = vector.broadcast %max3A_71 : f32 to vector<782x128xf32>
    %max3A_73 = arith.maximumf %add3A_70, %max3A_72 : vector<782x128xf32>
    %get3A_74 = arith.constant 2 : index
    %get3A_75 = arith.constant 0 : index
    %get3A_76 = memref.load %arg4[%get3A_74, %get3A_75] : memref<16x2xf32, #tpu.memory_space<smem>>
    %mul3A_77 = vector.broadcast %get3A_76 : f32 to vector<782x128xf32>
    %mul3A_78 = arith.mulf %max3A_73, %mul3A_77 : vector<782x128xf32>
    %add3A_79 = arith.addf %add3A_55, %mul3A_78 : vector<782x128xf32>
    %get3A_80 = arith.constant 2 : index
    %get3A_81 = arith.constant 1 : index
    %get3A_82 = memref.load %arg4[%get3A_80, %get3A_81] : memref<16x2xf32, #tpu.memory_space<smem>>
    %mul3A_83 = vector.broadcast %get3A_82 : f32 to vector<782x128xf32>
    %mul3A_84 = arith.mulf %max3A_73, %mul3A_83 : vector<782x128xf32>
    %add3A_85 = arith.addf %add3A_61, %mul3A_84 : vector<782x128xf32>
    %get3A_86 = arith.constant 0 : index
    %get3A_87 = arith.constant 3 : index
    %get3A_88 = memref.load %arg2[%get3A_86, %get3A_87] : memref<1x16xf32, #tpu.memory_space<smem>>
    %mul3A_89 = vector.broadcast %get3A_88 : f32 to vector<782x128xf32>
    %mul3A_90 = arith.mulf %mul3A, %mul3A_89 : vector<782x128xf32>
    %get3A_91 = arith.constant 3 : index
    %get3A_92 = memref.load %arg3[%get3A_91] : memref<16xf32, #tpu.memory_space<smem>>
    %add3A_93 = vector.broadcast %get3A_92 : f32 to vector<782x128xf32>
    %add3A_94 = arith.addf %mul3A_90, %add3A_93 : vector<782x128xf32>
    %max3A_95 = arith.constant 0.000000e+00 : f32
    %max3A_96 = vector.broadcast %max3A_95 : f32 to vector<782x128xf32>
    %max3A_97 = arith.maximumf %add3A_94, %max3A_96 : vector<782x128xf32>
    %get3A_98 = arith.constant 3 : index
    %get3A_99 = arith.constant 0 : index
    %get3A_100 = memref.load %arg4[%get3A_98, %get3A_99] : memref<16x2xf32, #tpu.memory_space<smem>>
    %mul3A_101 = vector.broadcast %get3A_100 : f32 to vector<782x128xf32>
    %mul3A_102 = arith.mulf %max3A_97, %mul3A_101 : vector<782x128xf32>
    %add3A_103 = arith.addf %add3A_79, %mul3A_102 : vector<782x128xf32>
    %get3A_104 = arith.constant 3 : index
    %get3A_105 = arith.constant 1 : index
    %get3A_106 = memref.load %arg4[%get3A_104, %get3A_105] : memref<16x2xf32, #tpu.memory_space<smem>>
    %mul3A_107 = vector.broadcast %get3A_106 : f32 to vector<782x128xf32>
    %mul3A_108 = arith.mulf %max3A_97, %mul3A_107 : vector<782x128xf32>
    %add3A_109 = arith.addf %add3A_85, %mul3A_108 : vector<782x128xf32>
    %get3A_110 = arith.constant 0 : index
    %get3A_111 = arith.constant 4 : index
    %get3A_112 = memref.load %arg2[%get3A_110, %get3A_111] : memref<1x16xf32, #tpu.memory_space<smem>>
    %mul3A_113 = vector.broadcast %get3A_112 : f32 to vector<782x128xf32>
    %mul3A_114 = arith.mulf %mul3A, %mul3A_113 : vector<782x128xf32>
    %get3A_115 = arith.constant 4 : index
    %get3A_116 = memref.load %arg3[%get3A_115] : memref<16xf32, #tpu.memory_space<smem>>
    %add3A_117 = vector.broadcast %get3A_116 : f32 to vector<782x128xf32>
    %add3A_118 = arith.addf %mul3A_114, %add3A_117 : vector<782x128xf32>
    %max3A_119 = arith.constant 0.000000e+00 : f32
    %max3A_120 = vector.broadcast %max3A_119 : f32 to vector<782x128xf32>
    %max3A_121 = arith.maximumf %add3A_118, %max3A_120 : vector<782x128xf32>
    %get3A_122 = arith.constant 4 : index
    %get3A_123 = arith.constant 0 : index
    %get3A_124 = memref.load %arg4[%get3A_122, %get3A_123] : memref<16x2xf32, #tpu.memory_space<smem>>
    %mul3A_125 = vector.broadcast %get3A_124 : f32 to vector<782x128xf32>
    %mul3A_126 = arith.mulf %max3A_121, %mul3A_125 : vector<782x128xf32>
    %add3A_127 = arith.addf %add3A_103, %mul3A_126 : vector<782x128xf32>
    %get3A_128 = arith.constant 4 : index
    %get3A_129 = arith.constant 1 : index
    %get3A_130 = memref.load %arg4[%get3A_128, %get3A_129] : memref<16x2xf32, #tpu.memory_space<smem>>
    %mul3A_131 = vector.broadcast %get3A_130 : f32 to vector<782x128xf32>
    %mul3A_132 = arith.mulf %max3A_121, %mul3A_131 : vector<782x128xf32>
    %add3A_133 = arith.addf %add3A_109, %mul3A_132 : vector<782x128xf32>
    %get3A_134 = arith.constant 0 : index
    %get3A_135 = arith.constant 5 : index
    %get3A_136 = memref.load %arg2[%get3A_134, %get3A_135] : memref<1x16xf32, #tpu.memory_space<smem>>
    %mul3A_137 = vector.broadcast %get3A_136 : f32 to vector<782x128xf32>
    %mul3A_138 = arith.mulf %mul3A, %mul3A_137 : vector<782x128xf32>
    %get3A_139 = arith.constant 5 : index
    %get3A_140 = memref.load %arg3[%get3A_139] : memref<16xf32, #tpu.memory_space<smem>>
    %add3A_141 = vector.broadcast %get3A_140 : f32 to vector<782x128xf32>
    %add3A_142 = arith.addf %mul3A_138, %add3A_141 : vector<782x128xf32>
    %max3A_143 = arith.constant 0.000000e+00 : f32
    %max3A_144 = vector.broadcast %max3A_143 : f32 to vector<782x128xf32>
    %max3A_145 = arith.maximumf %add3A_142, %max3A_144 : vector<782x128xf32>
    %get3A_146 = arith.constant 5 : index
    %get3A_147 = arith.constant 0 : index
    %get3A_148 = memref.load %arg4[%get3A_146, %get3A_147] : memref<16x2xf32, #tpu.memory_space<smem>>
    %mul3A_149 = vector.broadcast %get3A_148 : f32 to vector<782x128xf32>
    %mul3A_150 = arith.mulf %max3A_145, %mul3A_149 : vector<782x128xf32>
    %add3A_151 = arith.addf %add3A_127, %mul3A_150 : vector<782x128xf32>
    %get3A_152 = arith.constant 5 : index
    %get3A_153 = arith.constant 1 : index
    %get3A_154 = memref.load %arg4[%get3A_152, %get3A_153] : memref<16x2xf32, #tpu.memory_space<smem>>
    %mul3A_155 = vector.broadcast %get3A_154 : f32 to vector<782x128xf32>
    %mul3A_156 = arith.mulf %max3A_145, %mul3A_155 : vector<782x128xf32>
    %add3A_157 = arith.addf %add3A_133, %mul3A_156 : vector<782x128xf32>
    %get3A_158 = arith.constant 0 : index
    %get3A_159 = arith.constant 6 : index
    %get3A_160 = memref.load %arg2[%get3A_158, %get3A_159] : memref<1x16xf32, #tpu.memory_space<smem>>
    %mul3A_161 = vector.broadcast %get3A_160 : f32 to vector<782x128xf32>
    %mul3A_162 = arith.mulf %mul3A, %mul3A_161 : vector<782x128xf32>
    %get3A_163 = arith.constant 6 : index
    %get3A_164 = memref.load %arg3[%get3A_163] : memref<16xf32, #tpu.memory_space<smem>>
    %add3A_165 = vector.broadcast %get3A_164 : f32 to vector<782x128xf32>
    %add3A_166 = arith.addf %mul3A_162, %add3A_165 : vector<782x128xf32>
    %max3A_167 = arith.constant 0.000000e+00 : f32
    %max3A_168 = vector.broadcast %max3A_167 : f32 to vector<782x128xf32>
    %max3A_169 = arith.maximumf %add3A_166, %max3A_168 : vector<782x128xf32>
    %get3A_170 = arith.constant 6 : index
    %get3A_171 = arith.constant 0 : index
    %get3A_172 = memref.load %arg4[%get3A_170, %get3A_171] : memref<16x2xf32, #tpu.memory_space<smem>>
    %mul3A_173 = vector.broadcast %get3A_172 : f32 to vector<782x128xf32>
    %mul3A_174 = arith.mulf %max3A_169, %mul3A_173 : vector<782x128xf32>
    %add3A_175 = arith.addf %add3A_151, %mul3A_174 : vector<782x128xf32>
    %get3A_176 = arith.constant 6 : index
    %get3A_177 = arith.constant 1 : index
    %get3A_178 = memref.load %arg4[%get3A_176, %get3A_177] : memref<16x2xf32, #tpu.memory_space<smem>>
    %mul3A_179 = vector.broadcast %get3A_178 : f32 to vector<782x128xf32>
    %mul3A_180 = arith.mulf %max3A_169, %mul3A_179 : vector<782x128xf32>
    %add3A_181 = arith.addf %add3A_157, %mul3A_180 : vector<782x128xf32>
    %get3A_182 = arith.constant 0 : index
    %get3A_183 = arith.constant 7 : index
    %get3A_184 = memref.load %arg2[%get3A_182, %get3A_183] : memref<1x16xf32, #tpu.memory_space<smem>>
    %mul3A_185 = vector.broadcast %get3A_184 : f32 to vector<782x128xf32>
    %mul3A_186 = arith.mulf %mul3A, %mul3A_185 : vector<782x128xf32>
    %get3A_187 = arith.constant 7 : index
    %get3A_188 = memref.load %arg3[%get3A_187] : memref<16xf32, #tpu.memory_space<smem>>
    %add3A_189 = vector.broadcast %get3A_188 : f32 to vector<782x128xf32>
    %add3A_190 = arith.addf %mul3A_186, %add3A_189 : vector<782x128xf32>
    %max3A_191 = arith.constant 0.000000e+00 : f32
    %max3A_192 = vector.broadcast %max3A_191 : f32 to vector<782x128xf32>
    %max3A_193 = arith.maximumf %add3A_190, %max3A_192 : vector<782x128xf32>
    %get3A_194 = arith.constant 7 : index
    %get3A_195 = arith.constant 0 : index
    %get3A_196 = memref.load %arg4[%get3A_194, %get3A_195] : memref<16x2xf32, #tpu.memory_space<smem>>
    %mul3A_197 = vector.broadcast %get3A_196 : f32 to vector<782x128xf32>
    %mul3A_198 = arith.mulf %max3A_193, %mul3A_197 : vector<782x128xf32>
    %add3A_199 = arith.addf %add3A_175, %mul3A_198 : vector<782x128xf32>
    %get3A_200 = arith.constant 7 : index
    %get3A_201 = arith.constant 1 : index
    %get3A_202 = memref.load %arg4[%get3A_200, %get3A_201] : memref<16x2xf32, #tpu.memory_space<smem>>
    %mul3A_203 = vector.broadcast %get3A_202 : f32 to vector<782x128xf32>
    %mul3A_204 = arith.mulf %max3A_193, %mul3A_203 : vector<782x128xf32>
    %add3A_205 = arith.addf %add3A_181, %mul3A_204 : vector<782x128xf32>
    %get3A_206 = arith.constant 0 : index
    %get3A_207 = arith.constant 8 : index
    %get3A_208 = memref.load %arg2[%get3A_206, %get3A_207] : memref<1x16xf32, #tpu.memory_space<smem>>
    %mul3A_209 = vector.broadcast %get3A_208 : f32 to vector<782x128xf32>
    %mul3A_210 = arith.mulf %mul3A, %mul3A_209 : vector<782x128xf32>
    %get3A_211 = arith.constant 8 : index
    %get3A_212 = memref.load %arg3[%get3A_211] : memref<16xf32, #tpu.memory_space<smem>>
    %add3A_213 = vector.broadcast %get3A_212 : f32 to vector<782x128xf32>
    %add3A_214 = arith.addf %mul3A_210, %add3A_213 : vector<782x128xf32>
    %max3A_215 = arith.constant 0.000000e+00 : f32
    %max3A_216 = vector.broadcast %max3A_215 : f32 to vector<782x128xf32>
    %max3A_217 = arith.maximumf %add3A_214, %max3A_216 : vector<782x128xf32>
    %get3A_218 = arith.constant 8 : index
    %get3A_219 = arith.constant 0 : index
    %get3A_220 = memref.load %arg4[%get3A_218, %get3A_219] : memref<16x2xf32, #tpu.memory_space<smem>>
    %mul3A_221 = vector.broadcast %get3A_220 : f32 to vector<782x128xf32>
    %mul3A_222 = arith.mulf %max3A_217, %mul3A_221 : vector<782x128xf32>
    %add3A_223 = arith.addf %add3A_199, %mul3A_222 : vector<782x128xf32>
    %get3A_224 = arith.constant 8 : index
    %get3A_225 = arith.constant 1 : index
    %get3A_226 = memref.load %arg4[%get3A_224, %get3A_225] : memref<16x2xf32, #tpu.memory_space<smem>>
    %mul3A_227 = vector.broadcast %get3A_226 : f32 to vector<782x128xf32>
    %mul3A_228 = arith.mulf %max3A_217, %mul3A_227 : vector<782x128xf32>
    %add3A_229 = arith.addf %add3A_205, %mul3A_228 : vector<782x128xf32>
    %get3A_230 = arith.constant 0 : index
    %get3A_231 = arith.constant 9 : index
    %get3A_232 = memref.load %arg2[%get3A_230, %get3A_231] : memref<1x16xf32, #tpu.memory_space<smem>>
    %mul3A_233 = vector.broadcast %get3A_232 : f32 to vector<782x128xf32>
    %mul3A_234 = arith.mulf %mul3A, %mul3A_233 : vector<782x128xf32>
    %get3A_235 = arith.constant 9 : index
    %get3A_236 = memref.load %arg3[%get3A_235] : memref<16xf32, #tpu.memory_space<smem>>
    %add3A_237 = vector.broadcast %get3A_236 : f32 to vector<782x128xf32>
    %add3A_238 = arith.addf %mul3A_234, %add3A_237 : vector<782x128xf32>
    %max3A_239 = arith.constant 0.000000e+00 : f32
    %max3A_240 = vector.broadcast %max3A_239 : f32 to vector<782x128xf32>
    %max3A_241 = arith.maximumf %add3A_238, %max3A_240 : vector<782x128xf32>
    %get3A_242 = arith.constant 9 : index
    %get3A_243 = arith.constant 0 : index
    %get3A_244 = memref.load %arg4[%get3A_242, %get3A_243] : memref<16x2xf32, #tpu.memory_space<smem>>
    %mul3A_245 = vector.broadcast %get3A_244 : f32 to vector<782x128xf32>
    %mul3A_246 = arith.mulf %max3A_241, %mul3A_245 : vector<782x128xf32>
    %add3A_247 = arith.addf %add3A_223, %mul3A_246 : vector<782x128xf32>
    %get3A_248 = arith.constant 9 : index
    %get3A_249 = arith.constant 1 : index
    %get3A_250 = memref.load %arg4[%get3A_248, %get3A_249] : memref<16x2xf32, #tpu.memory_space<smem>>
    %mul3A_251 = vector.broadcast %get3A_250 : f32 to vector<782x128xf32>
    %mul3A_252 = arith.mulf %max3A_241, %mul3A_251 : vector<782x128xf32>
    %add3A_253 = arith.addf %add3A_229, %mul3A_252 : vector<782x128xf32>
    %get3A_254 = arith.constant 0 : index
    %get3A_255 = arith.constant 10 : index
    %get3A_256 = memref.load %arg2[%get3A_254, %get3A_255] : memref<1x16xf32, #tpu.memory_space<smem>>
    %mul3A_257 = vector.broadcast %get3A_256 : f32 to vector<782x128xf32>
    %mul3A_258 = arith.mulf %mul3A, %mul3A_257 : vector<782x128xf32>
    %get3A_259 = arith.constant 10 : index
    %get3A_260 = memref.load %arg3[%get3A_259] : memref<16xf32, #tpu.memory_space<smem>>
    %add3A_261 = vector.broadcast %get3A_260 : f32 to vector<782x128xf32>
    %add3A_262 = arith.addf %mul3A_258, %add3A_261 : vector<782x128xf32>
    %max3A_263 = arith.constant 0.000000e+00 : f32
    %max3A_264 = vector.broadcast %max3A_263 : f32 to vector<782x128xf32>
    %max3A_265 = arith.maximumf %add3A_262, %max3A_264 : vector<782x128xf32>
    %get3A_266 = arith.constant 10 : index
    %get3A_267 = arith.constant 0 : index
    %get3A_268 = memref.load %arg4[%get3A_266, %get3A_267] : memref<16x2xf32, #tpu.memory_space<smem>>
    %mul3A_269 = vector.broadcast %get3A_268 : f32 to vector<782x128xf32>
    %mul3A_270 = arith.mulf %max3A_265, %mul3A_269 : vector<782x128xf32>
    %add3A_271 = arith.addf %add3A_247, %mul3A_270 : vector<782x128xf32>
    %get3A_272 = arith.constant 10 : index
    %get3A_273 = arith.constant 1 : index
    %get3A_274 = memref.load %arg4[%get3A_272, %get3A_273] : memref<16x2xf32, #tpu.memory_space<smem>>
    %mul3A_275 = vector.broadcast %get3A_274 : f32 to vector<782x128xf32>
    %mul3A_276 = arith.mulf %max3A_265, %mul3A_275 : vector<782x128xf32>
    %add3A_277 = arith.addf %add3A_253, %mul3A_276 : vector<782x128xf32>
    %get3A_278 = arith.constant 0 : index
    %get3A_279 = arith.constant 11 : index
    %get3A_280 = memref.load %arg2[%get3A_278, %get3A_279] : memref<1x16xf32, #tpu.memory_space<smem>>
    %mul3A_281 = vector.broadcast %get3A_280 : f32 to vector<782x128xf32>
    %mul3A_282 = arith.mulf %mul3A, %mul3A_281 : vector<782x128xf32>
    %get3A_283 = arith.constant 11 : index
    %get3A_284 = memref.load %arg3[%get3A_283] : memref<16xf32, #tpu.memory_space<smem>>
    %add3A_285 = vector.broadcast %get3A_284 : f32 to vector<782x128xf32>
    %add3A_286 = arith.addf %mul3A_282, %add3A_285 : vector<782x128xf32>
    %max3A_287 = arith.constant 0.000000e+00 : f32
    %max3A_288 = vector.broadcast %max3A_287 : f32 to vector<782x128xf32>
    %max3A_289 = arith.maximumf %add3A_286, %max3A_288 : vector<782x128xf32>
    %get3A_290 = arith.constant 11 : index
    %get3A_291 = arith.constant 0 : index
    %get3A_292 = memref.load %arg4[%get3A_290, %get3A_291] : memref<16x2xf32, #tpu.memory_space<smem>>
    %mul3A_293 = vector.broadcast %get3A_292 : f32 to vector<782x128xf32>
    %mul3A_294 = arith.mulf %max3A_289, %mul3A_293 : vector<782x128xf32>
    %add3A_295 = arith.addf %add3A_271, %mul3A_294 : vector<782x128xf32>
    %get3A_296 = arith.constant 11 : index
    %get3A_297 = arith.constant 1 : index
    %get3A_298 = memref.load %arg4[%get3A_296, %get3A_297] : memref<16x2xf32, #tpu.memory_space<smem>>
    %mul3A_299 = vector.broadcast %get3A_298 : f32 to vector<782x128xf32>
    %mul3A_300 = arith.mulf %max3A_289, %mul3A_299 : vector<782x128xf32>
    %add3A_301 = arith.addf %add3A_277, %mul3A_300 : vector<782x128xf32>
    %get3A_302 = arith.constant 0 : index
    %get3A_303 = arith.constant 12 : index
    %get3A_304 = memref.load %arg2[%get3A_302, %get3A_303] : memref<1x16xf32, #tpu.memory_space<smem>>
    %mul3A_305 = vector.broadcast %get3A_304 : f32 to vector<782x128xf32>
    %mul3A_306 = arith.mulf %mul3A, %mul3A_305 : vector<782x128xf32>
    %get3A_307 = arith.constant 12 : index
    %get3A_308 = memref.load %arg3[%get3A_307] : memref<16xf32, #tpu.memory_space<smem>>
    %add3A_309 = vector.broadcast %get3A_308 : f32 to vector<782x128xf32>
    %add3A_310 = arith.addf %mul3A_306, %add3A_309 : vector<782x128xf32>
    %max3A_311 = arith.constant 0.000000e+00 : f32
    %max3A_312 = vector.broadcast %max3A_311 : f32 to vector<782x128xf32>
    %max3A_313 = arith.maximumf %add3A_310, %max3A_312 : vector<782x128xf32>
    %get3A_314 = arith.constant 12 : index
    %get3A_315 = arith.constant 0 : index
    %get3A_316 = memref.load %arg4[%get3A_314, %get3A_315] : memref<16x2xf32, #tpu.memory_space<smem>>
    %mul3A_317 = vector.broadcast %get3A_316 : f32 to vector<782x128xf32>
    %mul3A_318 = arith.mulf %max3A_313, %mul3A_317 : vector<782x128xf32>
    %add3A_319 = arith.addf %add3A_295, %mul3A_318 : vector<782x128xf32>
    %get3A_320 = arith.constant 12 : index
    %get3A_321 = arith.constant 1 : index
    %get3A_322 = memref.load %arg4[%get3A_320, %get3A_321] : memref<16x2xf32, #tpu.memory_space<smem>>
    %mul3A_323 = vector.broadcast %get3A_322 : f32 to vector<782x128xf32>
    %mul3A_324 = arith.mulf %max3A_313, %mul3A_323 : vector<782x128xf32>
    %add3A_325 = arith.addf %add3A_301, %mul3A_324 : vector<782x128xf32>
    %get3A_326 = arith.constant 0 : index
    %get3A_327 = arith.constant 13 : index
    %get3A_328 = memref.load %arg2[%get3A_326, %get3A_327] : memref<1x16xf32, #tpu.memory_space<smem>>
    %mul3A_329 = vector.broadcast %get3A_328 : f32 to vector<782x128xf32>
    %mul3A_330 = arith.mulf %mul3A, %mul3A_329 : vector<782x128xf32>
    %get3A_331 = arith.constant 13 : index
    %get3A_332 = memref.load %arg3[%get3A_331] : memref<16xf32, #tpu.memory_space<smem>>
    %add3A_333 = vector.broadcast %get3A_332 : f32 to vector<782x128xf32>
    %add3A_334 = arith.addf %mul3A_330, %add3A_333 : vector<782x128xf32>
    %max3A_335 = arith.constant 0.000000e+00 : f32
    %max3A_336 = vector.broadcast %max3A_335 : f32 to vector<782x128xf32>
    %max3A_337 = arith.maximumf %add3A_334, %max3A_336 : vector<782x128xf32>
    %get3A_338 = arith.constant 13 : index
    %get3A_339 = arith.constant 0 : index
    %get3A_340 = memref.load %arg4[%get3A_338, %get3A_339] : memref<16x2xf32, #tpu.memory_space<smem>>
    %mul3A_341 = vector.broadcast %get3A_340 : f32 to vector<782x128xf32>
    %mul3A_342 = arith.mulf %max3A_337, %mul3A_341 : vector<782x128xf32>
    %add3A_343 = arith.addf %add3A_319, %mul3A_342 : vector<782x128xf32>
    %get3A_344 = arith.constant 13 : index
    %get3A_345 = arith.constant 1 : index
    %get3A_346 = memref.load %arg4[%get3A_344, %get3A_345] : memref<16x2xf32, #tpu.memory_space<smem>>
    %mul3A_347 = vector.broadcast %get3A_346 : f32 to vector<782x128xf32>
    %mul3A_348 = arith.mulf %max3A_337, %mul3A_347 : vector<782x128xf32>
    %add3A_349 = arith.addf %add3A_325, %mul3A_348 : vector<782x128xf32>
    %get3A_350 = arith.constant 0 : index
    %get3A_351 = arith.constant 14 : index
    %get3A_352 = memref.load %arg2[%get3A_350, %get3A_351] : memref<1x16xf32, #tpu.memory_space<smem>>
    %mul3A_353 = vector.broadcast %get3A_352 : f32 to vector<782x128xf32>
    %mul3A_354 = arith.mulf %mul3A, %mul3A_353 : vector<782x128xf32>
    %get3A_355 = arith.constant 14 : index
    %get3A_356 = memref.load %arg3[%get3A_355] : memref<16xf32, #tpu.memory_space<smem>>
    %add3A_357 = vector.broadcast %get3A_356 : f32 to vector<782x128xf32>
    %add3A_358 = arith.addf %mul3A_354, %add3A_357 : vector<782x128xf32>
    %max3A_359 = arith.constant 0.000000e+00 : f32
    %max3A_360 = vector.broadcast %max3A_359 : f32 to vector<782x128xf32>
    %max3A_361 = arith.maximumf %add3A_358, %max3A_360 : vector<782x128xf32>
    %get3A_362 = arith.constant 14 : index
    %get3A_363 = arith.constant 0 : index
    %get3A_364 = memref.load %arg4[%get3A_362, %get3A_363] : memref<16x2xf32, #tpu.memory_space<smem>>
    %mul3A_365 = vector.broadcast %get3A_364 : f32 to vector<782x128xf32>
    %mul3A_366 = arith.mulf %max3A_361, %mul3A_365 : vector<782x128xf32>
    %add3A_367 = arith.addf %add3A_343, %mul3A_366 : vector<782x128xf32>
    %get3A_368 = arith.constant 14 : index
    %get3A_369 = arith.constant 1 : index
    %get3A_370 = memref.load %arg4[%get3A_368, %get3A_369] : memref<16x2xf32, #tpu.memory_space<smem>>
    %mul3A_371 = vector.broadcast %get3A_370 : f32 to vector<782x128xf32>
    %mul3A_372 = arith.mulf %max3A_361, %mul3A_371 : vector<782x128xf32>
    %add3A_373 = arith.addf %add3A_349, %mul3A_372 : vector<782x128xf32>
    %get3A_374 = arith.constant 0 : index
    %get3A_375 = arith.constant 15 : index
    %get3A_376 = memref.load %arg2[%get3A_374, %get3A_375] : memref<1x16xf32, #tpu.memory_space<smem>>
    %mul3A_377 = vector.broadcast %get3A_376 : f32 to vector<782x128xf32>
    %mul3A_378 = arith.mulf %mul3A, %mul3A_377 : vector<782x128xf32>
    %get3A_379 = arith.constant 15 : index
    %get3A_380 = memref.load %arg3[%get3A_379] : memref<16xf32, #tpu.memory_space<smem>>
    %add3A_381 = vector.broadcast %get3A_380 : f32 to vector<782x128xf32>
    %add3A_382 = arith.addf %mul3A_378, %add3A_381 : vector<782x128xf32>
    %max3A_383 = arith.constant 0.000000e+00 : f32
    %max3A_384 = vector.broadcast %max3A_383 : f32 to vector<782x128xf32>
    %max3A_385 = arith.maximumf %add3A_382, %max3A_384 : vector<782x128xf32>
    %get3A_386 = arith.constant 15 : index
    %get3A_387 = arith.constant 0 : index
    %get3A_388 = memref.load %arg4[%get3A_386, %get3A_387] : memref<16x2xf32, #tpu.memory_space<smem>>
    %mul3A_389 = vector.broadcast %get3A_388 : f32 to vector<782x128xf32>
    %mul3A_390 = arith.mulf %max3A_385, %mul3A_389 : vector<782x128xf32>
    %add3A_391 = arith.addf %add3A_367, %mul3A_390 : vector<782x128xf32>
    %get3A_392 = arith.constant 15 : index
    %get3A_393 = arith.constant 1 : index
    %get3A_394 = memref.load %arg4[%get3A_392, %get3A_393] : memref<16x2xf32, #tpu.memory_space<smem>>
    %mul3A_395 = vector.broadcast %get3A_394 : f32 to vector<782x128xf32>
    %mul3A_396 = arith.mulf %max3A_385, %mul3A_395 : vector<782x128xf32>
    %add3A_397 = arith.addf %add3A_373, %mul3A_396 : vector<782x128xf32>
    %mul3A_398 = arith.mulf %get3A_7, %add3A_391 : vector<782x128xf32>
    %mul3A_399 = arith.mulf %get3A_7, %add3A_397 : vector<782x128xf32>
    %swap3A = arith.constant 0 : index
    %swap3A_400 = arith.constant 0 : index
    %swap3A_401 = vector.load %arg5[%swap3A, %swap3A_400] : memref<1564x128xf32, #tpu.memory_space<vmem>>, vector<782x128xf32>
    tpu.vector_store %arg5[%swap3A, %swap3A_400], %mul3A_398 {strides = array<i32>} : memref<1564x128xf32, #tpu.memory_space<vmem>>, vector<782x128xf32>,
    %swap3A_402 = arith.constant 782 : index
    %swap3A_403 = arith.constant 0 : index
    %swap3A_404 = vector.load %arg5[%swap3A_402, %swap3A_403] : memref<1564x128xf32, #tpu.memory_space<vmem>>, vector<782x128xf32>
    tpu.vector_store %arg5[%swap3A_402, %swap3A_403], %mul3A_399 {strides = array<i32>} : memref<1564x128xf32, #tpu.memory_space<vmem>>, vector<782x128xf32>,
    %convert_element_type3A = arith.truncf %mul3A_398 : vector<782x128xf32> to vector<782x128xbf16>
    %bitcast_convert_type3A = tpu.bitcast %convert_element_type3A : vector<782x128xbf16> -> vector<782x128xi16>
    %convert_element_type3A_405 = arith.extui %bitcast_convert_type3A : vector<782x128xi16> to vector<782x128xi32>
    %shift_left3A = arith.constant 16 : i32
    %shift_left3A_406 = vector.broadcast %shift_left3A : i32 to vector<782x128xi32>
    %shift_left3A_407 = arith.shli %convert_element_type3A_405, %shift_left3A_406 : vector<782x128xi32>
    %convert_element_type3A_408 = arith.truncf %mul3A_399 : vector<782x128xf32> to vector<782x128xbf16>
    %bitcast_convert_type3A_409 = tpu.bitcast %convert_element_type3A_408 : vector<782x128xbf16> -> vector<782x128xi16>
    %convert_element_type3A_410 = arith.extui %bitcast_convert_type3A_409 : vector<782x128xi16> to vector<782x128xi32>
    %or3A = arith.ori %shift_left3A_407, %convert_element_type3A_410 : vector<782x128xi32>
    %bitcast_convert_type3A_411 = tpu.bitcast %or3A : vector<782x128xi32> -> vector<782x128xi32>
    %swap3A_412 = arith.constant 0 : index
    %swap3A_413 = arith.constant 0 : index
    %swap3A_414 = vector.load %arg6[%swap3A_412, %swap3A_413] : memref<782x128xi32, #tpu.memory_space<vmem>>, vector<782x128xi32>
    tpu.vector_store %arg6[%swap3A_412, %swap3A_413], %bitcast_convert_type3A_411 {strides = array<i32>} : memref<782x128xi32, #tpu.memory_space<vmem>>, vector<782x128xi32>,
    return
  }
}

module attributes {stable_mosaic.version = 14 : i64} {
  func.func @_tc3_body(%arg0: memref<3128x128xf32, #tpu.memory_space<vmem>>, %arg1: memref<1564x128xf32, #tpu.memory_space<vmem>>, %arg2: memref<1564x128xf32, #tpu.memory_space<vmem>>, %arg3: memref<2xf32, #tpu.memory_space<smem>>, %arg4: memref<782x128xf32, #tpu.memory_space<vmem>>, %arg5: memref<782x128xf32, #tpu.memory_space<vmem>>) attributes {dimension_semantics = [], scalar_prefetch = 0 : i64, scratch_operands = 0 : i64, tpu.core_type = #tpu.core_type<tc>} {
    %get3A = arith.constant 0 : index
    %get3A_0 = arith.constant 0 : index
    %get3A_1 = vector.load %arg0[%get3A, %get3A_0] : memref<3128x128xf32, #tpu.memory_space<vmem>>, vector<782x128xf32>
    %get3A_2 = arith.constant 782 : index
    %get3A_3 = arith.constant 0 : index
    %get3A_4 = vector.load %arg0[%get3A_2, %get3A_3] : memref<3128x128xf32, #tpu.memory_space<vmem>>, vector<782x128xf32>
    %get3A_5 = arith.constant 1564 : index
    %get3A_6 = arith.constant 0 : index
    %get3A_7 = vector.load %arg0[%get3A_5, %get3A_6] : memref<3128x128xf32, #tpu.memory_space<vmem>>, vector<782x128xf32>
    %get3A_8 = arith.constant 2346 : index
    %get3A_9 = arith.constant 0 : index
    %get3A_10 = vector.load %arg0[%get3A_8, %get3A_9] : memref<3128x128xf32, #tpu.memory_space<vmem>>, vector<782x128xf32>
    %get3A_11 = arith.constant 0 : index
    %get3A_12 = arith.constant 0 : index
    %get3A_13 = vector.load %arg1[%get3A_11, %get3A_12] : memref<1564x128xf32, #tpu.memory_space<vmem>>, vector<782x128xf32>
    %get3A_14 = arith.constant 782 : index
    %get3A_15 = arith.constant 0 : index
    %get3A_16 = vector.load %arg1[%get3A_14, %get3A_15] : memref<1564x128xf32, #tpu.memory_space<vmem>>, vector<782x128xf32>
    %get3A_17 = arith.constant 0 : index
    %get3A_18 = arith.constant 0 : index
    %get3A_19 = vector.load %arg2[%get3A_17, %get3A_18] : memref<1564x128xf32, #tpu.memory_space<vmem>>, vector<782x128xf32>
    %add3A = arith.addf %get3A_1, %get3A_7 : vector<782x128xf32>
    %add3A_20 = arith.addf %add3A, %get3A_13 : vector<782x128xf32>
    %mul3A = arith.mulf %get3A_19, %add3A_20 : vector<782x128xf32>
    %get3A_21 = arith.constant 0 : index
    %get3A_22 = memref.load %arg3[%get3A_21] : memref<2xf32, #tpu.memory_space<smem>>
    %add3A_23 = vector.broadcast %get3A_22 : f32 to vector<782x128xf32>
    %add3A_24 = arith.addf %mul3A, %add3A_23 : vector<782x128xf32>
    %add3A_25 = arith.addf %get3A_4, %get3A_10 : vector<782x128xf32>
    %add3A_26 = arith.addf %add3A_25, %get3A_16 : vector<782x128xf32>
    %mul3A_27 = arith.mulf %get3A_19, %add3A_26 : vector<782x128xf32>
    %get3A_28 = arith.constant 1 : index
    %get3A_29 = memref.load %arg3[%get3A_28] : memref<2xf32, #tpu.memory_space<smem>>
    %add3A_30 = vector.broadcast %get3A_29 : f32 to vector<782x128xf32>
    %add3A_31 = arith.addf %mul3A_27, %add3A_30 : vector<782x128xf32>
    %max3A = arith.maximumf %add3A_24, %add3A_31 : vector<782x128xf32>
    %sub3A = arith.subf %add3A_24, %max3A : vector<782x128xf32>
    %exp3A = math.exp %sub3A : vector<782x128xf32>
    %sub3A_32 = arith.subf %add3A_31, %max3A : vector<782x128xf32>
    %exp3A_33 = math.exp %sub3A_32 : vector<782x128xf32>
    %add3A_34 = arith.addf %exp3A, %exp3A_33 : vector<782x128xf32>
    %log3A = math.log %add3A_34 : vector<782x128xf32>
    %add3A_35 = arith.addf %max3A, %log3A : vector<782x128xf32>
    %sub3A_36 = arith.subf %add3A_24, %add3A_35 : vector<782x128xf32>
    %swap3A = arith.constant 0 : index
    %swap3A_37 = arith.constant 0 : index
    %swap3A_38 = vector.load %arg4[%swap3A, %swap3A_37] : memref<782x128xf32, #tpu.memory_space<vmem>>, vector<782x128xf32>
    tpu.vector_store %arg4[%swap3A, %swap3A_37], %sub3A_36 {strides = array<i32>} : memref<782x128xf32, #tpu.memory_space<vmem>>, vector<782x128xf32>,
    %sub3A_39 = arith.subf %add3A_31, %add3A_35 : vector<782x128xf32>
    %swap3A_40 = arith.constant 0 : index
    %swap3A_41 = arith.constant 0 : index
    %swap3A_42 = vector.load %arg5[%swap3A_40, %swap3A_41] : memref<782x128xf32, #tpu.memory_space<vmem>>, vector<782x128xf32>
    tpu.vector_store %arg5[%swap3A_40, %swap3A_41], %sub3A_39 {strides = array<i32>} : memref<782x128xf32, #tpu.memory_space<vmem>>, vector<782x128xf32>,
    return
  }
}

</mosaic_0001>

<sc_bundles>
// kernel: kernel.11.cloned.1.call-start
scs
__scs_entry_jumppad:
0x0: {  	(pc) =	sbr.rel $0x88, $3  }
0x1: {  	(tag) =	ssettag $0x0;
	lr =	simm.s32 $0x1  }
0x2: {  	[smem:$0x3F9A] =	sst lr;
	_ =	strace $0xD0000000  }
0x3: {  	_ = 	snop  }
0x4: {  	_ = 	snop  }
0x5: {  	_ = 	snop  }
0x6: {  	_ = 	snop  }
0x7: {  	_ = 	snop  }
__scs_overlays_trampoline_lowered:
0x8: {  	[smem:$0x3FA9] =	sst s0  }
0x9: {  	[smem:$0x3FAA] =	sst s1  }
0xa: {  	[smem:$0x3FAB] =	sst s2  }
0xb: {  	[smem:$0x3FAC] =	sst s3  }
0xc: {  	[smem:$0x3FAD] =	sst s4  }
0xd: {  	[smem:$0x3FAE] =	sst s5  }
0xe: {  	[smem:$0x3FAF] =	sst s6  }
0xf: {  	[smem:$0x3FB0] =	sst s7  }
0x10: {  	[smem:$0x3FB1] =	sst s8  }
0x11: {  	[smem:$0x3FB2] =	sst s9;
	s0 =	simm.s32 @!p0 $0x0  }
0x12: {  	s1 =	sld [smem:$0x3F98];
	s0 =	simm.s32 @p0 $0x1  }
0x13: {  	[smem:$0x3FB3] =	sst s0;
	s0 =	simm.s32 @!p1 $0x0  }
0x14: {  	s2 =	sld [smem:$0x3F97];
	s0 =	simm.s32 @p1 $0x1  }
0x15: {  	[smem:$0x3FB4] =	sst s0;
	s0 =	simm.s32 @!p2 $0x0  }
0x16: {  	s3 =	sld [smem:$0x3FDB];
	s0 =	simm.s32 @p2 $0x1  }
0x17: {  	s4 =	simm.s32 $0x1BF5;
	[smem:$0x3FB6] =	sst s0  }
0x18: {  	s0 =	sld [smem:$0x3F99];
	_ =	swait.ge [sflag:s4], $0x0  }
0x19: {  	s7 =	sld [smem:$0x3F9A]  }
0x1a: {  	s8 =	sadd.s32 $0xFFFFE003, lr  }
0x1b: {  	s9 =	sadd.s32 $0xFFFFFEF7, lr;
	s5 =	simm.s32 $0xFFFFFFFF;
	p2 =	slt.u32 s8, $0xFFFFF086  }
0x1c: {  	p1 =	slt.u32 s9, $0xF7A;
	s5 =	simm.s32 @!p2 $0x0  }
0x1d: {  	s5 =	simm.s32 @p1 $0x1;
	p0 =	seq.s32 s7, s2  }
0x1e: {  	s7 =	smul.u32 @!p0 $0xF7A, s2;
	p2 =	seq.s32 @!p0 s5, $0x0  }
0x1f: {  	s9 =	smul.u32 $0xF7A, s1;
	s8 =	simm.s32 @!p0 $0x1BF5;
	p2 =	por !p2, p0  }
0x20: {  	[sflag:s8] =	ssyncset.s32 @!p0 $0xFFFFF086;
	s6 =	sadd.s32 @!p0 s3, s7;
	s7 =	simm.s32 @!p0 $0x108  }
0x21: {  	s3 =	sadd.s32 s3, s9;
	s6 =	sadd.s32 @!p0 $0x88, s6;
	s7 =	simm.s32 @p2 $0x1082  }
0x22: {  	[simem:s7], [sflag:s8] =	dma.local @!p0 [hbm:s6], $0xF7A  }
0x23: {  	s9 =	sor.u32 $0xD0000000, s2;
	s6 =	simm.s32 $0x108;
	_ =	swait.ge @!p0 [sflag:s8], $0x0  }
0x24: {  	s3 =	sadd.s32 $0x88, s3;
	s6 =	simm.s32 @!p1 $0x1082;
	[sflag:s4] =	ssyncset.s32 $0xFFFFF086  }
0x25: {  	[simem:s6], [sflag:s4] =	dma.local [hbm:s3], $0xF7A  }
0x26: {  	[smem:$0x3F9A] =	sst s1;
	(tag) =	ssettag s2;
	_ =	strace s9  }
0x27: {  	s1 =	sld [smem:$0x3FAA]  }
0x28: {  	s2 =	sld [smem:$0x3FAB]  }
0x29: {  	s4 =	sld [smem:$0x3FAD]  }
0x2a: {  	p0 =	seq.s32 s5, $0x0;
	s5 =	sld [smem:$0x3FAE]  }
0x2b: {  	s6 =	sld [smem:$0x3FAF]  }
0x2c: {  	s7 =	sld [smem:$0x3FB0]  }
0x2d: {  	s3 =	simm.s32 $0x108;
	s8 =	sld [smem:$0x3FB1]  }
0x2e: {  	s3 =	simm.s32 @!p0 $0x1082;
	s9 =	sld [smem:$0x3FB2]  }
0x2f: {  	lr =	sadd.s32 s0, s3;
	s0 =	sld [smem:$0x3FA9]  }
0x30: {  	s3 =	sld [smem:$0x3FAC]  }
0x31: {  	[smem:$0x3FB5] =	sst s10  }
0x32: {  	s10 =	sld [smem:$0x3FB3];
	_ =	sdelay $0x3  }
0x33: {  	p0 =	seq.s32 s10, $0x1;
	s10 =	sld [smem:$0x3FB5];
	_ =	sdelay $0x3  }
0x34: {  	[smem:$0x3FB5] =	sst s10  }
0x35: {  	s10 =	sld [smem:$0x3FB4];
	_ =	sdelay $0x3  }
0x36: {  	p1 =	seq.s32 s10, $0x1;
	s10 =	sld [smem:$0x3FB5];
	_ =	sdelay $0x3  }
0x37: {  	[smem:$0x3FB5] =	sst s10  }
0x38: {  	s10 =	sld [smem:$0x3FB6]  }
0x39: {  	_ = 	snop;
	(pc) =	sbr.ind lr, $3  }
0x3a: {  	_ = 	snop  }
0x3b: {  	_ = 	snop  }
0x3c: {  	p2 =	seq.s32 s10, $0x1;
	s10 =	sld [smem:$0x3FB5]  }
0x3d: {  	_ =	shalt  }
0x3e: {  	_ =	shalt  }
0x3f: {  	_ =	shalt  }
0x40: {  	_ =	shalt  }
0x41: {  	_ =	shalt  }
0x42: {  	_ =	shalt  }
0x43: {  	_ =	shalt  }
0x44: {  	_ =	shalt  }
0x45: {  	_ =	shalt  }
0x46: {  	_ =	shalt  }
0x47: {  	_ =	shalt  }
0x48: {  	_ =	shalt  }
0x49: {  	_ =	shalt  }
0x4a: {  	_ =	shalt  }
0x4b: {  	_ =	shalt  }
0x4c: {  	_ =	shalt  }
0x4d: {  	_ =	shalt  }
0x4e: {  	_ =	shalt  }
0x4f: {  	_ =	shalt  }
0x50: {  	_ =	shalt  }
0x51: {  	_ =	shalt  }
0x52: {  	_ =	shalt  }
0x53: {  	_ =	shalt  }
0x54: {  	_ =	shalt  }
0x55: {  	_ =	shalt  }
0x56: {  	_ =	shalt  }
0x57: {  	_ =	shalt  }
0x58: {  	_ =	shalt  }
0x59: {  	_ =	shalt  }
0x5a: {  	_ =	shalt  }
0x5b: {  	_ =	shalt  }
0x5c: {  	_ =	shalt  }
0x5d: {  	_ =	shalt  }
0x5e: {  	_ =	shalt  }
0x5f: {  	_ =	shalt  }
0x60: {  	_ =	shalt  }
0x61: {  	_ =	shalt  }
0x62: {  	_ =	shalt  }
0x63: {  	_ =	shalt  }
0x64: {  	_ =	shalt  }
0x65: {  	_ =	shalt  }
0x66: {  	_ =	shalt  }
0x67: {  	_ =	shalt  }
0x68: {  	_ =	shalt  }
0x69: {  	_ =	shalt  }
0x6a: {  	_ =	shalt  }
0x6b: {  	_ =	shalt  }
0x6c: {  	_ =	shalt  }
0x6d: {  	_ =	shalt  }
0x6e: {  	_ =	shalt  }
0x6f: {  	_ =	shalt  }
0x70: {  	_ =	shalt  }
0x71: {  	_ =	shalt  }
0x72: {  	_ =	shalt  }
0x73: {  	_ =	shalt  }
0x74: {  	_ =	shalt  }
0x75: {  	_ =	shalt  }
0x76: {  	_ =	shalt  }
0x77: {  	_ =	shalt  }
0x78: {  	_ =	shalt  }
0x79: {  	_ =	shalt  }
0x7a: {  	_ =	shalt  }
0x7b: {  	_ =	shalt  }
0x7c: {  	_ =	shalt  }
0x7d: {  	_ =	shalt  }
0x7e: {  	_ =	shalt  }
0x7f: {  	_ =	shalt  }
0x80: {  	_ =	shalt  }
0x81: {  	_ =	shalt  }
0x82: {  	_ =	shalt  }
0x83: {  	_ =	shalt  }
0x84: {  	_ =	shalt  }
0x85: {  	_ =	shalt  }
0x86: {  	_ =	shalt  }
0x87: {  	_ =	shalt  }
.Lfunc_end0:
.L_simem_size_0:
called_computation.1_lowered:
.L_overlay_start_0:
0x88: {  	s2 =	sld [smem:$0x3FD9]  }
0x89: {  	s3 =	sld [smem:$0x3FFE];
	_ =	sdelay $0x1  }
0x8a: {  	s1 =	srdreg.scid  }
0x8b: {  	s0 =	sand.u32 $0x1, s1  }
0x8c: {  	s17 =	sshll.u32 s0, $0xA;
	s2 =	sadd.s32 s3, s2  }
0x8d: {  	s2 =	sadd.s32 s2, s17  }
0x8e: {  	[smem:$0x3FC1] =	sst s2  }
0x8f: {  	_ = 	snop  }
0x90: {  	s2 =	sld [smem:$0x3FC7];
	(tm) =	ssettm $0x1  }
0x91: {  	s18 =	sld [smem:$0x3FFB];
	_ =	sdelay $0x3  }
0x92: {  	_ =	strace s18  }
0x93: {  	s3 =	sld [smem:$0x3FFC];
	_ =	sdelay $0x3  }
0x94: {  	_ =	strace s3  }
0x95: {  	s3 =	sld [smem:$0x3FFD];
	_ =	sdelay $0x3  }
0x96: {  	_ =	strace s3  }
0x97: {  	_ =	strace $0x8FFFFFFF  }
0x98: {  	s19 =	sld [smem:$0x3FDB];
	_ =	sdelay $0x1  }
0x99: {  	s4 =	simm.s32 $_scs_section_size  }
0x9a: {  	s5 =	simm.s32 $_size__tile_overlayer_lowered;
	s6 =	simm.s32 $_tile_overlayer_lowered  }
0x9b: {  	s22 =	simm.s32 $0x1BFF;
	s21 =	sshll.u32 s6, $0x1;
	s3 =	sadd.s32 s4, s19  }
0x9c: {  	s7 =	simm.s32 $0x0;
	s20 =	sshll.u32 s5, $0x1;
	s5 =	sadd.s32 s21, s3  }
0x9d: {  	[timem:s7], [sflag:s22] =	dma.local [hbm:s5], s20  }
0x9e: {  	_ =	swait.ge [sflag:s22], s20  }
0x9f: {  	s4 =	ssub.s32 $0x0, s20;
	[sflag:s22] =	ssyncset.done $0x0  }
0xa0: {  	[sflag:s22] =	ssyncadd.s32 s4;
	_ =	sdelay $0x1  }
0xa1: {  	s23 =	simm.s32 $0x1B8B  }
0xa2: {  	_ =	swait.ge [sflag:s23], $0x1  }
0xa3: {  	[sflag:s23] =	ssyncset.done $0x0  }
0xa4: {  	s25 =	simm.s32 $0x1B8E;
	s24 =	sld [smem:$0x3FFE];
	[sflag:s23] =	ssyncadd.s32 $0xFFFFFFFF  }
0xa5: {  	s26 =	simm.s32 $execute0_lowered;
	[smem:$0x3FD2] =	sst s25  }
0xa6: {  	s5 =	sshll.u32 s26, $0x1;
	_ =	strace $0x80000049;
	[dreg:$0x1] =	wrdreg $0xFFFFFFFF  }
0xa7: {  	s28 =	simm.s32 $_size_execute0_lowered;
	s3 =	sadd.s32 s3, s5;
	[dreg:$0x0] =	wrdreg $0x0  }
0xa8: {  	s5 =	sshll.u32 s28, $0x1;
	[dreg:$0x2] =	wrdreg s3  }
0xa9: {  	[dreg:$0x3] =	wrdreg s5  }
0xaa: {  	[dreg:$0x4] =	wrdreg $0xC0  }
0xab: {  	_ =	task [dreg:s7], $0x5FFFF  }
0xac: {  	[dreg:$0x1] =	wrdreg $0xFFFFFFFF  }
0xad: {  	[dreg:$0x0] =	wrdreg $0x60  }
0xae: {  	[dreg:$0x2] =	wrdreg s24  }
0xaf: {  	[dreg:$0x3] =	wrdreg s2  }
0xb0: {  	[dreg:$0x4] =	wrdreg $0x0  }
0xb1: {  	[dreg:$0x5] =	wrdreg $0x9  }
0xb2: {  	_ =	task.clear_ibuf [dreg:s7], $0x6FFFF;
	_ =	strace $0x90000049  }
0xb3: {  	s29 =	simm.s32 $0x9;
	_ =	strace $0x8000004B  }
0xb4: {  	_ =	swait.ge [sflag:s29], $0x1  }
0xb5: {  	[sflag:s29] =	ssyncadd.s32 $0xFFFFFFFF  }
0xb6: {  	_ =	strace $0x9000004B  }
0xb7: {  	_ =	sfence  }
0xb8: {  	s30 =	sld [smem:$0x0];
	_ =	sdelay $0x2  }
0xb9: {  	s31 =	sshll.u32 s1, $0xD;
	s1 =	sshrl.u32 s1, $0x2  }
0xba: {  	s3 =	sand.u32 $0x4000, s31;
	s1 =	sadd.s32 s1, s30  }
0xbb: {  	s0 =	sor.u32 s3, s0;
	s1 =	sshll.u32 s1, $0x11  }
0xbc: {  	s0 =	sor.u32 s1, s0  }
0xbd: {  	s0 =	sadd.s32 $0x8F2B, s0  }
0xbe: {  	[sflag:s0] =	ssyncadd.remote.s32 $0x1  }
0xbf: {  	_ =	sfence.sel $0xFFFF  }
0xc0: {  	[dreg:$0x0] =	wrdreg $0xFFFFFFFF;
	(pc) =	sbr.abs _section_cstart, $3  }
0xc1: {  	[dreg:$0x1] =	wrdreg $0xFFFFFFFF  }
0xc2: {  	_ =	task.clear_ibuf [dreg:s7], $0x2FFFF;
	_ =	strace $0x9FFFFFFF  }
0xc3: {  	(tm) =	ssettm $0x7FFFFFFF  }
tec
execute0_lowered:
.L_overlay_start_1:
0x0: {  	(tag) =	ssettag $0x1  }
0x1: {  	s0 =	rddreg [dreg:$0x0]  }
0x2: {  	s2 =	rddreg [dreg:$0x1]  }
0x3: {  	s3 =	rddreg [dreg:$0x2];
	s1 =	srdreg.scid  }
0x4: {  	s5 =	stileid.u32;
	s4 =	simm.s32 $0x0;
	s17 =	simm.s32 $0x1C7F0  }
0x5: {  	s20 =	simm.s32 $0x5;
	s21 =	simm.s32 $0x30F0;
	s28 =	simm.s32 $0x1E7F0  }
0x6: {  	s29 =	simm.s32 $0x3;
	s30 =	simm.s32 $0x2;
	s31 =	simm.s32 $0x1EFF0  }
0x7: {  	s1 =	sand.u32 $0x1, s1;
	s7 =	smul.u32 $0x1870, s5;
	[smem:$0x7FF] =	sst s4  }
0x8: {  	s5 =	sshll.u32 s5, $0x1;
	s6 =	smul.u32 $0x18700, s1;
	_ =	strace $0x8000004A  }
0x9: {  	s8 =	sor.u32 s1, s5;
	s5 =	sadd.s32 $0x64000, s0;
	s1 =	ssub.s32 $0x2, s1  }
0xa: {  	s8 =	smul.u32 $0x186A0, s8;
	s10 =	sshrl.u32 s1, $0x1;
	s9 =	sadd.s32 s7, s6  }
0xb: {  	s6 =	sadd.s32 $0x2400, s0;
	s1 =	ssub.s32 s1, s10;
	s10 =	sadd.s32 s7, s3  }
0xc: {  	s9 =	sshrl.u32 s9, $0x3;
	s11 =	sshrl.u32 s8, $0x3;
	s26 =	smax.u32 s1, $0x1  }
0xd: {  	s12 =	sadd.s32 $0x7D0, s8;
	s22 =	sadd.s32 s5, s11;
	[dreg:$0x9] =	wrdreg s26  }
0xe: {  	s13 =	sadd.s32 $0xFA0, s8;
	s23 =	sadd.s32 s6, s11;
	[dreg:$0x4] =	wrdreg s22  }
0xf: {  	s8 =	simm.s32 $0x1870;
	s24 =	sadd.s32 s2, s11;
	[dreg:$0x5] =	wrdreg s23  }
0x10: {  	s9 =	sadd.s32 s9, s0;
	s0 =	sadd.s32 $0xC8CE0, s0;
	[dreg:$0x6] =	wrdreg s24  }
0x11: {  	s1 =	simm.s32 $0x0;
	s26 =	simm.s32 $0x7D0;
	[dreg:$0x7] =	wrdreg s0  }
0x12: {  	s25 =	sadd.s32 $0xCBE00, s9;
	s22 =	simm.s32 $0x1BFF0;
	s23 =	simm.s32 $0x1CFF0  }
0x13: {  	v0 =	vimm.f32 $0.0e+00;
	s24 =	simm.s32 $0x1DFF0;
	[dreg:$0x8] =	wrdreg s25;
	s25 =	simm.s32 $0x1  }
.LBB2_1:
0x14: {  	s0 =	rddreg [dreg:$0x4]  }
0x15: {  	s7 =	simm.s32 $0x1B7F0;
	s16 =	rddreg [dreg:$0x5]  }
0x16: {  	[tilespmem:s7], [sflag:$0x1] =	stream.linear.gather [hbm4b:s0+s4], $0x7D0, $0x38;
	[tilespmem:$0x1F7F0] =	vst v63  }
0x17: {  	s18 =	rddreg [dreg:$0x6]  }
0x18: {  	[tilespmem:s17], [sflag:$0x1] =	stream.linear.gather [hbm4b:s16+s4], $0x7D0, $0x38;
	[tilespmem:$0x1F7F0] =	vst v63  }
0x19: {  	s19 =	simm.s32 $0x1D7F0;
	s0 =	simm.s32 $0x40;
	s7 =	simm.s32 $0x0  }
0x1a: {  	[tilespmem:s19], [sflag:$0x1] =	stream.linear.gather [hbm4b:s18+s4], $0x7D0, $0x38;
	[tilespmem:$0x1F7F0] =	vst v63  }
.LBB2_2:
0x1b: {  	p0 =	sne.s32 s0, $0x6180;
	[tilespmem:s7+$0x1870] =	vst v0;
	s7 =	smov.u32 s0;
	s0 =	sadd.s32 $0x40, s0  }
.Ltmp0:
0x1c: {  	(pc) =	sbr.rel @p0 .LBB2_2-.Ltmp0, $2  }
0x1d: {  	_ =	sdelay $0x2  }
0x1e: {  	s7 =	sshra.s32 s7, $0x2  }
0x1f: {  	[tilespmem:s7+$0x1870] =	vst v0  }
0x20: {  	[spmem:s10] =	stream.linear.scatter [tilespmem:s8], [sflag:$0x5], $0x1870, $0x38;
	[tilespmem:$0x1F7F0] =	vst v63  }
0x21: {  	_ =	swait.ge [sflag:s20], $0x1870  }
0x22: {  	[sflag:s20] =	ssyncset.done $0x0  }
0x23: {  	s16 =	simm.s32 $0x0;
	s0 =	rddreg [dreg:$0x7];
	[sflag:s20] =	ssyncadd.s32 $0xFFFFE790  }
0x24: {  	[tilespmem:s21], [sflag:$0x5] =	stream.linear.gather [hbm4b:s0+s16], $0x18700, $0x38;
	[tilespmem:$0x1F7F0] =	vst v63  }
0x25: {  	_ =	swait.ge [sflag:s20], $0x18700  }
0x26: {  	[sflag:s20] =	ssyncset.done $0x0  }
0x27: {  	[sflag:s20] =	ssyncadd.s32 $0xFFFE7900  }
0x28: {  	[bflag:$0x0] =	sbarrier.arrive $0xFFFF  }
.LBB2_4:
0x29: {  	p0 =	seq.s32 s16, $0x0;
	s18 =	smul.u32 $0xFA0, s16  }
0x2a: {  	s0 =	simm.s32 @!p0 $0x4  }
0x2b: {  	_ =	swait.ge @!p0 [sflag:s0], $0x7D0;
	s7 =	sadd.s32 s18, s12  }
0x2c: {  	[sflag:s0] =	ssyncset.done @!p0 $0x0;
	s7 =	sshrl.u32 s7, $0x3  }
0x2d: {  	[sflag:s0] =	ssyncadd.s32 @!p0 $0xFFFFF830;
	s11 =	sadd.s32 s5, s7  }
0x2e: {  	[tilespmem:s22], [sflag:$0x2] =	stream.linear.gather [hbm4b:s11+s4], $0x7D0, $0x38;
	[tilespmem:$0x1F7F0] =	vst v63  }
0x2f: {  	s14 =	sadd.s32 s6, s7  }
0x30: {  	[tilespmem:s23], [sflag:$0x2] =	stream.linear.gather [hbm4b:s14+s4], $0x7D0, $0x38;
	[tilespmem:$0x1F7F0] =	vst v63  }
0x31: {  	s15 =	sadd.s32 s2, s7  }
0x32: {  	[tilespmem:s24], [sflag:$0x2] =	stream.linear.gather [hbm4b:s15+s4], $0x7D0, $0x38;
	[tilespmem:$0x1F7F0] =	vst v63  }
0x33: {  	_ =	swait.ge [sflag:s25], $0x7D0  }
0x34: {  	[sflag:s25] =	ssyncset.done $0x0  }
0x35: {  	[sflag:s25] =	ssyncadd.s32 $0xFFFFF830  }
0x36: {  	_ =	swait.ge [sflag:s25], $0x7D0  }
0x37: {  	[sflag:s25] =	ssyncset.done $0x0  }
0x38: {  	[sflag:s25] =	ssyncadd.s32 $0xFFFFF830  }
0x39: {  	_ =	swait.ge [sflag:s25], $0x7D0  }
0x3a: {  	[sflag:s25] =	ssyncset.done $0x0  }
0x3b: {  	s19 =	simm.s32 $0x1B830;
	[sflag:s25] =	ssyncadd.s32 $0xFFFFF830  }
0x3c: {  	v1 =	vld [tilespmem:s19+$0x30]  }
0x3d: {  	v2 =	vld [tilespmem:s19+$0xFFFFFFD0]  }
0x3e: {  	v3 =	vld [tilespmem:s19+$0xFFFFFFE0]  }
0x3f: {  	v4 =	vld [tilespmem:s19+$0xFFFFFFF0]  }
0x40: {  	v6 =	vld [tilespmem:s19+$0x0]  }
0x41: {  	v7 =	vld [tilespmem:s19+$0x10]  }
0x42: {  	v8 =	vld [tilespmem:s19+$0x20]  }
0x43: {  	s14 =	simm.s32 $0x1D830;
	v9 =	vld [tilespmem:s19+$0xFFFFFFC0]  }
0x44: {  	v12 =	vld [tilespmem:s14+$0x30]  }
0x45: {  	v14 =	vld [tilespmem:s14+$0xFFFFFFC0]  }
0x46: {  	v15 =	vld [tilespmem:s14+$0xFFFFFFD0]  }
0x47: {  	v10 =	vld [tilespmem:s14+$0xFFFFFFE0]  }
0x48: {  	v11 =	vld.idx.msk [tilespmem:v1+s21+$0x0], $0xffff  }
0x49: {  	v13 =	vld.idx.msk [tilespmem:v2+s21+$0x0], $0xffff  }
0x4a: {  	v5 =	vld.idx.msk [tilespmem:v3+s21+$0x0], $0xffff  }
0x4b: {  	v4 =	vld.idx.msk [tilespmem:v4+s21+$0x0], $0xffff  }
0x4c: {  	v3 =	vld.idx.msk [tilespmem:v6+s21+$0x0], $0xffff  }
0x4d: {  	v9 =	vld.idx.msk [tilespmem:v9+s21+$0x0], $0xffff  }
0x4e: {  	v1 =	vld.idx.msk [tilespmem:v7+s21+$0x0], $0xffff  }
0x4f: {  	v2 =	vld.idx.msk [tilespmem:v8+s21+$0x0], $0xffff  }
0x50: {  	v7 =	vld [tilespmem:s14+$0xFFFFFFF0]  }
0x51: {  	s8 =	simm.s32 $0x770;
	v6 =	vld [tilespmem:s14+$0x0];
	v11 =	vmul.f32 v12, v11  }
0x52: {  	s9 =	simm.s32 $0x1EF70;
	s7 =	simm.s32 $0x1BF70;
	s15 =	simm.s32 $0x1E830;
	v8 =	vld [tilespmem:s14+$0x10];
	v12 =	vmul.f32 v14, v9  }
0x53: {  	s0 =	simm.s32 $0x1B8B0;
	s11 =	simm.s32 $0x1DF70;
	s19 =	simm.s32 $0x0;
	v9 =	vld [tilespmem:s14+$0x20];
	[tilespmem:s15+$0x30] =	vst v11;
	v11 =	vmul.f32 v15, v13  }
.LBB2_5:
0x54: {  	v13 =	vld [tilespmem:s0+$0x30];
	s19 =	sadd.s32 $0x80, s19;
	[tilespmem:s15+$0xFFFFFFC0] =	vst v12;
	v5 =	vmul.f32 v10, v5  }
0x55: {  	v10 =	vld [tilespmem:s0+$0xFFFFFFD0];
	p0 =	slt.u32 s19, $0x700;
	[tilespmem:s15+$0xFFFFFFD0] =	vst v11;
	v4 =	vmul.f32 v7, v4  }
0x56: {  	v7 =	vld [tilespmem:s0+$0xFFFFFFE0];
	[tilespmem:s15+$0xFFFFFFE0] =	vst v5;
	v3 =	vmul.f32 v6, v3  }
0x57: {  	v6 =	vld [tilespmem:s0+$0xFFFFFFF0];
	[tilespmem:s15+$0xFFFFFFF0] =	vst v4;
	v1 =	vmul.f32 v8, v1  }
0x58: {  	v8 =	vld [tilespmem:s0+$0x0];
	[tilespmem:s15+$0x0] =	vst v3;
	v2 =	vmul.f32 v9, v2  }
0x59: {  	v9 =	vld [tilespmem:s0+$0x10];
	[tilespmem:s15+$0x10] =	vst v1  }
0x5a: {  	v11 =	vld [tilespmem:s0+$0x20];
	[tilespmem:s15+$0x20] =	vst v2  }
0x5b: {  	v2 =	vld [tilespmem:s0+$0xFFFFFFC0]  }
0x5c: {  	s14 =	sadd.s32 $0x80, s14;
	v12 =	vld.idx.msk [tilespmem:v13+s21+$0x0], $0xffff  }
0x5d: {  	v13 =	vld [tilespmem:s14+$0x30]  }
0x5e: {  	v14 =	vld.idx.msk [tilespmem:v10+s21+$0x0], $0xffff  }
0x5f: {  	v5 =	vld.idx.msk [tilespmem:v7+s21+$0x0], $0xffff  }
0x60: {  	v4 =	vld.idx.msk [tilespmem:v6+s21+$0x0], $0xffff  }
0x61: {  	v3 =	vld.idx.msk [tilespmem:v8+s21+$0x0], $0xffff  }
0x62: {  	v1 =	vld.idx.msk [tilespmem:v9+s21+$0x0], $0xffff;
	v6 =	vmul.f32 v13, v12  }
0x63: {  	s15 =	sadd.s32 $0x80, s15;
	v8 =	vld.idx.msk [tilespmem:v2+s21+$0x0], $0xffff  }
0x64: {  	v2 =	vld.idx.msk [tilespmem:v11+s21+$0x0], $0xffff;
	[tilespmem:s15+$0x30] =	vst v6  }
0x65: {  	v9 =	vld [tilespmem:s14+$0xFFFFFFC0]  }
0x66: {  	v11 =	vld [tilespmem:s14+$0xFFFFFFD0]  }
.Ltmp1:
0x67: {  	v10 =	vld [tilespmem:s14+$0xFFFFFFE0];
	(pc) =	sbr.rel @p0 .LBB2_5-.Ltmp1, $4  }
0x68: {  	v7 =	vld [tilespmem:s14+$0xFFFFFFF0]  }
0x69: {  	v6 =	vld [tilespmem:s14+$0x0]  }
0x6a: {  	v12 =	vmul.f32 v9, v8;
	v8 =	vld [tilespmem:s14+$0x10]  }
0x6b: {  	s0 =	sadd.s32 $0x80, s0;
	v11 =	vmul.f32 v11, v14;
	v9 =	vld [tilespmem:s14+$0x20]  }
0x6c: {  	[tilespmem:s15+$0xFFFFFFC0] =	vst v12;
	v5 =	vmul.f32 v10, v5  }
0x6d: {  	[tilespmem:s15+$0xFFFFFFD0] =	vst v11;
	v4 =	vmul.f32 v7, v4  }
0x6e: {  	[tilespmem:s15+$0xFFFFFFE0] =	vst v5;
	v3 =	vmul.f32 v6, v3  }
0x6f: {  	[tilespmem:s15+$0xFFFFFFF0] =	vst v4;
	v1 =	vmul.f32 v8, v1  }
0x70: {  	[tilespmem:s15+$0x0] =	vst v3;
	v2 =	vmul.f32 v9, v2  }
0x71: {  	[tilespmem:s15+$0x10] =	vst v1  }
0x72: {  	[tilespmem:s15+$0x20] =	vst v2  }
.LBB2_7:
0x73: {  	v1 =	vld [tilespmem:s7+$0x0];
	_ =	sdelay $0x6  }
0x74: {  	v2 =	vld [tilespmem:s11+$0x0]  }
0x75: {  	v1 =	vld.idx.msk [tilespmem:v1+s21+$0x0], $0xffff  }
0x76: {  	s8 =	sadd.s32 $0x10, s8  }
0x77: {  	p0 =	slt.u32 s8, $0x7C0  }
.Ltmp2:
0x78: {  	_ = 	snop;
	(pc) =	sbr.rel @p0 .LBB2_7-.Ltmp2, $3  }
0x79: {  	_ = 	snop  }
0x7a: {  	v1 =	vmul.f32 v2, v1;
	_ =	sdelay $0x1  }
0x7b: {  	s11 =	sadd.s32 $0x10, s11;
	s7 =	sadd.s32 $0x10, s7;
	[tilespmem:s9+$0x0] =	vst v1;
	s9 =	sadd.s32 $0x10, s9  }
0x7c: {  	[spmem:s3] =	stream.indirect.scatter.add.f32 [tilespmem:s28], [sflag:$0x3], $0x1, s17, s26, $0xb8;
	[tilespmem:$0x1F7F0] =	vst v63  }
0x7d: {  	p0 =	seq.s32 s16, $0x18  }
0x7e: {  	_ =	swait.ge [sflag:s29], $0x7D0;
	s0 =	sadd.s32 @!p0 s18, s13  }
0x7f: {  	s8 =	simm.s32 @!p0 $0x0;
	[sflag:s29] =	ssyncset.done $0x0;
	s0 =	sshrl.u32 @!p0 s0, $0x3  }
0x80: {  	s9 =	simm.s32 @!p0 $0x1B7F0;
	[sflag:s29] =	ssyncadd.s32 $0xFFFFF830;
	s7 =	sadd.s32 @!p0 s5, s0  }
0x81: {  	[tilespmem:s9], [sflag:$0x1] =	stream.linear.gather @!p0 [hbm4b:s7+s8], $0x7D0, $0x38;
	[tilespmem:$0x1F7F0] =	vst v63  }
0x82: {  	s7 =	sadd.s32 @!p0 s6, s0;
	s9 =	simm.s32 @!p0 $0x1C7F0  }
0x83: {  	[tilespmem:s9], [sflag:$0x1] =	stream.linear.gather @!p0 [hbm4b:s7+s8], $0x7D0, $0x38;
	[tilespmem:$0x1F7F0] =	vst v63  }
0x84: {  	s0 =	sadd.s32 @!p0 s2, s0;
	s7 =	simm.s32 @!p0 $0x1D7F0  }
0x85: {  	[tilespmem:s7], [sflag:$0x1] =	stream.linear.gather @!p0 [hbm4b:s0+s8], $0x7D0, $0x38;
	[tilespmem:$0x1F7F0] =	vst v63  }
0x86: {  	_ =	swait.ge [sflag:s30], $0x7D0  }
0x87: {  	[sflag:s30] =	ssyncset.done $0x0  }
0x88: {  	[sflag:s30] =	ssyncadd.s32 $0xFFFFF830  }
0x89: {  	_ =	swait.ge [sflag:s30], $0x7D0  }
0x8a: {  	[sflag:s30] =	ssyncset.done $0x0  }
0x8b: {  	[sflag:s30] =	ssyncadd.s32 $0xFFFFF830  }
0x8c: {  	_ =	swait.ge [sflag:s30], $0x7D0  }
0x8d: {  	[sflag:s30] =	ssyncset.done $0x0  }
0x8e: {  	s19 =	simm.s32 $0x1C030;
	[sflag:s30] =	ssyncadd.s32 $0xFFFFF830  }
0x8f: {  	v1 =	vld [tilespmem:s19+$0x30]  }
0x90: {  	v2 =	vld [tilespmem:s19+$0xFFFFFFD0]  }
0x91: {  	v3 =	vld [tilespmem:s19+$0xFFFFFFE0]  }
0x92: {  	v4 =	vld [tilespmem:s19+$0xFFFFFFF0]  }
0x93: {  	v6 =	vld [tilespmem:s19+$0x0]  }
0x94: {  	v7 =	vld [tilespmem:s19+$0x10]  }
0x95: {  	v8 =	vld [tilespmem:s19+$0x20]  }
0x96: {  	s11 =	simm.s32 $0x1E030;
	v9 =	vld [tilespmem:s19+$0xFFFFFFC0]  }
0x97: {  	v12 =	vld [tilespmem:s11+$0x30]  }
0x98: {  	v14 =	vld [tilespmem:s11+$0xFFFFFFC0]  }
0x99: {  	v15 =	vld [tilespmem:s11+$0xFFFFFFD0]  }
0x9a: {  	v10 =	vld [tilespmem:s11+$0xFFFFFFE0]  }
0x9b: {  	v11 =	vld.idx.msk [tilespmem:v1+s21+$0x0], $0xffff  }
0x9c: {  	v13 =	vld.idx.msk [tilespmem:v2+s21+$0x0], $0xffff  }
0x9d: {  	v5 =	vld.idx.msk [tilespmem:v3+s21+$0x0], $0xffff  }
0x9e: {  	v4 =	vld.idx.msk [tilespmem:v4+s21+$0x0], $0xffff  }
0x9f: {  	v3 =	vld.idx.msk [tilespmem:v6+s21+$0x0], $0xffff  }
0xa0: {  	v9 =	vld.idx.msk [tilespmem:v9+s21+$0x0], $0xffff  }
0xa1: {  	v1 =	vld.idx.msk [tilespmem:v7+s21+$0x0], $0xffff  }
0xa2: {  	v2 =	vld.idx.msk [tilespmem:v8+s21+$0x0], $0xffff  }
0xa3: {  	v8 =	vld [tilespmem:s11+$0xFFFFFFF0]  }
0xa4: {  	v6 =	vld [tilespmem:s11+$0x0];
	v11 =	vmul.f32 v12, v11  }
0xa5: {  	s14 =	simm.s32 $0x1F030;
	s15 =	simm.s32 $0x0;
	s18 =	simm.s32 $0x1C0B0;
	v7 =	vld [tilespmem:s11+$0x10];
	v12 =	vmul.f32 v14, v9  }
0xa6: {  	s9 =	simm.s32 $0x1E770;
	s7 =	simm.s32 $0x1C770;
	s8 =	simm.s32 $0x1F770;
	v9 =	vld [tilespmem:s11+$0x20];
	[tilespmem:s14+$0x30] =	vst v11;
	v11 =	vmul.f32 v15, v13  }
.LBB2_9:
0xa7: {  	v13 =	vld [tilespmem:s18+$0x30];
	s15 =	sadd.s32 $0x80, s15;
	[tilespmem:s14+$0xFFFFFFC0] =	vst v12;
	v5 =	vmul.f32 v10, v5  }
0xa8: {  	v10 =	vld [tilespmem:s18+$0xFFFFFFD0];
	p0 =	slt.u32 s15, $0x700;
	[tilespmem:s14+$0xFFFFFFD0] =	vst v11;
	v4 =	vmul.f32 v8, v4  }
0xa9: {  	v8 =	vld [tilespmem:s18+$0xFFFFFFE0];
	[tilespmem:s14+$0xFFFFFFE0] =	vst v5;
	v3 =	vmul.f32 v6, v3  }
0xaa: {  	v6 =	vld [tilespmem:s18+$0xFFFFFFF0];
	[tilespmem:s14+$0xFFFFFFF0] =	vst v4;
	v1 =	vmul.f32 v7, v1  }
0xab: {  	v7 =	vld [tilespmem:s18+$0x0];
	[tilespmem:s14+$0x0] =	vst v3;
	v2 =	vmul.f32 v9, v2  }
0xac: {  	v9 =	vld [tilespmem:s18+$0x10];
	[tilespmem:s14+$0x10] =	vst v1  }
0xad: {  	v11 =	vld [tilespmem:s18+$0x20];
	[tilespmem:s14+$0x20] =	vst v2  }
0xae: {  	v2 =	vld [tilespmem:s18+$0xFFFFFFC0]  }
0xaf: {  	s11 =	sadd.s32 $0x80, s11;
	v12 =	vld.idx.msk [tilespmem:v13+s21+$0x0], $0xffff  }
0xb0: {  	v13 =	vld [tilespmem:s11+$0x30]  }
0xb1: {  	v14 =	vld.idx.msk [tilespmem:v10+s21+$0x0], $0xffff  }
0xb2: {  	v5 =	vld.idx.msk [tilespmem:v8+s21+$0x0], $0xffff  }
0xb3: {  	v4 =	vld.idx.msk [tilespmem:v6+s21+$0x0], $0xffff  }
0xb4: {  	v3 =	vld.idx.msk [tilespmem:v7+s21+$0x0], $0xffff  }
0xb5: {  	v1 =	vld.idx.msk [tilespmem:v9+s21+$0x0], $0xffff;
	v6 =	vmul.f32 v13, v12  }
0xb6: {  	s14 =	sadd.s32 $0x80, s14;
	v7 =	vld.idx.msk [tilespmem:v2+s21+$0x0], $0xffff  }
0xb7: {  	s0 =	simm.s32 $0x770;
	v2 =	vld.idx.msk [tilespmem:v11+s21+$0x0], $0xffff;
	[tilespmem:s14+$0x30] =	vst v6  }
0xb8: {  	v9 =	vld [tilespmem:s11+$0xFFFFFFC0]  }
0xb9: {  	v11 =	vld [tilespmem:s11+$0xFFFFFFD0]  }
.Ltmp3:
0xba: {  	v10 =	vld [tilespmem:s11+$0xFFFFFFE0];
	(pc) =	sbr.rel @p0 .LBB2_9-.Ltmp3, $4  }
0xbb: {  	v8 =	vld [tilespmem:s11+$0xFFFFFFF0]  }
0xbc: {  	v6 =	vld [tilespmem:s11+$0x0]  }
0xbd: {  	v12 =	vmul.f32 v9, v7;
	v7 =	vld [tilespmem:s11+$0x10]  }
0xbe: {  	s18 =	sadd.s32 $0x80, s18;
	v11 =	vmul.f32 v11, v14;
	v9 =	vld [tilespmem:s11+$0x20]  }
0xbf: {  	[tilespmem:s14+$0xFFFFFFC0] =	vst v12;
	v5 =	vmul.f32 v10, v5  }
0xc0: {  	[tilespmem:s14+$0xFFFFFFD0] =	vst v11;
	v4 =	vmul.f32 v8, v4  }
0xc1: {  	[tilespmem:s14+$0xFFFFFFE0] =	vst v5;
	v3 =	vmul.f32 v6, v3  }
0xc2: {  	[tilespmem:s14+$0xFFFFFFF0] =	vst v4;
	v1 =	vmul.f32 v7, v1  }
0xc3: {  	[tilespmem:s14+$0x0] =	vst v3;
	v2 =	vmul.f32 v9, v2  }
0xc4: {  	[tilespmem:s14+$0x10] =	vst v1  }
0xc5: {  	[tilespmem:s14+$0x20] =	vst v2  }
.LBB2_11:
0xc6: {  	v1 =	vld [tilespmem:s7+$0x0];
	_ =	sdelay $0x6  }
0xc7: {  	v2 =	vld [tilespmem:s9+$0x0]  }
0xc8: {  	v1 =	vld.idx.msk [tilespmem:v1+s21+$0x0], $0xffff  }
0xc9: {  	s0 =	sadd.s32 $0x10, s0  }
0xca: {  	p0 =	slt.u32 s0, $0x7C0  }
.Ltmp4:
0xcb: {  	_ = 	snop;
	(pc) =	sbr.rel @p0 .LBB2_11-.Ltmp4, $3  }
0xcc: {  	_ = 	snop  }
0xcd: {  	v1 =	vmul.f32 v2, v1;
	_ =	sdelay $0x1  }
0xce: {  	s9 =	sadd.s32 $0x10, s9;
	s7 =	sadd.s32 $0x10, s7;
	[tilespmem:s8+$0x0] =	vst v1;
	s8 =	sadd.s32 $0x10, s8  }
0xcf: {  	s16 =	sadd.s32 $0x1, s16  }
0xd0: {  	p0 =	sne.s32 s16, $0x19  }
.Ltmp5:
0xd1: {  	_ = 	snop;
	(pc) =	sbr.rel @p0 .LBB2_4-.Ltmp5, $2  }
0xd2: {  	_ =	sdelay $0x2  }
0xd3: {  	[spmem:s3] =	stream.indirect.scatter.add.f32 [tilespmem:s31], [sflag:$0x4], $0x1, s23, s26, $0xb8;
	[tilespmem:$0x1F7F0] =	vst v63  }
0xd4: {  	s0 =	simm.s32 $0x4  }
0xd5: {  	_ =	swait.ge [sflag:s0], $0x7D0  }
0xd6: {  	[sflag:s0] =	ssyncset.done $0x0  }
0xd7: {  	[sflag:s0] =	ssyncadd.s32 $0xFFFFF830  }
0xd8: {  	s8 =	simm.s32 $0x1870;
	[bflag:$0x0] =	sbarrier.arrive $0xFFFF  }
0xd9: {  	[tilespmem:s8], [sflag:$0x5] =	stream.linear.gather [spmem:s10], $0x1870, $0x38;
	[tilespmem:$0x1F7F0] =	vst v63  }
0xda: {  	_ =	swait.ge [sflag:s20], $0x1870  }
0xdb: {  	[sflag:s20] =	ssyncset.done $0x0  }
0xdc: {  	s18 =	rddreg [dreg:$0x8];
	[sflag:s20] =	ssyncadd.s32 $0xFFFFE790  }
0xdd: {  	[hbm4b:s18+s4] =	stream.linear.scatter [tilespmem:s8], [sflag:$0x5], $0x1870, $0x38;
	[tilespmem:$0x1F7F0] =	vst v63  }
0xde: {  	_ =	swait.ge [sflag:s20], $0x1870  }
0xdf: {  	s1 =	sadd.s32 $0x1, s1;
	s19 =	rddreg [dreg:$0x9]  }
0xe0: {  	p0 =	sne.s32 s1, s19  }
.Ltmp6:
0xe1: {  	_ = 	snop;
	(pc) =	sbr.rel @p0 .LBB2_1-.Ltmp6, $3  }
0xe2: {  	_ =	sdelay $0x1  }
0xe3: {  	[sflag:s20] =	ssyncset.done $0x0  }
0xe4: {  	[sflag:s20] =	ssyncadd.s32 $0xFFFFE790  }
0xe5: {  	_ =	sfence.sel $0x180000  }
0xe6: {  	[bflag:$0x0] =	sbarrier.arrive $0xFFFF  }
0xe7: {  	_ =	strace $0x9000004A  }
0xe8: {  	s0 =	stileid.u32;
	[bflag:$0x2] =	sbarrier.arrive $0xFFFF  }
0xe9: {  	p0 =	sne.s32 s0, $0x0;
	s0 =	rddreg [dreg:$0x3]  }
0xea: {  	s0 =	sadd.s32 @!p0 $0x100000, s0  }
0xeb: {  	[sflag:s0] =	ssyncadd.tile.s32 @!p0 $0x1;
	_ =	shalt  }
.Lfunc_end2:
_tile_overlayer_lowered:
.L_overlay_start_2:
0xec: {  	(tag) =	ssettag $0x2  }
0xed: {  	s0 =	rddreg [dreg:$0x0];
	s2 =	stileid.u32  }
0xee: {  	s1 =	rddreg [dreg:$0x1];
	p0 =	sne.s32 s2, $0x0  }
0xef: {  	s3 =	rddreg [dreg:$0x2];
	[bflag:$0x3] =	sbarrier.arrive $0xFFFF;
	s2 =	simm.s32 @!p0 $0x1C05  }
0xf0: {  	[timem:s3], [sflag:s2] =	dma.local @!p0 [hbm:s0], s1  }
0xf1: {  	s0 =	simm.s32 @!p0 $0x5  }
0xf2: {  	_ =	swait.ge @!p0 [sflag:s0], s1  }
0xf3: {  	s1 =	ssub.s32 @!p0 $0x0, s1;
	[sflag:s0] =	ssyncset.done @!p0 $0x0  }
0xf4: {  	[sflag:s0] =	ssyncadd.s32 @!p0 s1  }
0xf5: {  	[bflag:$0x3] =	sbarrier.arrive $0xFFFF  }
0xf6: {  	_ =	shalt  }

// kernel: kernel.14.cloned.1.call-start
scs
__scs_entry_jumppad:
0x0: {  	(pc) =	sbr.rel $0x88, $3  }
0x1: {  	(tag) =	ssettag $0x0;
	lr =	simm.s32 $0x1  }
0x2: {  	[smem:$0x3F9A] =	sst lr;
	_ =	strace $0xD0000000  }
0x3: {  	_ = 	snop  }
0x4: {  	_ = 	snop  }
0x5: {  	_ = 	snop  }
0x6: {  	_ = 	snop  }
0x7: {  	_ = 	snop  }
__scs_overlays_trampoline_lowered:
0x8: {  	[smem:$0x3FA9] =	sst s0  }
0x9: {  	[smem:$0x3FAA] =	sst s1  }
0xa: {  	[smem:$0x3FAB] =	sst s2  }
0xb: {  	[smem:$0x3FAC] =	sst s3  }
0xc: {  	[smem:$0x3FAD] =	sst s4  }
0xd: {  	[smem:$0x3FAE] =	sst s5  }
0xe: {  	[smem:$0x3FAF] =	sst s6  }
0xf: {  	[smem:$0x3FB0] =	sst s7  }
0x10: {  	[smem:$0x3FB1] =	sst s8  }
0x11: {  	[smem:$0x3FB2] =	sst s9;
	s0 =	simm.s32 @!p0 $0x0  }
0x12: {  	s1 =	sld [smem:$0x3F98];
	s0 =	simm.s32 @p0 $0x1  }
0x13: {  	[smem:$0x3FB3] =	sst s0;
	s0 =	simm.s32 @!p1 $0x0  }
0x14: {  	s2 =	sld [smem:$0x3F97];
	s0 =	simm.s32 @p1 $0x1  }
0x15: {  	[smem:$0x3FB4] =	sst s0;
	s0 =	simm.s32 @!p2 $0x0  }
0x16: {  	s3 =	sld [smem:$0x3FDB];
	s0 =	simm.s32 @p2 $0x1  }
0x17: {  	s4 =	simm.s32 $0x1BF5;
	[smem:$0x3FB6] =	sst s0  }
0x18: {  	s0 =	sld [smem:$0x3F99];
	_ =	swait.ge [sflag:s4], $0x0  }
0x19: {  	s7 =	sld [smem:$0x3F9A]  }
0x1a: {  	s8 =	sadd.s32 $0xFFFFE003, lr  }
0x1b: {  	s9 =	sadd.s32 $0xFFFFFEF7, lr;
	s5 =	simm.s32 $0xFFFFFFFF;
	p2 =	slt.u32 s8, $0xFFFFF086  }
0x1c: {  	p1 =	slt.u32 s9, $0xF7A;
	s5 =	simm.s32 @!p2 $0x0  }
0x1d: {  	s5 =	simm.s32 @p1 $0x1;
	p0 =	seq.s32 s7, s2  }
0x1e: {  	s7 =	smul.u32 @!p0 $0xF7A, s2;
	p2 =	seq.s32 @!p0 s5, $0x0  }
0x1f: {  	s9 =	smul.u32 $0xF7A, s1;
	s8 =	simm.s32 @!p0 $0x1BF5;
	p2 =	por !p2, p0  }
0x20: {  	[sflag:s8] =	ssyncset.s32 @!p0 $0xFFFFF086;
	s6 =	sadd.s32 @!p0 s3, s7;
	s7 =	simm.s32 @!p0 $0x108  }
0x21: {  	s3 =	sadd.s32 s3, s9;
	s6 =	sadd.s32 @!p0 $0x88, s6;
	s7 =	simm.s32 @p2 $0x1082  }
0x22: {  	[simem:s7], [sflag:s8] =	dma.local @!p0 [hbm:s6], $0xF7A  }
0x23: {  	s9 =	sor.u32 $0xD0000000, s2;
	s6 =	simm.s32 $0x108;
	_ =	swait.ge @!p0 [sflag:s8], $0x0  }
0x24: {  	s3 =	sadd.s32 $0x88, s3;
	s6 =	simm.s32 @!p1 $0x1082;
	[sflag:s4] =	ssyncset.s32 $0xFFFFF086  }
0x25: {  	[simem:s6], [sflag:s4] =	dma.local [hbm:s3], $0xF7A  }
0x26: {  	[smem:$0x3F9A] =	sst s1;
	(tag) =	ssettag s2;
	_ =	strace s9  }
0x27: {  	s1 =	sld [smem:$0x3FAA]  }
0x28: {  	s2 =	sld [smem:$0x3FAB]  }
0x29: {  	s4 =	sld [smem:$0x3FAD]  }
0x2a: {  	p0 =	seq.s32 s5, $0x0;
	s5 =	sld [smem:$0x3FAE]  }
0x2b: {  	s6 =	sld [smem:$0x3FAF]  }
0x2c: {  	s7 =	sld [smem:$0x3FB0]  }
0x2d: {  	s3 =	simm.s32 $0x108;
	s8 =	sld [smem:$0x3FB1]  }
0x2e: {  	s3 =	simm.s32 @!p0 $0x1082;
	s9 =	sld [smem:$0x3FB2]  }
0x2f: {  	lr =	sadd.s32 s0, s3;
	s0 =	sld [smem:$0x3FA9]  }
0x30: {  	s3 =	sld [smem:$0x3FAC]  }
0x31: {  	[smem:$0x3FB5] =	sst s10  }
0x32: {  	s10 =	sld [smem:$0x3FB3];
	_ =	sdelay $0x3  }
0x33: {  	p0 =	seq.s32 s10, $0x1;
	s10 =	sld [smem:$0x3FB5];
	_ =	sdelay $0x3  }
0x34: {  	[smem:$0x3FB5] =	sst s10  }
0x35: {  	s10 =	sld [smem:$0x3FB4];
	_ =	sdelay $0x3  }
0x36: {  	p1 =	seq.s32 s10, $0x1;
	s10 =	sld [smem:$0x3FB5];
	_ =	sdelay $0x3  }
0x37: {  	[smem:$0x3FB5] =	sst s10  }
0x38: {  	s10 =	sld [smem:$0x3FB6]  }
0x39: {  	_ = 	snop;
	(pc) =	sbr.ind lr, $3  }
0x3a: {  	_ = 	snop  }
0x3b: {  	_ = 	snop  }
0x3c: {  	p2 =	seq.s32 s10, $0x1;
	s10 =	sld [smem:$0x3FB5]  }
0x3d: {  	_ =	shalt  }
0x3e: {  	_ =	shalt  }
0x3f: {  	_ =	shalt  }
0x40: {  	_ =	shalt  }
0x41: {  	_ =	shalt  }
0x42: {  	_ =	shalt  }
0x43: {  	_ =	shalt  }
0x44: {  	_ =	shalt  }
0x45: {  	_ =	shalt  }
0x46: {  	_ =	shalt  }
0x47: {  	_ =	shalt  }
0x48: {  	_ =	shalt  }
0x49: {  	_ =	shalt  }
0x4a: {  	_ =	shalt  }
0x4b: {  	_ =	shalt  }
0x4c: {  	_ =	shalt  }
0x4d: {  	_ =	shalt  }
0x4e: {  	_ =	shalt  }
0x4f: {  	_ =	shalt  }
0x50: {  	_ =	shalt  }
0x51: {  	_ =	shalt  }
0x52: {  	_ =	shalt  }
0x53: {  	_ =	shalt  }
0x54: {  	_ =	shalt  }
0x55: {  	_ =	shalt  }
0x56: {  	_ =	shalt  }
0x57: {  	_ =	shalt  }
0x58: {  	_ =	shalt  }
0x59: {  	_ =	shalt  }
0x5a: {  	_ =	shalt  }
0x5b: {  	_ =	shalt  }
0x5c: {  	_ =	shalt  }
0x5d: {  	_ =	shalt  }
0x5e: {  	_ =	shalt  }
0x5f: {  	_ =	shalt  }
0x60: {  	_ =	shalt  }
0x61: {  	_ =	shalt  }
0x62: {  	_ =	shalt  }
0x63: {  	_ =	shalt  }
0x64: {  	_ =	shalt  }
0x65: {  	_ =	shalt  }
0x66: {  	_ =	shalt  }
0x67: {  	_ =	shalt  }
0x68: {  	_ =	shalt  }
0x69: {  	_ =	shalt  }
0x6a: {  	_ =	shalt  }
0x6b: {  	_ =	shalt  }
0x6c: {  	_ =	shalt  }
0x6d: {  	_ =	shalt  }
0x6e: {  	_ =	shalt  }
0x6f: {  	_ =	shalt  }
0x70: {  	_ =	shalt  }
0x71: {  	_ =	shalt  }
0x72: {  	_ =	shalt  }
0x73: {  	_ =	shalt  }
0x74: {  	_ =	shalt  }
0x75: {  	_ =	shalt  }
0x76: {  	_ =	shalt  }
0x77: {  	_ =	shalt  }
0x78: {  	_ =	shalt  }
0x79: {  	_ =	shalt  }
0x7a: {  	_ =	shalt  }
0x7b: {  	_ =	shalt  }
0x7c: {  	_ =	shalt  }
0x7d: {  	_ =	shalt  }
0x7e: {  	_ =	shalt  }
0x7f: {  	_ =	shalt  }
0x80: {  	_ =	shalt  }
0x81: {  	_ =	shalt  }
0x82: {  	_ =	shalt  }
0x83: {  	_ =	shalt  }
0x84: {  	_ =	shalt  }
0x85: {  	_ =	shalt  }
0x86: {  	_ =	shalt  }
0x87: {  	_ =	shalt  }
.Lfunc_end0:
.L_simem_size_0:
called_computation.2_lowered:
.L_overlay_start_0:
0x88: {  	s2 =	sld [smem:$0x3FD9]  }
0x89: {  	s3 =	sld [smem:$0x3FFE];
	_ =	sdelay $0x1  }
0x8a: {  	s1 =	srdreg.scid  }
0x8b: {  	s0 =	sand.u32 $0x1, s1  }
0x8c: {  	s17 =	sshll.u32 s0, $0xA;
	s2 =	sadd.s32 s3, s2  }
0x8d: {  	s2 =	sadd.s32 s2, s17  }
0x8e: {  	[smem:$0x3FC1] =	sst s2  }
0x8f: {  	_ = 	snop  }
0x90: {  	s2 =	sld [smem:$0x3FC7]  }
0x91: {  	s18 =	sld [smem:$0x3FD0];
	(tm) =	ssettm $0x1  }
0x92: {  	s4 =	sld [smem:$0x3FFB];
	_ =	sdelay $0x3  }
0x93: {  	_ =	strace s4  }
0x94: {  	s4 =	sld [smem:$0x3FFC];
	_ =	sdelay $0x3  }
0x95: {  	_ =	strace s4  }
0x96: {  	s4 =	sld [smem:$0x3FFD];
	_ =	sdelay $0x3  }
0x97: {  	_ =	strace s4  }
0x98: {  	_ =	strace $0x8FFFFFFF  }
0x99: {  	s19 =	sld [smem:$0x3FDB];
	_ =	sdelay $0x1  }
0x9a: {  	s5 =	simm.s32 $_scs_section_size  }
0x9b: {  	s6 =	simm.s32 $_size__tile_overlayer_lowered;
	s7 =	simm.s32 $_tile_overlayer_lowered  }
0x9c: {  	s22 =	simm.s32 $0x1BFF;
	s21 =	sshll.u32 s7, $0x1;
	s4 =	sadd.s32 s5, s19  }
0x9d: {  	s8 =	simm.s32 $0x0;
	s20 =	sshll.u32 s6, $0x1;
	s6 =	sadd.s32 s21, s4  }
0x9e: {  	[timem:s8], [sflag:s22] =	dma.local [hbm:s6], s20  }
0x9f: {  	_ =	swait.ge [sflag:s22], s20  }
0xa0: {  	s5 =	ssub.s32 $0x0, s20;
	[sflag:s22] =	ssyncset.done $0x0  }
0xa1: {  	[sflag:s22] =	ssyncadd.s32 s5;
	_ =	sdelay $0x1  }
0xa2: {  	s23 =	simm.s32 $0x1B8B  }
0xa3: {  	_ =	swait.ge [sflag:s23], $0x1  }
0xa4: {  	[sflag:s23] =	ssyncset.done $0x0  }
0xa5: {  	s25 =	simm.s32 $0x1B8E;
	s24 =	sld [smem:$0x3FFE];
	[sflag:s23] =	ssyncadd.s32 $0xFFFFFFFF  }
0xa6: {  	s26 =	simm.s32 $execute0_lowered;
	[smem:$0x3FD2] =	sst s25  }
0xa7: {  	s6 =	sshll.u32 s26, $0x1;
	_ =	strace $0x8000004C;
	[dreg:$0x1] =	wrdreg $0xFFFFFFFF  }
0xa8: {  	s28 =	simm.s32 $_size_execute0_lowered;
	s4 =	sadd.s32 s4, s6;
	[dreg:$0x0] =	wrdreg $0x0  }
0xa9: {  	s6 =	sshll.u32 s28, $0x1;
	[dreg:$0x2] =	wrdreg s4  }
0xaa: {  	[dreg:$0x3] =	wrdreg s6  }
0xab: {  	[dreg:$0x4] =	wrdreg $0xC0  }
0xac: {  	_ =	task [dreg:s8], $0x5FFFF  }
0xad: {  	[dreg:$0x1] =	wrdreg $0xFFFFFFFF  }
0xae: {  	[dreg:$0x0] =	wrdreg $0x60  }
0xaf: {  	[dreg:$0x2] =	wrdreg s24  }
0xb0: {  	[dreg:$0x3] =	wrdreg s2  }
0xb1: {  	[dreg:$0x4] =	wrdreg s18  }
0xb2: {  	[dreg:$0x5] =	wrdreg $0x0  }
0xb3: {  	[dreg:$0x6] =	wrdreg $0x18700  }
0xb4: {  	[dreg:$0x7] =	wrdreg $0x9  }
0xb5: {  	_ =	task.clear_ibuf [dreg:s8], $0x8FFFF;
	_ =	strace $0x9000004C  }
0xb6: {  	s29 =	simm.s32 $0x9;
	_ =	strace $0x8000004E  }
0xb7: {  	_ =	swait.ge [sflag:s29], $0x1  }
0xb8: {  	[sflag:s29] =	ssyncadd.s32 $0xFFFFFFFF  }
0xb9: {  	_ =	strace $0x9000004E  }
0xba: {  	_ =	sfence  }
0xbb: {  	s30 =	sld [smem:$0x0];
	_ =	sdelay $0x2  }
0xbc: {  	s31 =	sshll.u32 s1, $0xD;
	s1 =	sshrl.u32 s1, $0x2  }
0xbd: {  	s3 =	sand.u32 $0x4000, s31;
	s1 =	sadd.s32 s1, s30  }
0xbe: {  	s0 =	sor.u32 s3, s0;
	s1 =	sshll.u32 s1, $0x11  }
0xbf: {  	s0 =	sor.u32 s1, s0  }
0xc0: {  	s0 =	sadd.s32 $0x8F2B, s0  }
0xc1: {  	[sflag:s0] =	ssyncadd.remote.s32 $0x1  }
0xc2: {  	_ =	sfence.sel $0xFFFF  }
0xc3: {  	[dreg:$0x0] =	wrdreg $0xFFFFFFFF;
	(pc) =	sbr.abs _section_cstart, $3  }
0xc4: {  	[dreg:$0x1] =	wrdreg $0xFFFFFFFF  }
0xc5: {  	_ =	task.clear_ibuf [dreg:s8], $0x2FFFF;
	_ =	strace $0x9FFFFFFF  }
0xc6: {  	(tm) =	ssettm $0x7FFFFFFF  }
0xc7: {  	_ =	shalt  }
tec
execute0_lowered:
.L_overlay_start_1:
0x0: {  	(tag) =	ssettag $0x1  }
0x1: {  	s0 =	rddreg [dreg:$0x0]  }
0x2: {  	s1 =	rddreg [dreg:$0x1]  }
0x3: {  	s3 =	rddreg [dreg:$0x3]  }
0x4: {  	s5 =	rddreg [dreg:$0x4];
	s2 =	srdreg.scid  }
0x5: {  	s6 =	simm.s32 $0x0;
	s7 =	stileid.u32;
	s2 =	sand.u32 $0x1, s2  }
0x6: {  	s4 =	smul.u32 $0x1870, s7;
	s7 =	sshll.u32 s7, $0x1;
	[smem:$0x7FF] =	sst s6  }
0x7: {  	s9 =	smul.u32 $0x30E00, s2;
	s8 =	sor.u32 s2, s7;
	_ =	strace $0x8000004D  }
0x8: {  	s7 =	sadd.s32 $0x64000, s0;
	s2 =	ssub.s32 $0x2, s2;
	s13 =	sadd.s32 s4, s3  }
0x9: {  	s26 =	sadd.s32 $0x7D0, s4;
	s17 =	sadd.s32 s4, s5;
	[dreg:$0x9] =	wrdreg s13  }
0xa: {  	s30 =	sadd.s32 $0xFA0, s4;
	s14 =	sadd.s32 s26, s3;
	[dreg:$0xd] =	wrdreg s17  }
0xb: {  	s31 =	sadd.s32 $0x1770, s4;
	s15 =	sadd.s32 s30, s3;
	[dreg:$0xa] =	wrdreg s14  }
0xc: {  	s10 =	smul.u32 $0x186A0, s8;
	s16 =	sadd.s32 s31, s3;
	[dreg:$0xb] =	wrdreg s15  }
0xd: {  	s8 =	sadd.s32 $0x2400, s0;
	s18 =	sadd.s32 s26, s5;
	[dreg:$0xc] =	wrdreg s16  }
0xe: {  	s11 =	sshrl.u32 s2, $0x1;
	s19 =	sadd.s32 s30, s5;
	[dreg:$0xe] =	wrdreg s18  }
0xf: {  	s2 =	ssub.s32 s2, s11;
	s29 =	sadd.s32 s31, s5;
	[dreg:$0xf] =	wrdreg s19  }
0x10: {  	s12 =	sshrl.u32 s10, $0x3;
	s31 =	smax.u32 s2, $0x1;
	[dreg:$0x10] =	wrdreg s29  }
0x11: {  	s9 =	sadd.s32 s4, s9;
	s23 =	sadd.s32 s7, s12;
	[dreg:$0x19] =	wrdreg s31  }
0x12: {  	s9 =	sshrl.u32 s9, $0x3;
	s24 =	sadd.s32 s8, s12;
	[dreg:$0x6] =	wrdreg s23  }
0x13: {  	s0 =	sadd.s32 s9, s0;
	s25 =	sadd.s32 s1, s12;
	[dreg:$0x7] =	wrdreg s24  }
0x14: {  	[dreg:$0x8] =	wrdreg s25;
	s12 =	sadd.s32 $0xC5C00, s0  }
0x15: {  	s22 =	sadd.s32 $0xC5CFA, s0;
	[dreg:$0x11] =	wrdreg s12  }
0x16: {  	s28 =	simm.s32 $0x2;
	s23 =	sadd.s32 $0xC5DF4, s0;
	[dreg:$0x12] =	wrdreg s22  }
0x17: {  	s4 =	simm.s32 $0x1C7E0;
	s24 =	sadd.s32 $0xC5EEE, s0;
	[dreg:$0x13] =	wrdreg s23  }
0x18: {  	s11 =	simm.s32 $0x1CFE0;
	s25 =	sadd.s32 $0xC8CE0, s0;
	[dreg:$0x14] =	wrdreg s24  }
0x19: {  	s20 =	sadd.s32 $0x7D0, s10;
	s26 =	sadd.s32 $0xC8DDA, s0;
	[dreg:$0x15] =	wrdreg s25  }
0x1a: {  	s21 =	sadd.s32 $0xFA0, s10;
	s30 =	sadd.s32 $0xC8ED4, s0;
	[dreg:$0x16] =	wrdreg s26  }
0x1b: {  	s2 =	simm.s32 $0x4;
	s0 =	sadd.s32 $0xC8FCE, s0;
	[dreg:$0x17] =	wrdreg s30  }
0x1c: {  	s9 =	simm.s32 $0x30E0;
	[dreg:$0x18] =	wrdreg s0;
	s0 =	simm.s32 $0x1E7E0  }
0x1d: {  	s22 =	simm.s32 $0x1DFE0;
	s23 =	simm.s32 $0x1;
	s24 =	simm.s32 $0x7D0  }
0x1e: {  	v0 =	vimm.f32 $0.0e+00;
	s25 =	simm.s32 $0x1EFE0;
	s26 =	simm.s32 $0x3;
	s12 =	simm.s32 $0x0  }
.LBB2_1:
0x1f: {  	[dreg:$0x1a] =	wrdreg s12  }
0x20: {  	s10 =	rddreg [dreg:$0x6]  }
0x21: {  	s31 =	simm.s32 $0x1B7E0;
	s12 =	rddreg [dreg:$0x7]  }
0x22: {  	[tilespmem:s31], [sflag:$0x1] =	stream.linear.gather [hbm4b:s10+s6], $0x7D0, $0x38;
	[tilespmem:$0x1F7E0] =	vst v63  }
0x23: {  	s30 =	rddreg [dreg:$0x8]  }
0x24: {  	[tilespmem:s4], [sflag:$0x1] =	stream.linear.gather [hbm4b:s12+s6], $0x7D0, $0x38;
	[tilespmem:$0x1F7E0] =	vst v63  }
0x25: {  	s31 =	simm.s32 $0x1D7E0;
	s10 =	simm.s32 $0x40;
	s12 =	simm.s32 $0x0  }
0x26: {  	[tilespmem:s31], [sflag:$0x1] =	stream.linear.gather [hbm4b:s30+s6], $0x7D0, $0x38;
	[tilespmem:$0x1F7E0] =	vst v63  }
.LBB2_2:
0x27: {  	p0 =	sne.s32 s10, $0x1F00;
	[tilespmem:s12+$0x1E7E0] =	vst v0;
	s12 =	smov.u32 s10;
	s10 =	sadd.s32 $0x40, s10  }
.Ltmp0:
0x28: {  	(pc) =	sbr.rel @p0 .LBB2_2-.Ltmp0, $2  }
0x29: {  	_ =	sdelay $0x2  }
0x2a: {  	s12 =	sshra.s32 s12, $0x2  }
0x2b: {  	[tilespmem:s12+$0x1E7E0] =	vst v0  }
0x2c: {  	[spmem:s13] =	stream.linear.scatter [tilespmem:s0], [sflag:$0x4], $0x7D0, $0x38;
	[tilespmem:$0x1F7E0] =	vst v63  }
0x2d: {  	_ =	swait.ge [sflag:s2], $0x7D0  }
0x2e: {  	[sflag:s2] =	ssyncset.done $0x0  }
0x2f: {  	[sflag:s2] =	ssyncadd.s32 $0xFFFFF830  }
0x30: {  	[spmem:s14] =	stream.linear.scatter [tilespmem:s0], [sflag:$0x4], $0x7D0, $0x38;
	[tilespmem:$0x1F7E0] =	vst v63  }
0x31: {  	_ =	swait.ge [sflag:s2], $0x7D0  }
0x32: {  	[sflag:s2] =	ssyncset.done $0x0  }
0x33: {  	[sflag:s2] =	ssyncadd.s32 $0xFFFFF830  }
0x34: {  	[spmem:s15] =	stream.linear.scatter [tilespmem:s0], [sflag:$0x4], $0x7D0, $0x38;
	[tilespmem:$0x1F7E0] =	vst v63  }
0x35: {  	_ =	swait.ge [sflag:s2], $0x7D0  }
0x36: {  	[sflag:s2] =	ssyncset.done $0x0  }
0x37: {  	[sflag:s2] =	ssyncadd.s32 $0xFFFFF830  }
0x38: {  	[spmem:s16] =	stream.linear.scatter [tilespmem:s0], [sflag:$0x4], $0x100, $0x38;
	[tilespmem:$0x1F7E0] =	vst v63  }
0x39: {  	_ =	swait.ge [sflag:s2], $0x100  }
0x3a: {  	[sflag:s2] =	ssyncset.done $0x0  }
0x3b: {  	[sflag:s2] =	ssyncadd.s32 $0xFFFFFF00  }
0x3c: {  	[spmem:s17] =	stream.linear.scatter [tilespmem:s0], [sflag:$0x4], $0x7D0, $0x38;
	[tilespmem:$0x1F7E0] =	vst v63  }
0x3d: {  	_ =	swait.ge [sflag:s2], $0x7D0  }
0x3e: {  	[sflag:s2] =	ssyncset.done $0x0  }
0x3f: {  	[sflag:s2] =	ssyncadd.s32 $0xFFFFF830  }
0x40: {  	[spmem:s18] =	stream.linear.scatter [tilespmem:s0], [sflag:$0x4], $0x7D0, $0x38;
	[tilespmem:$0x1F7E0] =	vst v63  }
0x41: {  	_ =	swait.ge [sflag:s2], $0x7D0  }
0x42: {  	[sflag:s2] =	ssyncset.done $0x0  }
0x43: {  	[sflag:s2] =	ssyncadd.s32 $0xFFFFF830  }
0x44: {  	[spmem:s19] =	stream.linear.scatter [tilespmem:s0], [sflag:$0x4], $0x7D0, $0x38;
	[tilespmem:$0x1F7E0] =	vst v63  }
0x45: {  	_ =	swait.ge [sflag:s2], $0x7D0  }
0x46: {  	[sflag:s2] =	ssyncset.done $0x0  }
0x47: {  	[sflag:s2] =	ssyncadd.s32 $0xFFFFF830  }
0x48: {  	[spmem:s29] =	stream.linear.scatter [tilespmem:s0], [sflag:$0x4], $0x100, $0x38;
	[tilespmem:$0x1F7E0] =	vst v63  }
0x49: {  	_ =	swait.ge [sflag:s2], $0x100  }
0x4a: {  	[sflag:s2] =	ssyncset.done $0x0  }
0x4b: {  	[sflag:s2] =	ssyncadd.s32 $0xFFFFFF00  }
0x4c: {  	s30 =	simm.s32 $0x0;
	s10 =	rddreg [dreg:$0x2]  }
0x4d: {  	[tilespmem:s9], [sflag:$0x4] =	stream.linear.gather [hbm4b:s10+s30], $0x18700, $0x38;
	[tilespmem:$0x1F7E0] =	vst v63  }
0x4e: {  	_ =	swait.ge [sflag:s2], $0x18700  }
0x4f: {  	[sflag:s2] =	ssyncset.done $0x0  }
0x50: {  	[sflag:s2] =	ssyncadd.s32 $0xFFFE7900  }
0x51: {  	[bflag:$0x0] =	sbarrier.arrive $0xFFFF  }
.LBB2_4:
0x52: {  	p0 =	seq.s32 s30, $0x0;
	s31 =	smul.u32 $0xFA0, s30  }
0x53: {  	s10 =	simm.s32 @!p0 $0x3  }
0x54: {  	_ =	swait.ge @!p0 [sflag:s10], $0x7D0;
	s12 =	sadd.s32 s31, s20  }
0x55: {  	[sflag:s10] =	ssyncset.done @!p0 $0x0;
	s12 =	sshrl.u32 s12, $0x3  }
0x56: {  	s13 =	simm.s32 $0x1BFE0;
	[sflag:s10] =	ssyncadd.s32 @!p0 $0xFFFFF830;
	s16 =	sadd.s32 s7, s12  }
0x57: {  	[tilespmem:s13], [sflag:$0x2] =	stream.linear.gather [hbm4b:s16+s6], $0x7D0, $0x38;
	[tilespmem:$0x1F7E0] =	vst v63  }
0x58: {  	s17 =	sadd.s32 s8, s12  }
0x59: {  	[tilespmem:s11], [sflag:$0x2] =	stream.linear.gather [hbm4b:s17+s6], $0x7D0, $0x38;
	[tilespmem:$0x1F7E0] =	vst v63  }
0x5a: {  	s18 =	sadd.s32 s1, s12  }
0x5b: {  	[tilespmem:s22], [sflag:$0x2] =	stream.linear.gather [hbm4b:s18+s6], $0x7D0, $0x38;
	[tilespmem:$0x1F7E0] =	vst v63  }
0x5c: {  	_ =	swait.ge [sflag:s23], $0x7D0  }
0x5d: {  	[sflag:s23] =	ssyncset.done $0x0  }
0x5e: {  	[sflag:s23] =	ssyncadd.s32 $0xFFFFF830  }
0x5f: {  	_ =	swait.ge [sflag:s23], $0x7D0  }
0x60: {  	[sflag:s23] =	ssyncset.done $0x0  }
0x61: {  	[sflag:s23] =	ssyncadd.s32 $0xFFFFF830  }
0x62: {  	_ =	swait.ge [sflag:s23], $0x7D0  }
0x63: {  	[sflag:s23] =	ssyncset.done $0x0  }
0x64: {  	s19 =	simm.s32 $0x1B820;
	[sflag:s23] =	ssyncadd.s32 $0xFFFFF830  }
0x65: {  	v1 =	vld [tilespmem:s19+$0x30]  }
0x66: {  	v2 =	vld [tilespmem:s19+$0xFFFFFFD0]  }
0x67: {  	v3 =	vld [tilespmem:s19+$0xFFFFFFE0]  }
0x68: {  	v4 =	vld [tilespmem:s19+$0xFFFFFFF0]  }
0x69: {  	v5 =	vld [tilespmem:s19+$0x0]  }
0x6a: {  	v6 =	vld [tilespmem:s19+$0x10]  }
0x6b: {  	v7 =	vld [tilespmem:s19+$0x20]  }
0x6c: {  	s17 =	simm.s32 $0x1D820;
	v8 =	vld [tilespmem:s19+$0xFFFFFFC0]  }
0x6d: {  	v9 =	vld [tilespmem:s17+$0x30]  }
0x6e: {  	v1 =	vld.idx.msk [tilespmem:v1+s9+$0x0], $0xffff  }
0x6f: {  	v2 =	vld.idx.msk [tilespmem:v2+s9+$0x0], $0xffff  }
0x70: {  	v10 =	vld.idx.msk [tilespmem:v3+s9+$0x0], $0xffff  }
0x71: {  	v4 =	vld.idx.msk [tilespmem:v4+s9+$0x0], $0xffff  }
0x72: {  	v13 =	vld.idx.msk [tilespmem:v5+s9+$0x0], $0xffff  }
0x73: {  	v14 =	vld.idx.msk [tilespmem:v6+s9+$0x0], $0xffff  }
0x74: {  	v20 =	vld [tilespmem:s17+$0xFFFFFFC0]  }
0x75: {  	v15 =	vld.idx.msk [tilespmem:v8+s9+$0x0], $0xffff  }
0x76: {  	v17 =	vld.idx.msk [tilespmem:v7+s9+$0x0], $0xffff;
	v3 =	vand.u32 $0xFFFF0000, v1;
	v18 =	vand.u32 $0xFFFF0000, v2;
	v1 =	vshll.u32 v1, $0x10  }
0x77: {  	v12 =	vld [tilespmem:s17+$0xFFFFFFD0];
	v5 =	vshll.u32 v10, $0x10;
	v8 =	vand.u32 $0xFFFF0000, v4;
	v4 =	vshll.u32 v4, $0x10  }
0x78: {  	v11 =	vld [tilespmem:s17+$0xFFFFFFE0];
	v6 =	vand.u32 $0xFFFF0000, v13;
	v7 =	vand.u32 $0xFFFF0000, v14;
	v16 =	vmul.f32 v3, v9  }
0x79: {  	v3 =	vshll.u32 v2, $0x10;
	v21 =	vmul.f32 v1, v9;
	v9 =	vand.u32 $0xFFFF0000, v10;
	v10 =	vld [tilespmem:s17+$0xFFFFFFF0]  }
0x7a: {  	s29 =	simm.s32 $0x0;
	s14 =	simm.s32 $0x1DF60;
	s18 =	simm.s32 $0x1E820;
	v1 =	vshll.u32 v13, $0x10;
	v2 =	vshll.u32 v14, $0x10;
	v13 =	vand.u32 $0xFFFF0000, v15;
	v14 =	vld [tilespmem:s17+$0x0]  }
0x7b: {  	s15 =	simm.s32 $0x770;
	s12 =	simm.s32 $0x1BF60;
	s19 =	simm.s32 $0x1F020;
	v22 =	vshll.u32 v15, $0x10;
	v15 =	vand.u32 $0xFFFF0000, v17;
	v19 =	vmul.f32 v13, v20;
	[tilespmem:s18+$0x30] =	vst v16;
	v16 =	vld [tilespmem:s17+$0x10]  }
0x7c: {  	s10 =	simm.s32 $0x1B8A0;
	s13 =	simm.s32 $0x1EF60;
	s16 =	simm.s32 $0x1F760;
	v18 =	vmul.f32 v18, v12;
	v13 =	vshll.u32 v17, $0x10;
	v20 =	vmul.f32 v22, v20;
	v17 =	vld [tilespmem:s17+$0x20];
	[tilespmem:s19+$0x30] =	vst v21  }
.LBB2_5:
0x7d: {  	v21 =	vld [tilespmem:s10+$0x30];
	[tilespmem:s18+$0xFFFFFFC0] =	vst v19;
	v3 =	vmul.f32 v3, v12;
	v9 =	vmul.f32 v9, v11  }
0x7e: {  	s29 =	sadd.s32 $0x80, s29;
	v5 =	vmul.f32 v5, v11;
	v12 =	vld [tilespmem:s10+$0xFFFFFFD0];
	[tilespmem:s19+$0xFFFFFFC0] =	vst v20;
	v8 =	vmul.f32 v8, v10  }
0x7f: {  	p0 =	slt.u32 s29, $0x700;
	v4 =	vmul.f32 v4, v10;
	v11 =	vld [tilespmem:s10+$0xFFFFFFE0];
	[tilespmem:s18+$0xFFFFFFD0] =	vst v18;
	v6 =	vmul.f32 v6, v14  }
0x80: {  	v1 =	vmul.f32 v1, v14;
	v10 =	vld [tilespmem:s10+$0xFFFFFFF0];
	[tilespmem:s19+$0xFFFFFFD0] =	vst v3;
	v3 =	vmul.f32 v7, v16  }
0x81: {  	v2 =	vmul.f32 v2, v16;
	v7 =	vld [tilespmem:s10+$0x0];
	[tilespmem:s18+$0xFFFFFFE0] =	vst v9;
	v9 =	vmul.f32 v15, v17  }
0x82: {  	v14 =	vld [tilespmem:s10+$0x10];
	[tilespmem:s19+$0xFFFFFFE0] =	vst v5;
	v5 =	vmul.f32 v13, v17  }
0x83: {  	v13 =	vld [tilespmem:s10+$0x20];
	[tilespmem:s18+$0xFFFFFFF0] =	vst v8  }
0x84: {  	v8 =	vld [tilespmem:s10+$0xFFFFFFC0];
	[tilespmem:s19+$0xFFFFFFF0] =	vst v4  }
0x85: {  	v4 =	vld.idx.msk [tilespmem:v21+s9+$0x0], $0xffff;
	[tilespmem:s18+$0x0] =	vst v6  }
0x86: {  	s17 =	sadd.s32 $0x80, s17;
	v6 =	vld.idx.msk [tilespmem:v12+s9+$0x0], $0xffff;
	[tilespmem:s19+$0x0] =	vst v1  }
0x87: {  	v1 =	vld [tilespmem:s17+$0x30];
	[tilespmem:s18+$0x10] =	vst v3  }
0x88: {  	v11 =	vld.idx.msk [tilespmem:v11+s9+$0x0], $0xffff;
	[tilespmem:s19+$0x10] =	vst v2  }
0x89: {  	v2 =	vld.idx.msk [tilespmem:v10+s9+$0x0], $0xffff;
	[tilespmem:s18+$0x20] =	vst v9  }
0x8a: {  	v7 =	vld.idx.msk [tilespmem:v7+s9+$0x0], $0xffff;
	[tilespmem:s19+$0x20] =	vst v5  }
0x8b: {  	v3 =	vand.u32 $0xFFFF0000, v4;
	v14 =	vld.idx.msk [tilespmem:v14+s9+$0x0], $0xffff  }
0x8c: {  	v4 =	vshll.u32 v4, $0x10;
	v17 =	vand.u32 $0xFFFF0000, v6;
	v15 =	vld.idx.msk [tilespmem:v8+s9+$0x0], $0xffff;
	v8 =	vmul.f32 v3, v1  }
0x8d: {  	s18 =	sadd.s32 $0x80, s18;
	v3 =	vshll.u32 v6, $0x10;
	v1 =	vmul.f32 v4, v1;
	v13 =	vld.idx.msk [tilespmem:v13+s9+$0x0], $0xffff  }
0x8e: {  	s19 =	sadd.s32 $0x80, s19;
	v9 =	vand.u32 $0xFFFF0000, v11;
	v5 =	vshll.u32 v11, $0x10;
	v18 =	vld [tilespmem:s17+$0xFFFFFFC0];
	[tilespmem:s18+$0x30] =	vst v8  }
0x8f: {  	v8 =	vand.u32 $0xFFFF0000, v2;
	v4 =	vshll.u32 v2, $0x10;
	v12 =	vld [tilespmem:s17+$0xFFFFFFD0];
	[tilespmem:s19+$0x30] =	vst v1  }
.Ltmp1:
0x90: {  	v6 =	vand.u32 $0xFFFF0000, v7;
	v1 =	vshll.u32 v7, $0x10;
	v11 =	vld [tilespmem:s17+$0xFFFFFFE0];
	(pc) =	sbr.rel @p0 .LBB2_5-.Ltmp1, $4  }
0x91: {  	v7 =	vand.u32 $0xFFFF0000, v14;
	v2 =	vshll.u32 v14, $0x10;
	v10 =	vld [tilespmem:s17+$0xFFFFFFF0]  }
0x92: {  	v16 =	vand.u32 $0xFFFF0000, v15;
	v20 =	vshll.u32 v15, $0x10;
	v14 =	vld [tilespmem:s17+$0x0]  }
0x93: {  	v15 =	vand.u32 $0xFFFF0000, v13;
	v13 =	vshll.u32 v13, $0x10;
	v19 =	vmul.f32 v16, v18;
	v16 =	vld [tilespmem:s17+$0x10]  }
0x94: {  	s10 =	sadd.s32 $0x80, s10;
	v20 =	vmul.f32 v20, v18;
	v18 =	vmul.f32 v17, v12;
	v17 =	vld [tilespmem:s17+$0x20]  }
0x95: {  	[tilespmem:s18+$0xFFFFFFC0] =	vst v19  }
0x96: {  	v3 =	vmul.f32 v3, v12;
	[tilespmem:s19+$0xFFFFFFC0] =	vst v20  }
0x97: {  	v9 =	vmul.f32 v9, v11;
	[tilespmem:s18+$0xFFFFFFD0] =	vst v18  }
0x98: {  	v5 =	vmul.f32 v5, v11;
	[tilespmem:s19+$0xFFFFFFD0] =	vst v3  }
0x99: {  	v3 =	vmul.f32 v8, v10;
	[tilespmem:s18+$0xFFFFFFE0] =	vst v9  }
0x9a: {  	v63 =	vmul.f32 v6, v14;
	[tilespmem:s19+$0xFFFFFFE0] =	vst v5  }
0x9b: {  	v4 =	vmul.f32 v4, v10;
	[tilespmem:s18+$0xFFFFFFF0] =	vst v3  }
0x9c: {  	v1 =	vmul.f32 v1, v14;
	[tilespmem:s18+$0x0] =	vst v63  }
0x9d: {  	v3 =	vmul.f32 v7, v16;
	[tilespmem:s19+$0xFFFFFFF0] =	vst v4  }
0x9e: {  	v2 =	vmul.f32 v2, v16;
	[tilespmem:s19+$0x0] =	vst v1  }
0x9f: {  	v1 =	vmul.f32 v15, v17;
	[tilespmem:s18+$0x10] =	vst v3  }
0xa0: {  	v3 =	vmul.f32 v13, v17;
	[tilespmem:s19+$0x10] =	vst v2  }
0xa1: {  	[tilespmem:s18+$0x20] =	vst v1  }
0xa2: {  	[tilespmem:s19+$0x20] =	vst v3  }
.LBB2_7:
0xa3: {  	v1 =	vld [tilespmem:s12+$0x0];
	_ =	sdelay $0x7  }
0xa4: {  	v1 =	vld.idx.msk [tilespmem:v1+s9+$0x0], $0xffff  }
0xa5: {  	v2 =	vld [tilespmem:s14+$0x0];
	_ =	sdelay $0x1  }
0xa6: {  	s15 =	sadd.s32 $0x10, s15  }
0xa7: {  	p0 =	slt.u32 s15, $0x7C0  }
.Ltmp2:
0xa8: {  	v3 =	vand.u32 $0xFFFF0000, v1;
	(pc) =	sbr.rel @p0 .LBB2_7-.Ltmp2, $4  }
0xa9: {  	v1 =	vshll.u32 v1, $0x10;
	v3 =	vmul.f32 v3, v2  }
0xaa: {  	v1 =	vmul.f32 v1, v2  }
0xab: {  	s14 =	sadd.s32 $0x10, s14;
	[tilespmem:s13+$0x0] =	vst v3  }
0xac: {  	s12 =	sadd.s32 $0x10, s12;
	s13 =	sadd.s32 $0x10, s13;
	[tilespmem:s16+$0x0] =	vst v1;
	s16 =	sadd.s32 $0x10, s16  }
0xad: {  	[spmem:s3] =	stream.indirect.scatter.add.f32 [tilespmem:s0], [sflag:$0x3], $0x1, s4, s24, $0xb8;
	[tilespmem:$0x1F7E0] =	vst v63  }
0xae: {  	_ = 	snop  }
0xaf: {  	[spmem:s5] =	stream.indirect.scatter.add.f32 [tilespmem:s25], [sflag:$0x4], $0x1, s4, s24, $0xb8;
	[tilespmem:$0x1F7E0] =	vst v63  }
0xb0: {  	_ =	swait.ge [sflag:s2], $0x7D0  }
0xb1: {  	[sflag:s2] =	ssyncset.done $0x0  }
0xb2: {  	p0 =	seq.s32 s30, $0x18;
	[sflag:s2] =	ssyncadd.s32 $0xFFFFF830  }
0xb3: {  	s10 =	sadd.s32 @!p0 s31, s21;
	_ =	swait.ge [sflag:s26], $0x7D0  }
0xb4: {  	s13 =	simm.s32 @!p0 $0x0;
	s10 =	sshrl.u32 @!p0 s10, $0x3;
	[sflag:s26] =	ssyncset.done $0x0  }
0xb5: {  	s14 =	simm.s32 @!p0 $0x1B7E0;
	s12 =	sadd.s32 @!p0 s7, s10;
	[sflag:s26] =	ssyncadd.s32 $0xFFFFF830  }
0xb6: {  	[tilespmem:s14], [sflag:$0x1] =	stream.linear.gather @!p0 [hbm4b:s12+s13], $0x7D0, $0x38;
	[tilespmem:$0x1F7E0] =	vst v63  }
0xb7: {  	s12 =	sadd.s32 @!p0 s8, s10;
	s14 =	simm.s32 @!p0 $0x1C7E0  }
0xb8: {  	[tilespmem:s14], [sflag:$0x1] =	stream.linear.gather @!p0 [hbm4b:s12+s13], $0x7D0, $0x38;
	[tilespmem:$0x1F7E0] =	vst v63  }
0xb9: {  	s10 =	sadd.s32 @!p0 s1, s10;
	s12 =	simm.s32 @!p0 $0x1D7E0  }
0xba: {  	[tilespmem:s12], [sflag:$0x1] =	stream.linear.gather @!p0 [hbm4b:s10+s13], $0x7D0, $0x38;
	[tilespmem:$0x1F7E0] =	vst v63  }
0xbb: {  	_ =	swait.ge [sflag:s28], $0x7D0  }
0xbc: {  	[sflag:s28] =	ssyncset.done $0x0  }
0xbd: {  	[sflag:s28] =	ssyncadd.s32 $0xFFFFF830  }
0xbe: {  	_ =	swait.ge [sflag:s28], $0x7D0  }
0xbf: {  	[sflag:s28] =	ssyncset.done $0x0  }
0xc0: {  	[sflag:s28] =	ssyncadd.s32 $0xFFFFF830  }
0xc1: {  	_ =	swait.ge [sflag:s28], $0x7D0  }
0xc2: {  	[sflag:s28] =	ssyncset.done $0x0  }
0xc3: {  	s31 =	simm.s32 $0x1C020;
	[sflag:s28] =	ssyncadd.s32 $0xFFFFF830  }
0xc4: {  	v1 =	vld [tilespmem:s31+$0x30]  }
0xc5: {  	v2 =	vld [tilespmem:s31+$0xFFFFFFD0]  }
0xc6: {  	v3 =	vld [tilespmem:s31+$0xFFFFFFE0]  }
0xc7: {  	v4 =	vld [tilespmem:s31+$0xFFFFFFF0]  }
0xc8: {  	v5 =	vld [tilespmem:s31+$0x0]  }
0xc9: {  	v6 =	vld [tilespmem:s31+$0x10]  }
0xca: {  	v8 =	vld [tilespmem:s31+$0xFFFFFFC0]  }
0xcb: {  	s14 =	simm.s32 $0x1E020;
	v7 =	vld [tilespmem:s31+$0x20]  }
0xcc: {  	v9 =	vld [tilespmem:s14+$0x30]  }
0xcd: {  	v20 =	vld [tilespmem:s14+$0xFFFFFFC0]  }
0xce: {  	v1 =	vld.idx.msk [tilespmem:v1+s9+$0x0], $0xffff  }
0xcf: {  	v2 =	vld.idx.msk [tilespmem:v2+s9+$0x0], $0xffff  }
0xd0: {  	v5 =	vld.idx.msk [tilespmem:v5+s9+$0x0], $0xffff  }
0xd1: {  	v11 =	vld.idx.msk [tilespmem:v6+s9+$0x0], $0xffff  }
0xd2: {  	v13 =	vld.idx.msk [tilespmem:v8+s9+$0x0], $0xffff  }
0xd3: {  	v3 =	vld.idx.msk [tilespmem:v3+s9+$0x0], $0xffff  }
0xd4: {  	v4 =	vld.idx.msk [tilespmem:v4+s9+$0x0], $0xffff  }
0xd5: {  	v17 =	vld.idx.msk [tilespmem:v7+s9+$0x0], $0xffff;
	v6 =	vand.u32 $0xFFFF0000, v1;
	v18 =	vand.u32 $0xFFFF0000, v2;
	v7 =	vshll.u32 v1, $0x10  }
0xd6: {  	v12 =	vld [tilespmem:s14+$0xFFFFFFD0];
	v1 =	vshll.u32 v2, $0x10;
	v8 =	vand.u32 $0xFFFF0000, v5;
	v5 =	vshll.u32 v5, $0x10  }
0xd7: {  	v14 =	vld [tilespmem:s14+$0xFFFFFFE0];
	v2 =	vshll.u32 v11, $0x10;
	v22 =	vshll.u32 v13, $0x10;
	v16 =	vmul.f32 v6, v9  }
0xd8: {  	v10 =	vld [tilespmem:s14+$0xFFFFFFF0];
	v21 =	vmul.f32 v7, v9;
	v9 =	vand.u32 $0xFFFF0000, v3;
	v3 =	vshll.u32 v3, $0x10  }
0xd9: {  	s15 =	simm.s32 $0x1E820;
	v15 =	vld [tilespmem:s14+$0x0];
	v7 =	vand.u32 $0xFFFF0000, v4;
	v6 =	vand.u32 $0xFFFF0000, v11;
	v11 =	vand.u32 $0xFFFF0000, v13  }
0xda: {  	s16 =	simm.s32 $0x1F020;
	s17 =	simm.s32 $0x0;
	v4 =	vshll.u32 v4, $0x10;
	v13 =	vand.u32 $0xFFFF0000, v17;
	v19 =	vmul.f32 v11, v20;
	[tilespmem:s15+$0x30] =	vst v16;
	v16 =	vld [tilespmem:s14+$0x10]  }
0xdb: {  	s18 =	simm.s32 $0x1C0A0;
	s12 =	simm.s32 $0x1C760;
	s13 =	simm.s32 $0x1E760;
	v18 =	vmul.f32 v18, v12;
	v11 =	vshll.u32 v17, $0x10;
	v20 =	vmul.f32 v22, v20;
	v17 =	vld [tilespmem:s14+$0x20];
	[tilespmem:s16+$0x30] =	vst v21  }
.LBB2_9:
0xdc: {  	v21 =	vld [tilespmem:s18+$0x30];
	[tilespmem:s15+$0xFFFFFFC0] =	vst v19;
	v1 =	vmul.f32 v1, v12;
	v9 =	vmul.f32 v9, v14  }
0xdd: {  	s17 =	sadd.s32 $0x80, s17;
	v3 =	vmul.f32 v3, v14;
	v12 =	vld [tilespmem:s18+$0xFFFFFFD0];
	[tilespmem:s16+$0xFFFFFFC0] =	vst v20;
	v7 =	vmul.f32 v7, v10  }
0xde: {  	p0 =	slt.u32 s17, $0x700;
	v4 =	vmul.f32 v4, v10;
	v14 =	vld [tilespmem:s18+$0xFFFFFFE0];
	[tilespmem:s15+$0xFFFFFFD0] =	vst v18;
	v8 =	vmul.f32 v8, v15  }
0xdf: {  	v10 =	vld [tilespmem:s18+$0xFFFFFFF0];
	[tilespmem:s16+$0xFFFFFFD0] =	vst v1;
	v1 =	vmul.f32 v5, v15;
	v5 =	vmul.f32 v6, v16  }
0xe0: {  	v2 =	vmul.f32 v2, v16;
	v6 =	vld [tilespmem:s18+$0x0];
	[tilespmem:s15+$0xFFFFFFE0] =	vst v9;
	v9 =	vmul.f32 v13, v17  }
0xe1: {  	v13 =	vld [tilespmem:s18+$0x10];
	[tilespmem:s16+$0xFFFFFFE0] =	vst v3;
	v3 =	vmul.f32 v11, v17  }
0xe2: {  	v11 =	vld [tilespmem:s18+$0x20];
	[tilespmem:s15+$0xFFFFFFF0] =	vst v7  }
0xe3: {  	v7 =	vld [tilespmem:s18+$0xFFFFFFC0];
	[tilespmem:s16+$0xFFFFFFF0] =	vst v4  }
0xe4: {  	v4 =	vld.idx.msk [tilespmem:v21+s9+$0x0], $0xffff;
	[tilespmem:s15+$0x0] =	vst v8  }
0xe5: {  	s14 =	sadd.s32 $0x80, s14;
	v8 =	vld.idx.msk [tilespmem:v12+s9+$0x0], $0xffff;
	[tilespmem:s16+$0x0] =	vst v1  }
0xe6: {  	v12 =	vld [tilespmem:s14+$0x30];
	[tilespmem:s15+$0x10] =	vst v5  }
0xe7: {  	v5 =	vld.idx.msk [tilespmem:v14+s9+$0x0], $0xffff;
	[tilespmem:s16+$0x10] =	vst v2  }
0xe8: {  	v2 =	vld.idx.msk [tilespmem:v10+s9+$0x0], $0xffff;
	[tilespmem:s15+$0x20] =	vst v9  }
0xe9: {  	v6 =	vld.idx.msk [tilespmem:v6+s9+$0x0], $0xffff;
	[tilespmem:s16+$0x20] =	vst v3  }
0xea: {  	v1 =	vand.u32 $0xFFFF0000, v4;
	v13 =	vld.idx.msk [tilespmem:v13+s9+$0x0], $0xffff  }
0xeb: {  	v3 =	vshll.u32 v4, $0x10;
	v17 =	vand.u32 $0xFFFF0000, v8;
	v15 =	vld.idx.msk [tilespmem:v7+s9+$0x0], $0xffff;
	v4 =	vmul.f32 v1, v12  }
0xec: {  	s15 =	sadd.s32 $0x80, s15;
	v1 =	vshll.u32 v8, $0x10;
	v8 =	vmul.f32 v3, v12;
	v11 =	vld.idx.msk [tilespmem:v11+s9+$0x0], $0xffff  }
0xed: {  	s10 =	simm.s32 $0x1EF60;
	s16 =	sadd.s32 $0x80, s16;
	v9 =	vand.u32 $0xFFFF0000, v5;
	v3 =	vshll.u32 v5, $0x10;
	v18 =	vld [tilespmem:s14+$0xFFFFFFC0];
	[tilespmem:s15+$0x30] =	vst v4  }
0xee: {  	s19 =	simm.s32 $0x770;
	s29 =	simm.s32 $0x1F760;
	v7 =	vand.u32 $0xFFFF0000, v2;
	v4 =	vshll.u32 v2, $0x10;
	v12 =	vld [tilespmem:s14+$0xFFFFFFD0];
	[tilespmem:s16+$0x30] =	vst v8  }
.Ltmp3:
0xef: {  	v8 =	vand.u32 $0xFFFF0000, v6;
	v5 =	vshll.u32 v6, $0x10;
	v14 =	vld [tilespmem:s14+$0xFFFFFFE0];
	(pc) =	sbr.rel @p0 .LBB2_9-.Ltmp3, $4  }
0xf0: {  	v6 =	vand.u32 $0xFFFF0000, v13;
	v2 =	vshll.u32 v13, $0x10;
	v10 =	vld [tilespmem:s14+$0xFFFFFFF0]  }
0xf1: {  	v13 =	vand.u32 $0xFFFF0000, v15;
	v20 =	vshll.u32 v15, $0x10;
	v15 =	vld [tilespmem:s14+$0x0]  }
0xf2: {  	v19 =	vmul.f32 v13, v18;
	v16 =	vld [tilespmem:s14+$0x10];
	v13 =	vand.u32 $0xFFFF0000, v11;
	v11 =	vshll.u32 v11, $0x10  }
0xf3: {  	s18 =	sadd.s32 $0x80, s18;
	v20 =	vmul.f32 v20, v18;
	v18 =	vmul.f32 v17, v12;
	v17 =	vld [tilespmem:s14+$0x20]  }
0xf4: {  	[tilespmem:s15+$0xFFFFFFC0] =	vst v19  }
0xf5: {  	v1 =	vmul.f32 v1, v12;
	[tilespmem:s16+$0xFFFFFFC0] =	vst v20  }
0xf6: {  	v9 =	vmul.f32 v9, v14;
	[tilespmem:s15+$0xFFFFFFD0] =	vst v18  }
0xf7: {  	v3 =	vmul.f32 v3, v14;
	[tilespmem:s16+$0xFFFFFFD0] =	vst v1  }
0xf8: {  	v1 =	vmul.f32 v7, v10;
	[tilespmem:s15+$0xFFFFFFE0] =	vst v9  }
0xf9: {  	v4 =	vmul.f32 v4, v10;
	[tilespmem:s16+$0xFFFFFFE0] =	vst v3  }
0xfa: {  	v3 =	vmul.f32 v8, v15;
	[tilespmem:s15+$0xFFFFFFF0] =	vst v1  }
0xfb: {  	v63 =	vmul.f32 v6, v16;
	[tilespmem:s16+$0xFFFFFFF0] =	vst v4  }
0xfc: {  	v1 =	vmul.f32 v5, v15;
	[tilespmem:s15+$0x0] =	vst v3  }
0xfd: {  	v2 =	vmul.f32 v2, v16;
	[tilespmem:s15+$0x10] =	vst v63  }
0xfe: {  	[tilespmem:s16+$0x0] =	vst v1;
	v1 =	vmul.f32 v13, v17  }
0xff: {  	v3 =	vmul.f32 v11, v17;
	[tilespmem:s16+$0x10] =	vst v2  }
0x100: {  	[tilespmem:s15+$0x20] =	vst v1  }
0x101: {  	[tilespmem:s16+$0x20] =	vst v3  }
.LBB2_11:
0x102: {  	v1 =	vld [tilespmem:s12+$0x0];
	_ =	sdelay $0x7  }
0x103: {  	v1 =	vld.idx.msk [tilespmem:v1+s9+$0x0], $0xffff  }
0x104: {  	v2 =	vld [tilespmem:s13+$0x0];
	_ =	sdelay $0x1  }
0x105: {  	s19 =	sadd.s32 $0x10, s19  }
0x106: {  	p0 =	slt.u32 s19, $0x7C0  }
.Ltmp4:
0x107: {  	v3 =	vand.u32 $0xFFFF0000, v1;
	(pc) =	sbr.rel @p0 .LBB2_11-.Ltmp4, $4  }
0x108: {  	v1 =	vshll.u32 v1, $0x10;
	v3 =	vmul.f32 v3, v2  }
0x109: {  	v1 =	vmul.f32 v1, v2  }
0x10a: {  	s13 =	sadd.s32 $0x10, s13;
	[tilespmem:s10+$0x0] =	vst v3  }
0x10b: {  	s12 =	sadd.s32 $0x10, s12;
	s10 =	sadd.s32 $0x10, s10;
	[tilespmem:s29+$0x0] =	vst v1;
	s29 =	sadd.s32 $0x10, s29  }
0x10c: {  	[spmem:s3] =	stream.indirect.scatter.add.f32 [tilespmem:s0], [sflag:$0x3], $0x1, s11, s24, $0xb8;
	[tilespmem:$0x1F7E0] =	vst v63  }
0x10d: {  	s30 =	sadd.s32 $0x1, s30  }
0x10e: {  	p0 =	sne.s32 s30, $0x19  }
.Ltmp5:
0x10f: {  	_ = 	snop;
	(pc) =	sbr.rel @p0 .LBB2_4-.Ltmp5, $4  }
0x110: {  	[spmem:s5] =	stream.indirect.scatter.add.f32 [tilespmem:s25], [sflag:$0x4], $0x1, s11, s24, $0xb8;
	[tilespmem:$0x1F7E0] =	vst v63  }
0x111: {  	_ =	swait.ge [sflag:s2], $0x7D0  }
0x112: {  	[sflag:s2] =	ssyncset.done $0x0  }
0x113: {  	[sflag:s2] =	ssyncadd.s32 $0xFFFFF830  }
0x114: {  	_ =	swait.ge [sflag:s26], $0x7D0  }
0x115: {  	[sflag:s26] =	ssyncset.done $0x0  }
0x116: {  	[sflag:s26] =	ssyncadd.s32 $0xFFFFF830  }
0x117: {  	[bflag:$0x0] =	sbarrier.arrive $0xFFFF  }
0x118: {  	s13 =	rddreg [dreg:$0x9]  }
0x119: {  	[tilespmem:s0], [sflag:$0x4] =	stream.linear.gather [spmem:s13], $0x7D0, $0x38;
	[tilespmem:$0x1F7E0] =	vst v63  }
0x11a: {  	_ =	swait.ge [sflag:s2], $0x7D0  }
0x11b: {  	[sflag:s2] =	ssyncset.done $0x0  }
0x11c: {  	s10 =	rddreg [dreg:$0x11];
	[sflag:s2] =	ssyncadd.s32 $0xFFFFF830  }
0x11d: {  	[hbm4b:s10+s6] =	stream.linear.scatter [tilespmem:s0], [sflag:$0x4], $0x7D0, $0x38;
	[tilespmem:$0x1F7E0] =	vst v63  }
0x11e: {  	_ =	swait.ge [sflag:s2], $0x7D0  }
0x11f: {  	[sflag:s2] =	ssyncset.done $0x0  }
0x120: {  	s14 =	rddreg [dreg:$0xa];
	[sflag:s2] =	ssyncadd.s32 $0xFFFFF830  }
0x121: {  	[tilespmem:s0], [sflag:$0x4] =	stream.linear.gather [spmem:s14], $0x7D0, $0x38;
	[tilespmem:$0x1F7E0] =	vst v63  }
0x122: {  	_ =	swait.ge [sflag:s2], $0x7D0  }
0x123: {  	[sflag:s2] =	ssyncset.done $0x0  }
0x124: {  	s17 =	rddreg [dreg:$0x12];
	[sflag:s2] =	ssyncadd.s32 $0xFFFFF830  }
0x125: {  	[hbm4b:s17+s6] =	stream.linear.scatter [tilespmem:s0], [sflag:$0x4], $0x7D0, $0x38;
	[tilespmem:$0x1F7E0] =	vst v63  }
0x126: {  	_ =	swait.ge [sflag:s2], $0x7D0  }
0x127: {  	[sflag:s2] =	ssyncset.done $0x0  }
0x128: {  	s15 =	rddreg [dreg:$0xb];
	[sflag:s2] =	ssyncadd.s32 $0xFFFFF830  }
0x129: {  	[tilespmem:s0], [sflag:$0x4] =	stream.linear.gather [spmem:s15], $0x7D0, $0x38;
	[tilespmem:$0x1F7E0] =	vst v63  }
0x12a: {  	_ =	swait.ge [sflag:s2], $0x7D0  }
0x12b: {  	[sflag:s2] =	ssyncset.done $0x0  }
0x12c: {  	s18 =	rddreg [dreg:$0x13];
	[sflag:s2] =	ssyncadd.s32 $0xFFFFF830  }
0x12d: {  	[hbm4b:s18+s6] =	stream.linear.scatter [tilespmem:s0], [sflag:$0x4], $0x7D0, $0x38;
	[tilespmem:$0x1F7E0] =	vst v63  }
0x12e: {  	_ =	swait.ge [sflag:s2], $0x7D0  }
0x12f: {  	[sflag:s2] =	ssyncset.done $0x0  }
0x130: {  	s16 =	rddreg [dreg:$0xc];
	[sflag:s2] =	ssyncadd.s32 $0xFFFFF830  }
0x131: {  	[tilespmem:s0], [sflag:$0x4] =	stream.linear.gather [spmem:s16], $0x100, $0x38;
	[tilespmem:$0x1F7E0] =	vst v63  }
0x132: {  	_ =	swait.ge [sflag:s2], $0x100  }
0x133: {  	[sflag:s2] =	ssyncset.done $0x0  }
0x134: {  	s19 =	rddreg [dreg:$0x14];
	[sflag:s2] =	ssyncadd.s32 $0xFFFFFF00  }
0x135: {  	[hbm4b:s19+s6] =	stream.linear.scatter [tilespmem:s0], [sflag:$0x4], $0x100, $0x38;
	[tilespmem:$0x1F7E0] =	vst v63  }
0x136: {  	_ =	swait.ge [sflag:s2], $0x100  }
0x137: {  	[sflag:s2] =	ssyncset.done $0x0  }
0x138: {  	s17 =	rddreg [dreg:$0xd];
	[sflag:s2] =	ssyncadd.s32 $0xFFFFFF00  }
0x139: {  	[tilespmem:s0], [sflag:$0x4] =	stream.linear.gather [spmem:s17], $0x7D0, $0x38;
	[tilespmem:$0x1F7E0] =	vst v63  }
0x13a: {  	_ =	swait.ge [sflag:s2], $0x7D0  }
0x13b: {  	[sflag:s2] =	ssyncset.done $0x0  }
0x13c: {  	s30 =	rddreg [dreg:$0x15];
	[sflag:s2] =	ssyncadd.s32 $0xFFFFF830  }
0x13d: {  	[hbm4b:s30+s6] =	stream.linear.scatter [tilespmem:s0], [sflag:$0x4], $0x7D0, $0x38;
	[tilespmem:$0x1F7E0] =	vst v63  }
0x13e: {  	_ =	swait.ge [sflag:s2], $0x7D0  }
0x13f: {  	[sflag:s2] =	ssyncset.done $0x0  }
0x140: {  	s18 =	rddreg [dreg:$0xe];
	[sflag:s2] =	ssyncadd.s32 $0xFFFFF830  }
0x141: {  	[tilespmem:s0], [sflag:$0x4] =	stream.linear.gather [spmem:s18], $0x7D0, $0x38;
	[tilespmem:$0x1F7E0] =	vst v63  }
0x142: {  	_ =	swait.ge [sflag:s2], $0x7D0  }
0x143: {  	[sflag:s2] =	ssyncset.done $0x0  }
0x144: {  	s31 =	rddreg [dreg:$0x16];
	[sflag:s2] =	ssyncadd.s32 $0xFFFFF830  }
0x145: {  	[hbm4b:s31+s6] =	stream.linear.scatter [tilespmem:s0], [sflag:$0x4], $0x7D0, $0x38;
	[tilespmem:$0x1F7E0] =	vst v63  }
0x146: {  	_ =	swait.ge [sflag:s2], $0x7D0  }
0x147: {  	[sflag:s2] =	ssyncset.done $0x0  }
0x148: {  	s19 =	rddreg [dreg:$0xf];
	[sflag:s2] =	ssyncadd.s32 $0xFFFFF830  }
0x149: {  	[tilespmem:s0], [sflag:$0x4] =	stream.linear.gather [spmem:s19], $0x7D0, $0x38;
	[tilespmem:$0x1F7E0] =	vst v63  }
0x14a: {  	_ =	swait.ge [sflag:s2], $0x7D0  }
0x14b: {  	[sflag:s2] =	ssyncset.done $0x0  }
0x14c: {  	s12 =	rddreg [dreg:$0x17];
	[sflag:s2] =	ssyncadd.s32 $0xFFFFF830  }
0x14d: {  	[hbm4b:s12+s6] =	stream.linear.scatter [tilespmem:s0], [sflag:$0x4], $0x7D0, $0x38;
	[tilespmem:$0x1F7E0] =	vst v63  }
0x14e: {  	_ =	swait.ge [sflag:s2], $0x7D0  }
0x14f: {  	[sflag:s2] =	ssyncset.done $0x0  }
0x150: {  	s29 =	rddreg [dreg:$0x10];
	[sflag:s2] =	ssyncadd.s32 $0xFFFFF830  }
0x151: {  	[tilespmem:s0], [sflag:$0x4] =	stream.linear.gather [spmem:s29], $0x100, $0x38;
	[tilespmem:$0x1F7E0] =	vst v63  }
0x152: {  	_ =	swait.ge [sflag:s2], $0x100  }
0x153: {  	[sflag:s2] =	ssyncset.done $0x0  }
0x154: {  	s30 =	rddreg [dreg:$0x18];
	[sflag:s2] =	ssyncadd.s32 $0xFFFFFF00  }
0x155: {  	[hbm4b:s30+s6] =	stream.linear.scatter [tilespmem:s0], [sflag:$0x4], $0x100, $0x38;
	[tilespmem:$0x1F7E0] =	vst v63  }
0x156: {  	_ =	swait.ge [sflag:s2], $0x100  }
0x157: {  	s12 =	rddreg [dreg:$0x1a]  }
0x158: {  	s31 =	rddreg [dreg:$0x19];
	s12 =	sadd.s32 $0x1, s12  }
0x159: {  	p0 =	sne.s32 s12, s31  }
.Ltmp6:
0x15a: {  	_ = 	snop;
	(pc) =	sbr.rel @p0 .LBB2_1-.Ltmp6, $3  }
0x15b: {  	_ =	sdelay $0x1  }
0x15c: {  	[sflag:s2] =	ssyncset.done $0x0  }
0x15d: {  	[sflag:s2] =	ssyncadd.s32 $0xFFFFFF00  }
0x15e: {  	_ =	sfence.sel $0x180000  }
0x15f: {  	[bflag:$0x0] =	sbarrier.arrive $0xFFFF  }
0x160: {  	_ =	strace $0x9000004D  }
0x161: {  	s0 =	stileid.u32;
	[bflag:$0x2] =	sbarrier.arrive $0xFFFF  }
0x162: {  	p0 =	sne.s32 s0, $0x0;
	s0 =	rddreg [dreg:$0x5]  }
0x163: {  	s0 =	sadd.s32 @!p0 $0x100000, s0  }
0x164: {  	[sflag:s0] =	ssyncadd.tile.s32 @!p0 $0x1;
	_ =	shalt  }
.Lfunc_end2:
_tile_overlayer_lowered:
.L_overlay_start_2:
0x165: {  	(tag) =	ssettag $0x2  }
0x166: {  	s0 =	rddreg [dreg:$0x0];
	s2 =	stileid.u32  }
0x167: {  	s1 =	rddreg [dreg:$0x1];
	p0 =	sne.s32 s2, $0x0  }
0x168: {  	s3 =	rddreg [dreg:$0x2];
	[bflag:$0x3] =	sbarrier.arrive $0xFFFF;
	s2 =	simm.s32 @!p0 $0x1C04  }
0x169: {  	[timem:s3], [sflag:s2] =	dma.local @!p0 [hbm:s0], s1  }
0x16a: {  	s0 =	simm.s32 @!p0 $0x4  }
0x16b: {  	_ =	swait.ge @!p0 [sflag:s0], s1  }
0x16c: {  	s1 =	ssub.s32 @!p0 $0x0, s1;
	[sflag:s0] =	ssyncset.done @!p0 $0x0  }
0x16d: {  	[sflag:s0] =	ssyncadd.s32 @!p0 s1  }
0x16e: {  	[bflag:$0x3] =	sbarrier.arrive $0xFFFF  }
0x16f: {  	_ =	shalt  }

// kernel: kernel.8.cloned.1.call-start
scs
__scs_entry_jumppad:
0x0: {  	(pc) =	sbr.rel $0x88, $3  }
0x1: {  	(tag) =	ssettag $0x0;
	lr =	simm.s32 $0x1  }
0x2: {  	[smem:$0x3F9A] =	sst lr;
	_ =	strace $0xD0000000  }
0x3: {  	_ = 	snop  }
0x4: {  	_ = 	snop  }
0x5: {  	_ = 	snop  }
0x6: {  	_ = 	snop  }
0x7: {  	_ = 	snop  }
__scs_overlays_trampoline_lowered:
0x8: {  	[smem:$0x3FA9] =	sst s0  }
0x9: {  	[smem:$0x3FAA] =	sst s1  }
0xa: {  	[smem:$0x3FAB] =	sst s2  }
0xb: {  	[smem:$0x3FAC] =	sst s3  }
0xc: {  	[smem:$0x3FAD] =	sst s4  }
0xd: {  	[smem:$0x3FAE] =	sst s5  }
0xe: {  	[smem:$0x3FAF] =	sst s6  }
0xf: {  	[smem:$0x3FB0] =	sst s7  }
0x10: {  	[smem:$0x3FB1] =	sst s8  }
0x11: {  	[smem:$0x3FB2] =	sst s9;
	s0 =	simm.s32 @!p0 $0x0  }
0x12: {  	s1 =	sld [smem:$0x3F98];
	s0 =	simm.s32 @p0 $0x1  }
0x13: {  	[smem:$0x3FB3] =	sst s0;
	s0 =	simm.s32 @!p1 $0x0  }
0x14: {  	s2 =	sld [smem:$0x3F97];
	s0 =	simm.s32 @p1 $0x1  }
0x15: {  	[smem:$0x3FB4] =	sst s0;
	s0 =	simm.s32 @!p2 $0x0  }
0x16: {  	s3 =	sld [smem:$0x3FDB];
	s0 =	simm.s32 @p2 $0x1  }
0x17: {  	s4 =	simm.s32 $0x1BF5;
	[smem:$0x3FB6] =	sst s0  }
0x18: {  	s0 =	sld [smem:$0x3F99];
	_ =	swait.ge [sflag:s4], $0x0  }
0x19: {  	s7 =	sld [smem:$0x3F9A]  }
0x1a: {  	s8 =	sadd.s32 $0xFFFFE003, lr  }
0x1b: {  	s9 =	sadd.s32 $0xFFFFFEF7, lr;
	s5 =	simm.s32 $0xFFFFFFFF;
	p2 =	slt.u32 s8, $0xFFFFF086  }
0x1c: {  	p1 =	slt.u32 s9, $0xF7A;
	s5 =	simm.s32 @!p2 $0x0  }
0x1d: {  	s5 =	simm.s32 @p1 $0x1;
	p0 =	seq.s32 s7, s2  }
0x1e: {  	s7 =	smul.u32 @!p0 $0xF7A, s2;
	p2 =	seq.s32 @!p0 s5, $0x0  }
0x1f: {  	s9 =	smul.u32 $0xF7A, s1;
	s8 =	simm.s32 @!p0 $0x1BF5;
	p2 =	por !p2, p0  }
0x20: {  	[sflag:s8] =	ssyncset.s32 @!p0 $0xFFFFF086;
	s6 =	sadd.s32 @!p0 s3, s7;
	s7 =	simm.s32 @!p0 $0x108  }
0x21: {  	s3 =	sadd.s32 s3, s9;
	s6 =	sadd.s32 @!p0 $0x88, s6;
	s7 =	simm.s32 @p2 $0x1082  }
0x22: {  	[simem:s7], [sflag:s8] =	dma.local @!p0 [hbm:s6], $0xF7A  }
0x23: {  	s9 =	sor.u32 $0xD0000000, s2;
	s6 =	simm.s32 $0x108;
	_ =	swait.ge @!p0 [sflag:s8], $0x0  }
0x24: {  	s3 =	sadd.s32 $0x88, s3;
	s6 =	simm.s32 @!p1 $0x1082;
	[sflag:s4] =	ssyncset.s32 $0xFFFFF086  }
0x25: {  	[simem:s6], [sflag:s4] =	dma.local [hbm:s3], $0xF7A  }
0x26: {  	[smem:$0x3F9A] =	sst s1;
	(tag) =	ssettag s2;
	_ =	strace s9  }
0x27: {  	s1 =	sld [smem:$0x3FAA]  }
0x28: {  	s2 =	sld [smem:$0x3FAB]  }
0x29: {  	s4 =	sld [smem:$0x3FAD]  }
0x2a: {  	p0 =	seq.s32 s5, $0x0;
	s5 =	sld [smem:$0x3FAE]  }
0x2b: {  	s6 =	sld [smem:$0x3FAF]  }
0x2c: {  	s7 =	sld [smem:$0x3FB0]  }
0x2d: {  	s3 =	simm.s32 $0x108;
	s8 =	sld [smem:$0x3FB1]  }
0x2e: {  	s3 =	simm.s32 @!p0 $0x1082;
	s9 =	sld [smem:$0x3FB2]  }
0x2f: {  	lr =	sadd.s32 s0, s3;
	s0 =	sld [smem:$0x3FA9]  }
0x30: {  	s3 =	sld [smem:$0x3FAC]  }
0x31: {  	[smem:$0x3FB5] =	sst s10  }
0x32: {  	s10 =	sld [smem:$0x3FB3];
	_ =	sdelay $0x3  }
0x33: {  	p0 =	seq.s32 s10, $0x1;
	s10 =	sld [smem:$0x3FB5];
	_ =	sdelay $0x3  }
0x34: {  	[smem:$0x3FB5] =	sst s10  }
0x35: {  	s10 =	sld [smem:$0x3FB4];
	_ =	sdelay $0x3  }
0x36: {  	p1 =	seq.s32 s10, $0x1;
	s10 =	sld [smem:$0x3FB5];
	_ =	sdelay $0x3  }
0x37: {  	[smem:$0x3FB5] =	sst s10  }
0x38: {  	s10 =	sld [smem:$0x3FB6]  }
0x39: {  	_ = 	snop;
	(pc) =	sbr.ind lr, $3  }
0x3a: {  	_ = 	snop  }
0x3b: {  	_ = 	snop  }
0x3c: {  	p2 =	seq.s32 s10, $0x1;
	s10 =	sld [smem:$0x3FB5]  }
0x3d: {  	_ =	shalt  }
0x3e: {  	_ =	shalt  }
0x3f: {  	_ =	shalt  }
0x40: {  	_ =	shalt  }
0x41: {  	_ =	shalt  }
0x42: {  	_ =	shalt  }
0x43: {  	_ =	shalt  }
0x44: {  	_ =	shalt  }
0x45: {  	_ =	shalt  }
0x46: {  	_ =	shalt  }
0x47: {  	_ =	shalt  }
0x48: {  	_ =	shalt  }
0x49: {  	_ =	shalt  }
0x4a: {  	_ =	shalt  }
0x4b: {  	_ =	shalt  }
0x4c: {  	_ =	shalt  }
0x4d: {  	_ =	shalt  }
0x4e: {  	_ =	shalt  }
0x4f: {  	_ =	shalt  }
0x50: {  	_ =	shalt  }
0x51: {  	_ =	shalt  }
0x52: {  	_ =	shalt  }
0x53: {  	_ =	shalt  }
0x54: {  	_ =	shalt  }
0x55: {  	_ =	shalt  }
0x56: {  	_ =	shalt  }
0x57: {  	_ =	shalt  }
0x58: {  	_ =	shalt  }
0x59: {  	_ =	shalt  }
0x5a: {  	_ =	shalt  }
0x5b: {  	_ =	shalt  }
0x5c: {  	_ =	shalt  }
0x5d: {  	_ =	shalt  }
0x5e: {  	_ =	shalt  }
0x5f: {  	_ =	shalt  }
0x60: {  	_ =	shalt  }
0x61: {  	_ =	shalt  }
0x62: {  	_ =	shalt  }
0x63: {  	_ =	shalt  }
0x64: {  	_ =	shalt  }
0x65: {  	_ =	shalt  }
0x66: {  	_ =	shalt  }
0x67: {  	_ =	shalt  }
0x68: {  	_ =	shalt  }
0x69: {  	_ =	shalt  }
0x6a: {  	_ =	shalt  }
0x6b: {  	_ =	shalt  }
0x6c: {  	_ =	shalt  }
0x6d: {  	_ =	shalt  }
0x6e: {  	_ =	shalt  }
0x6f: {  	_ =	shalt  }
0x70: {  	_ =	shalt  }
0x71: {  	_ =	shalt  }
0x72: {  	_ =	shalt  }
0x73: {  	_ =	shalt  }
0x74: {  	_ =	shalt  }
0x75: {  	_ =	shalt  }
0x76: {  	_ =	shalt  }
0x77: {  	_ =	shalt  }
0x78: {  	_ =	shalt  }
0x79: {  	_ =	shalt  }
0x7a: {  	_ =	shalt  }
0x7b: {  	_ =	shalt  }
0x7c: {  	_ =	shalt  }
0x7d: {  	_ =	shalt  }
0x7e: {  	_ =	shalt  }
0x7f: {  	_ =	shalt  }
0x80: {  	_ =	shalt  }
0x81: {  	_ =	shalt  }
0x82: {  	_ =	shalt  }
0x83: {  	_ =	shalt  }
0x84: {  	_ =	shalt  }
0x85: {  	_ =	shalt  }
0x86: {  	_ =	shalt  }
0x87: {  	_ =	shalt  }
.Lfunc_end0:
.L_simem_size_0:
called_computation_lowered:
.L_overlay_start_0:
0x88: {  	s2 =	sld [smem:$0x3FD9]  }
0x89: {  	s3 =	sld [smem:$0x3FFE];
	_ =	sdelay $0x1  }
0x8a: {  	s1 =	srdreg.scid  }
0x8b: {  	s0 =	sand.u32 $0x1, s1  }
0x8c: {  	s17 =	sshll.u32 s0, $0xA;
	s2 =	sadd.s32 s3, s2  }
0x8d: {  	s2 =	sadd.s32 s2, s17  }
0x8e: {  	[smem:$0x3FC1] =	sst s2  }
0x8f: {  	_ = 	snop  }
0x90: {  	s2 =	sld [smem:$0x3FC7];
	(tm) =	ssettm $0x1  }
0x91: {  	s18 =	sld [smem:$0x3FFB];
	_ =	sdelay $0x3  }
0x92: {  	_ =	strace s18  }
0x93: {  	s3 =	sld [smem:$0x3FFC];
	_ =	sdelay $0x3  }
0x94: {  	_ =	strace s3  }
0x95: {  	s3 =	sld [smem:$0x3FFD];
	_ =	sdelay $0x3  }
0x96: {  	_ =	strace s3  }
0x97: {  	_ =	strace $0x8FFFFFFF  }
0x98: {  	s19 =	sld [smem:$0x3FDB];
	_ =	sdelay $0x1  }
0x99: {  	s4 =	simm.s32 $_scs_section_size  }
0x9a: {  	s5 =	simm.s32 $_size__tile_overlayer_lowered;
	s6 =	simm.s32 $_tile_overlayer_lowered  }
0x9b: {  	s22 =	simm.s32 $0x1BFF;
	s21 =	sshll.u32 s6, $0x1;
	s3 =	sadd.s32 s4, s19  }
0x9c: {  	s7 =	simm.s32 $0x0;
	s20 =	sshll.u32 s5, $0x1;
	s5 =	sadd.s32 s21, s3  }
0x9d: {  	[timem:s7], [sflag:s22] =	dma.local [hbm:s5], s20  }
0x9e: {  	_ =	swait.ge [sflag:s22], s20  }
0x9f: {  	s4 =	ssub.s32 $0x0, s20;
	[sflag:s22] =	ssyncset.done $0x0  }
0xa0: {  	[sflag:s22] =	ssyncadd.s32 s4;
	_ =	sdelay $0x1  }
0xa1: {  	s23 =	simm.s32 $0x1B8B  }
0xa2: {  	_ =	swait.ge [sflag:s23], $0x1  }
0xa3: {  	[sflag:s23] =	ssyncset.done $0x0  }
0xa4: {  	s25 =	simm.s32 $0x1B8E;
	s24 =	sld [smem:$0x3FFE];
	[sflag:s23] =	ssyncadd.s32 $0xFFFFFFFF  }
0xa5: {  	s26 =	simm.s32 $execute0_lowered;
	[smem:$0x3FD2] =	sst s25  }
0xa6: {  	s5 =	sshll.u32 s26, $0x1;
	_ =	strace $0x80000046;
	[dreg:$0x1] =	wrdreg $0xFFFFFFFF  }
0xa7: {  	s28 =	simm.s32 $_size_execute0_lowered;
	s3 =	sadd.s32 s3, s5;
	[dreg:$0x0] =	wrdreg $0x0  }
0xa8: {  	s5 =	sshll.u32 s28, $0x1;
	[dreg:$0x2] =	wrdreg s3  }
0xa9: {  	[dreg:$0x3] =	wrdreg s5  }
0xaa: {  	[dreg:$0x4] =	wrdreg $0xC0  }
0xab: {  	_ =	task [dreg:s7], $0x5FFFF  }
0xac: {  	[dreg:$0x1] =	wrdreg $0xFFFFFFFF  }
0xad: {  	[dreg:$0x0] =	wrdreg $0x60  }
0xae: {  	[dreg:$0x2] =	wrdreg s24  }
0xaf: {  	[dreg:$0x3] =	wrdreg s2  }
0xb0: {  	[dreg:$0x4] =	wrdreg $0x0  }
0xb1: {  	[dreg:$0x5] =	wrdreg $0x9  }
0xb2: {  	_ =	task.clear_ibuf [dreg:s7], $0x6FFFF;
	_ =	strace $0x90000046  }
0xb3: {  	s29 =	simm.s32 $0x9;
	_ =	strace $0x80000048  }
0xb4: {  	_ =	swait.ge [sflag:s29], $0x1  }
0xb5: {  	[sflag:s29] =	ssyncadd.s32 $0xFFFFFFFF  }
0xb6: {  	_ =	strace $0x90000048  }
0xb7: {  	_ =	sfence  }
0xb8: {  	s30 =	sld [smem:$0x0];
	_ =	sdelay $0x2  }
0xb9: {  	s31 =	sshll.u32 s1, $0xD;
	s1 =	sshrl.u32 s1, $0x2  }
0xba: {  	s3 =	sand.u32 $0x4000, s31;
	s1 =	sadd.s32 s1, s30  }
0xbb: {  	s0 =	sor.u32 s3, s0;
	s1 =	sshll.u32 s1, $0x11  }
0xbc: {  	s0 =	sor.u32 s1, s0  }
0xbd: {  	s0 =	sadd.s32 $0x8F2B, s0  }
0xbe: {  	[sflag:s0] =	ssyncadd.remote.s32 $0x1  }
0xbf: {  	_ =	sfence.sel $0xFFFF  }
0xc0: {  	[dreg:$0x0] =	wrdreg $0xFFFFFFFF;
	(pc) =	sbr.abs _section_cstart, $3  }
0xc1: {  	[dreg:$0x1] =	wrdreg $0xFFFFFFFF  }
0xc2: {  	_ =	task.clear_ibuf [dreg:s7], $0x2FFFF;
	_ =	strace $0x9FFFFFFF  }
0xc3: {  	(tm) =	ssettm $0x7FFFFFFF  }
tec
execute0_lowered:
.L_overlay_start_1:
0x0: {  	(tag) =	ssettag $0x1  }
0x1: {  	s4 =	rddreg [dreg:$0x0]  }
0x2: {  	s14 =	rddreg [dreg:$0x1];
	s1 =	srdreg.scid  }
0x3: {  	s0 =	stileid.u32;
	s2 =	rddreg [dreg:$0x2];
	s3 =	simm.s32 $0x0  }
0x4: {  	s16 =	simm.s32 $0x5;
	s17 =	simm.s32 $0x30F0;
	s18 =	simm.s32 $0xF4F0  }
0x5: {  	s19 =	simm.s32 $0x92F0;
	s20 =	simm.s32 $0x156F0;
	s21 =	simm.s32 $0x1  }
0x6: {  	s22 =	simm.s32 $0x61A8;
	s23 =	simm.s32 $0x3;
	s24 =	simm.s32 $0x2  }
0x7: {  	s25 =	simm.s32 $0x4;
	s26 =	simm.s32 $0x0;
	s5 =	sand.u32 $0x1, s1  }
0x8: {  	s6 =	smul.u32 $0x1870, s0;
	s1 =	rddreg [dreg:$0x3];
	s8 =	sshll.u32 s0, $0x1  }
0x9: {  	[smem:$0x7FF] =	sst s3;
	s7 =	smul.u32 $0x18700, s5;
	s8 =	sor.u32 s5, s8  }
0xa: {  	s13 =	sadd.s32 $0x2400, s4;
	s5 =	ssub.s32 $0x2, s5;
	s10 =	smul.u32 $0x186A0, s8  }
0xb: {  	_ =	strace $0x80000047;
	s29 =	sshrl.u32 s5, $0x1;
	s7 =	sadd.s32 s6, s7  }
0xc: {  	s11 =	ssub.s32 s5, s29;
	s7 =	sshrl.u32 s7, $0x3;
	s30 =	sshrl.u32 s10, $0x3  }
0xd: {  	s12 =	sadd.s32 $0x61A8, s10;
	s15 =	sadd.s32 $0x124F8, s10;
	s10 =	smax.u32 s11, $0x1  }
0xe: {  	s9 =	sadd.s32 s7, s4;
	s4 =	sadd.s32 s6, s2;
	s5 =	sadd.s32 s13, s30  }
0xf: {  	s6 =	sadd.s32 s14, s30;
	s31 =	sadd.s32 $0x186A, s30;
	s12 =	sshrl.u32 s12, $0x3  }
0x10: {  	s15 =	sshrl.u32 s15, $0x3;
	s7 =	sadd.s32 s13, s31;
	s8 =	sadd.s32 s14, s31  }
0x11: {  	s9 =	sadd.s32 $0xC5C00, s9;
	s11 =	sadd.s32 s13, s12;
	s12 =	sadd.s32 s14, s12  }
0x12: {  	v0 =	vimm.f32 $0.0e+00;
	s13 =	sadd.s32 s13, s15;
	s14 =	sadd.s32 s14, s15;
	s15 =	simm.s32 $0x1870  }
.LBB2_1:
0x13: {  	s28 =	simm.s32 $0x40;
	s29 =	simm.s32 $0x0  }
.LBB2_2:
0x14: {  	p0 =	sne.s32 s28, $0x6180;
	[tilespmem:s29+$0x1870] =	vst v0;
	s29 =	smov.u32 s28;
	s28 =	sadd.s32 $0x40, s28  }
.Ltmp0:
0x15: {  	(pc) =	sbr.rel @p0 .LBB2_2-.Ltmp0, $2  }
0x16: {  	_ =	sdelay $0x2  }
0x17: {  	s29 =	sshra.s32 s29, $0x2  }
0x18: {  	[tilespmem:s29+$0x1870] =	vst v0  }
0x19: {  	[spmem:s4] =	stream.linear.scatter [tilespmem:s15], [sflag:$0x5], $0x1870, $0x38;
	[tilespmem:$0x1B8F0] =	vst v63  }
0x1a: {  	_ =	swait.ge [sflag:s16], $0x1870  }
0x1b: {  	[sflag:s16] =	ssyncset.done $0x0  }
0x1c: {  	[sflag:s16] =	ssyncadd.s32 $0xFFFFE790  }
0x1d: {  	[bflag:$0x0] =	sbarrier.arrive $0xFFFF  }
0x1e: {  	[tilespmem:s17], [sflag:$0x1] =	stream.linear.gather [hbm4b:s5+s3], $0x61A8, $0x38;
	[tilespmem:$0x1B8F0] =	vst v63  }
0x1f: {  	_ = 	snop  }
0x20: {  	[tilespmem:s18], [sflag:$0x1] =	stream.linear.gather [hbm4b:s6+s3], $0x61A8, $0x38;
	[tilespmem:$0x1B8F0] =	vst v63  }
0x21: {  	_ = 	snop  }
0x22: {  	[tilespmem:s19], [sflag:$0x2] =	stream.linear.gather [hbm4b:s11+s3], $0x61A8, $0x38;
	[tilespmem:$0x1B8F0] =	vst v63  }
0x23: {  	_ = 	snop  }
0x24: {  	[tilespmem:s20], [sflag:$0x2] =	stream.linear.gather [hbm4b:s12+s3], $0x61A8, $0x38;
	[tilespmem:$0x1B8F0] =	vst v63  }
0x25: {  	_ =	swait.ge [sflag:s21], $0x61A8  }
0x26: {  	[sflag:s21] =	ssyncset.done $0x0  }
0x27: {  	[sflag:s21] =	ssyncadd.s32 $0xFFFF9E58  }
0x28: {  	_ =	swait.ge [sflag:s21], $0x61A8  }
0x29: {  	[sflag:s21] =	ssyncset.done $0x0  }
0x2a: {  	[sflag:s21] =	ssyncadd.s32 $0xFFFF9E58  }
0x2b: {  	[spmem:s2] =	stream.indirect.scatter.add.f32 [tilespmem:s18], [sflag:$0x3], $0x1, s17, s22, $0xb8;
	[tilespmem:$0x1B8F0] =	vst v63  }
0x2c: {  	_ =	swait.ge [sflag:s23], $0x61A8  }
0x2d: {  	[sflag:s23] =	ssyncset.done $0x0  }
0x2e: {  	[sflag:s23] =	ssyncadd.s32 $0xFFFF9E58  }
0x2f: {  	[tilespmem:s17], [sflag:$0x1] =	stream.linear.gather [hbm4b:s7+s3], $0x61A8, $0x38;
	[tilespmem:$0x1B8F0] =	vst v63  }
0x30: {  	_ = 	snop  }
0x31: {  	[tilespmem:s18], [sflag:$0x1] =	stream.linear.gather [hbm4b:s8+s3], $0x61A8, $0x38;
	[tilespmem:$0x1B8F0] =	vst v63  }
0x32: {  	_ =	swait.ge [sflag:s24], $0x61A8  }
0x33: {  	[sflag:s24] =	ssyncset.done $0x0  }
0x34: {  	[sflag:s24] =	ssyncadd.s32 $0xFFFF9E58  }
0x35: {  	_ =	swait.ge [sflag:s24], $0x61A8  }
0x36: {  	[sflag:s24] =	ssyncset.done $0x0  }
0x37: {  	[sflag:s24] =	ssyncadd.s32 $0xFFFF9E58  }
0x38: {  	[spmem:s2] =	stream.indirect.scatter.add.f32 [tilespmem:s20], [sflag:$0x4], $0x1, s19, s22, $0xb8;
	[tilespmem:$0x1B8F0] =	vst v63  }
0x39: {  	_ =	swait.ge [sflag:s25], $0x61A8  }
0x3a: {  	[sflag:s25] =	ssyncset.done $0x0  }
0x3b: {  	[sflag:s25] =	ssyncadd.s32 $0xFFFF9E58  }
0x3c: {  	[tilespmem:s19], [sflag:$0x2] =	stream.linear.gather [hbm4b:s13+s3], $0x61A8, $0x38;
	[tilespmem:$0x1B8F0] =	vst v63  }
0x3d: {  	_ = 	snop  }
0x3e: {  	[tilespmem:s20], [sflag:$0x2] =	stream.linear.gather [hbm4b:s14+s3], $0x61A8, $0x38;
	[tilespmem:$0x1B8F0] =	vst v63  }
0x3f: {  	_ =	swait.ge [sflag:s21], $0x61A8  }
0x40: {  	[sflag:s21] =	ssyncset.done $0x0  }
0x41: {  	[sflag:s21] =	ssyncadd.s32 $0xFFFF9E58  }
0x42: {  	_ =	swait.ge [sflag:s21], $0x61A8  }
0x43: {  	[sflag:s21] =	ssyncset.done $0x0  }
0x44: {  	[sflag:s21] =	ssyncadd.s32 $0xFFFF9E58  }
0x45: {  	[spmem:s2] =	stream.indirect.scatter.add.f32 [tilespmem:s18], [sflag:$0x3], $0x1, s17, s22, $0xb8;
	[tilespmem:$0x1B8F0] =	vst v63  }
0x46: {  	_ =	swait.ge [sflag:s23], $0x61A8  }
0x47: {  	[sflag:s23] =	ssyncset.done $0x0  }
0x48: {  	[sflag:s23] =	ssyncadd.s32 $0xFFFF9E58  }
0x49: {  	_ =	swait.ge [sflag:s24], $0x61A8  }
0x4a: {  	[sflag:s24] =	ssyncset.done $0x0  }
0x4b: {  	[sflag:s24] =	ssyncadd.s32 $0xFFFF9E58  }
0x4c: {  	_ =	swait.ge [sflag:s24], $0x61A8  }
0x4d: {  	[sflag:s24] =	ssyncset.done $0x0  }
0x4e: {  	[sflag:s24] =	ssyncadd.s32 $0xFFFF9E58  }
0x4f: {  	[spmem:s2] =	stream.indirect.scatter.add.f32 [tilespmem:s20], [sflag:$0x4], $0x1, s19, s22, $0xb8;
	[tilespmem:$0x1B8F0] =	vst v63  }
0x50: {  	_ =	swait.ge [sflag:s25], $0x61A8  }
0x51: {  	[sflag:s25] =	ssyncset.done $0x0  }
0x52: {  	[sflag:s25] =	ssyncadd.s32 $0xFFFF9E58  }
0x53: {  	[bflag:$0x0] =	sbarrier.arrive $0xFFFF  }
0x54: {  	[tilespmem:s15], [sflag:$0x5] =	stream.linear.gather [spmem:s4], $0x1870, $0x38;
	[tilespmem:$0x1B8F0] =	vst v63  }
0x55: {  	s26 =	sadd.s32 $0x1, s26;
	_ =	swait.ge [sflag:s16], $0x1870  }
0x56: {  	p0 =	sne.s32 s26, s10;
	[sflag:s16] =	ssyncset.done $0x0  }
.Ltmp1:
0x57: {  	[sflag:s16] =	ssyncadd.s32 $0xFFFFE790;
	(pc) =	sbr.rel @p0 .LBB2_1-.Ltmp1, $4  }
0x58: {  	[hbm4b:s9+s3] =	stream.linear.scatter [tilespmem:s15], [sflag:$0x5], $0x1870, $0x38;
	[tilespmem:$0x1B8F0] =	vst v63  }
0x59: {  	_ =	swait.ge [sflag:s16], $0x1870  }
0x5a: {  	[sflag:s16] =	ssyncset.done $0x0  }
0x5b: {  	[sflag:s16] =	ssyncadd.s32 $0xFFFFE790  }
0x5c: {  	_ =	sfence.sel $0x180000  }
0x5d: {  	[bflag:$0x0] =	sbarrier.arrive $0xFFFF  }
0x5e: {  	p0 =	sne.s32 s0, $0x0;
	_ =	strace $0x90000047  }
0x5f: {  	s0 =	sadd.s32 @!p0 $0x100000, s1;
	[bflag:$0x2] =	sbarrier.arrive $0xFFFF  }
0x60: {  	[sflag:s0] =	ssyncadd.tile.s32 @!p0 $0x1;
	_ =	shalt  }
.Lfunc_end2:
_tile_overlayer_lowered:
.L_overlay_start_2:
0x61: {  	(tag) =	ssettag $0x2  }
0x62: {  	s0 =	rddreg [dreg:$0x0];
	s2 =	stileid.u32  }
0x63: {  	s1 =	rddreg [dreg:$0x1];
	p0 =	sne.s32 s2, $0x0  }
0x64: {  	s3 =	rddreg [dreg:$0x2];
	[bflag:$0x3] =	sbarrier.arrive $0xFFFF;
	s2 =	simm.s32 @!p0 $0x1C05  }
0x65: {  	[timem:s3], [sflag:s2] =	dma.local @!p0 [hbm:s0], s1  }
0x66: {  	s0 =	simm.s32 @!p0 $0x5  }
0x67: {  	_ =	swait.ge @!p0 [sflag:s0], s1  }
0x68: {  	s1 =	ssub.s32 @!p0 $0x0, s1;
	[sflag:s0] =	ssyncset.done @!p0 $0x0  }
0x69: {  	[sflag:s0] =	ssyncadd.s32 @!p0 s1  }
0x6a: {  	[bflag:$0x3] =	sbarrier.arrive $0xFFFF  }
0x6b: {  	_ =	shalt  }

</sc_bundles>
